<compile_context>
chip_gen: v7x
topology: tpu7x:2x2x1
jax: 0.10.2.dev20260603
libtpu: 0.0.44.dev20260713+nightly
codegen_flags: <defaults>
</compile_context>

<pallas_src>
import functools

import jax
import jax.numpy as jnp
from jax import lax
from jax.experimental import pallas as pl
from jax.experimental.pallas import tpu as pltpu
from jax.experimental.pallas import tpu_sc as plsc

_N = 10000
_NP = 10240
_E = 320000
_D = 128
_G = 64
_NC = 2
_NS = 16
_NW = _NC * _NS
_C = 128
_ZR = 128
_EP = ((_E + _NW * _C - 1) // (_NW * _C)) * (_NW * _C)
_PER_W = _EP // _NW
_CHUNKS = _PER_W // _C
_RPS = _NP // _NS


def _sc_aggregate(table, ei2d, zeros_tile):
    mesh = plsc.VectorSubcoreMesh(core_axis_name="c", subcore_axis_name="s")

    def body(table_h, ei_h, zeros_h, agg_o, agg_sh, idx_v, rows_v):
        c = lax.axis_index("c")
        s = lax.axis_index("s")

        @pl.loop(0, _RPS // _ZR)
        def _(j):
            pltpu.sync_copy(zeros_h, agg_sh.at[pl.ds(s * _RPS + j * _ZR, _ZR)])

        plsc.subcore_barrier()

        base = (c * _NS + s) * 2 * _CHUNKS

        @pl.loop(0, _CHUNKS)
        def _(i):
            pltpu.sync_copy(ei_h.at[pl.ds(base + 2 * i, 2)], idx_v)
            pltpu.sync_copy(table_h.at[idx_v.at[0]], rows_v)
            pltpu.sync_copy(rows_v, agg_sh.at[idx_v.at[1]], add=True)

        plsc.subcore_barrier()
        pltpu.sync_copy(agg_sh.at[pl.ds(s * _RPS, _RPS)],
                        agg_o.at[c, pl.ds(s * _RPS, _RPS)])

    run = pl.kernel(
        body,
        out_type=[jax.ShapeDtypeStruct((_NC, _NP, _D), jnp.float32)],
        mesh=mesh,
        scratch_types=[
            pltpu.VMEM_SHARED((_NP, _D), jnp.float32),
            pltpu.VMEM((2, _C), jnp.int32),
            pltpu.VMEM((_C, _D), jnp.float32),
        ])
    (agg,) = run(table, ei2d, zeros_tile)
    return agg


def _sc_degree(ei2d, zeros_tile, ones_tile):
    mesh = plsc.VectorSubcoreMesh(core_axis_name="c", subcore_axis_name="s")

    def body(ei_h, zeros_h, ones_h, cnt_o, cnt_sh, idx_v, ones_v):
        c = lax.axis_index("c")
        s = lax.axis_index("s")

        @pl.loop(0, _RPS // _C)
        def _(j):
            pltpu.sync_copy(zeros_h, cnt_sh.at[pl.ds(s * _RPS + j * _C, _C)])

        pltpu.sync_copy(ones_h, ones_v)
        plsc.subcore_barrier()

        base = (c * _NS + s) * 2 * _CHUNKS

        @pl.loop(0, _CHUNKS)
        def _(i):
            pltpu.sync_copy(ei_h.at[pl.ds(base + 2 * i, 2)], idx_v)
            pltpu.sync_copy(ones_v, cnt_sh.at[idx_v.at[1]], add=True)

        plsc.subcore_barrier()
        pltpu.sync_copy(cnt_sh.at[pl.ds(s * _RPS, _RPS)],
                        cnt_o.at[c, pl.ds(s * _RPS, _RPS)])

    run = pl.kernel(
        body,
        out_type=[jax.ShapeDtypeStruct((_NC, _NP, _D), jnp.float32)],
        mesh=mesh,
        scratch_types=[
            pltpu.VMEM_SHARED((_NP, _D), jnp.float32),
            pltpu.VMEM((2, _C), jnp.int32),
            pltpu.VMEM((_C, _D), jnp.float32),
        ])
    (cnt,) = run(ei2d, zeros_tile, ones_tile)
    return cnt


def _tc_layer_body(h_ref, a0_ref, a1_ref, c0_ref, c1_ref, wl_ref, wr_ref,
                   b_ref, o_ref):
    cnt = c0_ref[:, 0:1] + c1_ref[:, 0:1]
    scale = 1.0 / jnp.maximum(cnt, 1.0)
    mean = (a0_ref[...] + a1_ref[...]) * scale
    acc = jnp.dot(mean, wl_ref[...], preferred_element_type=jnp.float32)
    acc += jnp.dot(h_ref[...], wr_ref[...], preferred_element_type=jnp.float32)
    o_ref[...] = jnp.maximum(acc + b_ref[...], 0.0)


def _tc_layer(h, a0, a1, c0, c1, Wl, Wr, b):
    blk = 1024
    grid = _NP // blk
    return pl.pallas_call(
        _tc_layer_body,
        grid=(grid,),
        in_specs=[
            pl.BlockSpec((blk, _D), lambda i: (i, 0)),
            pl.BlockSpec((blk, _D), lambda i: (i, 0)),
            pl.BlockSpec((blk, _D), lambda i: (i, 0)),
            pl.BlockSpec((blk, _D), lambda i: (i, 0)),
            pl.BlockSpec((blk, _D), lambda i: (i, 0)),
            pl.BlockSpec((_D, _D), lambda i: (0, 0)),
            pl.BlockSpec((_D, _D), lambda i: (0, 0)),
            pl.BlockSpec((1, _D), lambda i: (0, 0)),
        ],
        out_specs=pl.BlockSpec((blk, _D), lambda i: (i, 0)),
        out_shape=jax.ShapeDtypeStruct((_NP, _D), jnp.float32),
    )(h, a0, a1, c0, c1, Wl, Wr, b)


def _tc_pool_head_body(h_ref, brow_ref, bcol_ref, w1_ref, b1_ref, w2_ref,
                       b2_ref, o_ref, add_acc, max_acc, cnt_acc):
    i = pl.program_id(0)
    nsteps = pl.num_programs(0)

    @pl.when(i == 0)
    def _():
        add_acc[...] = jnp.zeros_like(add_acc)
        cnt_acc[...] = jnp.zeros_like(cnt_acc)
        max_acc[...] = jnp.full_like(max_acc, -3.0e38)

    h = h_ref[...]
    brow = brow_ref[0]
    onehot = jnp.where(
        brow == lax.broadcasted_iota(jnp.int32, (_G, brow.shape[1]), 0),
        1.0, 0.0)
    add_acc[...] += jnp.dot(onehot, h, preferred_element_type=jnp.float32)
    cnt_acc[...] += jnp.sum(onehot, axis=1, keepdims=True)

    bmin = brow[0, 0]
    bmax = brow[0, brow.shape[1] - 1]
    bcol = bcol_ref[...]
    for g in range(_G):
        @pl.when((jnp.int32(g) >= bmin) & (jnp.int32(g) <= bmax))
        def _(g=g):
            masked = jnp.where(bcol == g, h, -3.0e38)
            mx = jnp.max(masked, axis=0, keepdims=True)
            max_acc[g:g + 1, :] = jnp.maximum(max_acc[g:g + 1, :], mx)

    @pl.when(i == nsteps - 1)
    def _():
        cnt = cnt_acc[:, 0:1]
        meanp = add_acc[...] / jnp.maximum(cnt, 1.0)
        mx = jnp.where(cnt > 0, max_acc[...], 0.0)
        w1 = w1_ref[...]
        z = jnp.dot(add_acc[...], w1[0:_D, :],
                    preferred_element_type=jnp.float32)
        z += jnp.dot(meanp, w1[_D:2 * _D, :],
                     preferred_element_type=jnp.float32)
        z += jnp.dot(mx, w1[2 * _D:3 * _D, :],
                     preferred_element_type=jnp.float32)
        z = jnp.maximum(z + b1_ref[...], 0.0)
        o = jnp.dot(z, w2_ref[...], preferred_element_type=jnp.float32)
        o += b2_ref[...]
        m = jnp.max(o, axis=1, keepdims=True)
        sh = o - m
        lse = jnp.log(jnp.sum(jnp.exp(sh), axis=1, keepdims=True))
        o_ref[...] = sh - lse


def _tc_pool_head(h, brow, bcol, W1, b1, W2, b2):
    blk = 1024
    grid = _NP // blk
    return pl.pallas_call(
        _tc_pool_head_body,
        grid=(grid,),
        in_specs=[
            pl.BlockSpec((blk, _D), lambda i: (i, 0)),
            pl.BlockSpec((1, 1, blk), lambda i: (i, 0, 0)),
            pl.BlockSpec((blk, 1), lambda i: (i, 0)),
            pl.BlockSpec((3 * _D, _D), lambda i: (0, 0)),
            pl.BlockSpec((1, _D), lambda i: (0, 0)),
            pl.BlockSpec((_D, 2), lambda i: (0, 0)),
            pl.BlockSpec((1, 2), lambda i: (0, 0)),
        ],
        out_specs=pl.BlockSpec((_G, 2), lambda i: (0, 0)),
        out_shape=jax.ShapeDtypeStruct((_G, 2), jnp.float32),
        scratch_shapes=[
            pltpu.VMEM((_G, _D), jnp.float32),
            pltpu.VMEM((_G, _D), jnp.float32),
            pltpu.VMEM((_G, 1), jnp.float32),
        ],
    )(h, brow, bcol, W1, b1, W2, b2)


def kernel(x, edge_index, batch, Wl1, Wr1, b1, Wl2, Wr2, b2, Wl3, Wr3, b3,
           W_lin1, b_lin1, W_lin2, b_lin2):
    f32 = jnp.float32
    x = x.astype(f32)

    x_pad = jnp.zeros((_NP, _D), f32).at[:_N].set(x)
    src = edge_index[0].astype(jnp.int32)
    dst = edge_index[1].astype(jnp.int32)
    npad = _EP - _E
    src_p = jnp.concatenate([src, jnp.zeros((npad,), jnp.int32)])
    dst_p = jnp.concatenate([dst, jnp.full((npad,), _N, jnp.int32)])
    ei2d = jnp.stack([src_p.reshape(-1, _C), dst_p.reshape(-1, _C)],
                     axis=1).reshape(-1, _C)
    batch_p = jnp.concatenate(
        [batch.astype(jnp.int32), jnp.full((_NP - _N,), _G, jnp.int32)])
    brow = batch_p.reshape(_NP // 1024, 1, 1024)
    bcol = batch_p.reshape(_NP, 1)
    zerosZ = jnp.zeros((_ZR, _D), f32)
    zerosC = jnp.zeros((_C, _D), f32)
    onesC = jnp.ones((_C, _D), f32)
    b1r = b1.reshape(1, _D).astype(f32)
    b2r = b2.reshape(1, _D).astype(f32)
    b3r = b3.reshape(1, _D).astype(f32)
    bl1 = b_lin1.reshape(1, _D).astype(f32)
    bl2 = b_lin2.reshape(1, 2).astype(f32)

    cnt = _sc_degree(ei2d, zerosC, onesC)
    c0, c1 = cnt[0], cnt[1]

    agg = _sc_aggregate(x_pad, ei2d, zerosZ)
    h = _tc_layer(x_pad, agg[0], agg[1], c0, c1, Wl1, Wr1, b1r)

    agg = _sc_aggregate(h, ei2d, zerosZ)
    h = _tc_layer(h, agg[0], agg[1], c0, c1, Wl2, Wr2, b2r)

    agg = _sc_aggregate(h, ei2d, zerosZ)
    h = _tc_layer(h, agg[0], agg[1], c0, c1, Wl3, Wr3, b3r)

    return _tc_pool_head(h, brow, bcol, W_lin1, bl1, W_lin2, bl2)

# --- scband reference (transcript-rebuilt; emitter-appended) ---
"""Pipeline reference for scband-graph-sage-49718541418975 (READ-ONLY COPY).

The authoritative reference and input builder live on the scoring server;
editing this copy changes nothing except your own understanding.
"""

import jax, jax.numpy as jnp
import numpy as np

N = 10000
E = 320000
D = 128
H = 128
G = 64


def setup_inputs(seed: int = 0) -> dict:
    key = jax.random.key(seed)
    ks = jax.random.split(key, 20)
    x = jax.random.normal(ks[0], (N, D), dtype=jnp.float32)
    edge_index = jax.random.randint(ks[1], (2, E), 0, N)
    batch = jnp.sort(jax.random.randint(ks[2], (N,), 0, G))
    s = 0.05
    params = {
        'Wl1': jax.random.normal(ks[3], (D, H), dtype=jnp.float32) * s,
        'Wr1': jax.random.normal(ks[4], (D, H), dtype=jnp.float32) * s,
        'b1': jnp.zeros((H,), dtype=jnp.float32),
        'Wl2': jax.random.normal(ks[5], (H, H), dtype=jnp.float32) * s,
        'Wr2': jax.random.normal(ks[6], (H, H), dtype=jnp.float32) * s,
        'b2': jnp.zeros((H,), dtype=jnp.float32),
        'Wl3': jax.random.normal(ks[7], (H, H), dtype=jnp.float32) * s,
        'Wr3': jax.random.normal(ks[8], (H, H), dtype=jnp.float32) * s,
        'b3': jnp.zeros((H,), dtype=jnp.float32),
        'W_lin1': jax.random.normal(ks[9], (3 * H, H), dtype=jnp.float32) * s,
        'b_lin1': jnp.zeros((H,), dtype=jnp.float32),
        'W_lin2': jax.random.normal(ks[10], (H, 2), dtype=jnp.float32) * s,
        'b_lin2': jnp.zeros((2,), dtype=jnp.float32),
    }
    inp = {'x': x, 'edge_index': edge_index, 'batch': batch}
    inp.update(params)
    return inp


def _sage_conv(x, edge_index, Wl, Wr, b):
    # PyG SAGEConv with mean aggregation: out = W_l * mean_{j in N(i)} x_j + W_r * x_i + b
    src = edge_index[0]
    dst = edge_index[1]
    msg = jnp.take(x, src, axis=0)
    agg = jax.ops.segment_sum(msg, dst, num_segments=N)
    cnt = jax.ops.segment_sum(jnp.ones((edge_index.shape[1], 1), x.dtype), dst, num_segments=N)
    mean = agg / jnp.maximum(cnt, 1.0)
    return mean @ Wl + x @ Wr + b


def reference(x, edge_index, batch, Wl1, Wr1, b1, Wl2, Wr2, b2, Wl3, Wr3, b3, W_lin1, b_lin1, W_lin2, b_lin2):
    h = jax.nn.relu(_sage_conv(x, edge_index, Wl1, Wr1, b1))
    h = jax.nn.relu(_sage_conv(h, edge_index, Wl2, Wr2, b2))
    h = jax.nn.relu(_sage_conv(h, edge_index, Wl3, Wr3, b3))
    # global add / mean / max pooling over graphs in the batch
    add = jax.ops.segment_sum(h, batch, num_segments=G)
    cnt = jax.ops.segment_sum(jnp.ones((N, 1), h.dtype), batch, num_segments=G)
    mean = add / jnp.maximum(cnt, 1.0)
    mx = jax.ops.segment_max(h, batch, num_segments=G)
    mx = jnp.where(cnt > 0, mx, 0.0)
    pooled = jnp.concatenate([add, mean, mx], axis=1)
    z = jax.nn.relu(pooled @ W_lin1 + b_lin1)
    # dropout is identity in eval mode (training=False)
    out = z @ W_lin2 + b_lin2
    return jax.nn.log_softmax(out, axis=-1)

if __name__ == "__main__":
    import jax
    _d = setup_inputs()
    print(jax.jit(kernel)(*tuple(_d.values())))

</pallas_src>

<mosaic_0001>
#map = affine_map<(d0, d1) -> (0, 0)>
#map1 = affine_map<(d0, d1) -> (0, 0, 0)>
module attributes {stable_mosaic.version = 14 : i64} {
  func.func @body(%arg0: i32, %arg1: i32, %arg2: memref<10240x128xf32, #tpu.memory_space<hbm>>, %arg3: memref<5056x128xi32, #tpu.memory_space<hbm>>, %arg4: memref<128x128xf32, #tpu.memory_space<hbm>>, %arg5: memref<2x10240x128xf32, #tpu.memory_space<hbm>>, %arg6: memref<10240x128xf32, #tpu.memory_space<vmem_shared>>, %arg7: memref<2x128xi32, #tpu.memory_space<vmem>>, %arg8: memref<128x128xf32, #tpu.memory_space<vmem>>) attributes {dimension_semantics = [#tpu.dimension_semantics<core_parallel>, #tpu.dimension_semantics<subcore_parallel>], iteration_bounds = array<i64: 2, 16>, scalar_prefetch = 0 : i64, scratch_operands = 3 : i64, tpu.core_type = #tpu.core_type<sc_vector_subcore>, window_params = [{transform_indices = #map}, {transform_indices = #map}, {transform_indices = #map}, {transform_indices = #map1}]} {
    %scan3A = arith.constant 0 : i32
    %scan3A_0 = arith.constant 5 : i32
    %scan3A_1 = arith.addi %scan3A, %scan3A_0 : i32
    %scan3A_2 = arith.constant 1 : i32
    scf.for %scan3A_19 = %scan3A to %scan3A_1 step %scan3A_2  : i32 {
      %mul3A_20 = arith.constant 1 : i32
      %mul3A_21 = arith.muli %scan3A_19, %mul3A_20 : i32
      %add3A_22 = arith.constant 0 : i32
      %add3A_23 = arith.addi %add3A_22, %mul3A_21 : i32
      %mul3A_24 = arith.constant 640 : i32
      %mul3A_25 = arith.muli %arg1, %mul3A_24 : i32
      %mul3A_26 = arith.constant 128 : i32
      %mul3A_27 = arith.muli %add3A_23, %mul3A_26 : i32
      %add3A_28 = arith.addi %mul3A_25, %mul3A_27 : i32
      "tpu.region"() ({
        %run_scoped3A = tpu.sem_alloc : memref<!tpu.dma_semaphore, #tpu.memory_space<semaphore_mem>>
        %dma_start3A = arith.constant 0 : i32
        %dma_start3A_29 = tpu.memref_slice %arg6[%add3A_28, %dma_start3A] : memref<10240x128xf32, #tpu.memory_space<vmem_shared>> -> memref<128x128xf32, #tpu.memory_space<vmem_shared>>
        tpu.enqueue_dma source(%arg4 : memref<128x128xf32, #tpu.memory_space<hbm>>) target(%dma_start3A_29 : memref<128x128xf32, #tpu.memory_space<vmem_shared>>) target_semaphore(%run_scoped3A : memref<!tpu.dma_semaphore, #tpu.memory_space<semaphore_mem>>)
        %dma_wait3A = arith.constant 0 : i32
        %dma_wait3A_30 = tpu.memref_slice %arg6[%add3A_28, %dma_wait3A] : memref<10240x128xf32, #tpu.memory_space<vmem_shared>> -> memref<128x128xf32, #tpu.memory_space<vmem_shared>>
        tpu.wait_dma2 semaphore(%run_scoped3A : memref<!tpu.dma_semaphore, #tpu.memory_space<semaphore_mem>>) src(%arg4 : memref<128x128xf32, #tpu.memory_space<hbm>>) dst(%dma_wait3A_30 : memref<128x128xf32, #tpu.memory_space<vmem_shared>>)
        tpu.yield
      }) : () -> ()
    }
    %scan3A_3 = arith.constant 5 : i32
    %barrier3A = arith.constant 0 : index
    tpu.barrier barrier_id(%barrier3A)
    %mul3A = arith.constant 16 : i32
    %mul3A_4 = arith.muli %arg0, %mul3A : i32
    %add3A = arith.addi %mul3A_4, %arg1 : i32
    %mul3A_5 = arith.constant 2 : i32
    %mul3A_6 = arith.muli %add3A, %mul3A_5 : i32
    %mul3A_7 = arith.constant 79 : i32
    %mul3A_8 = arith.muli %mul3A_6, %mul3A_7 : i32
    %scan3A_9 = arith.constant 0 : i32
    %scan3A_10 = arith.constant 79 : i32
    %scan3A_11 = arith.addi %scan3A_9, %scan3A_10 : i32
    %scan3A_12 = arith.constant 1 : i32
    scf.for %scan3A_19 = %scan3A_9 to %scan3A_11 step %scan3A_12  : i32 {
      %mul3A_20 = arith.constant 1 : i32
      %mul3A_21 = arith.muli %scan3A_19, %mul3A_20 : i32
      %add3A_22 = arith.constant 0 : i32
      %add3A_23 = arith.addi %add3A_22, %mul3A_21 : i32
      %mul3A_24 = arith.constant 2 : i32
      %mul3A_25 = arith.muli %mul3A_24, %add3A_23 : i32
      %add3A_26 = arith.addi %mul3A_8, %mul3A_25 : i32
      "tpu.region"() ({
        %run_scoped3A_28 = tpu.sem_alloc : memref<!tpu.dma_semaphore, #tpu.memory_space<semaphore_mem>>
        %dma_start3A = arith.constant 0 : i32
        %dma_start3A_29 = tpu.memref_slice %arg3[%add3A_26, %dma_start3A] : memref<5056x128xi32, #tpu.memory_space<hbm>> -> memref<2x128xi32, #tpu.memory_space<hbm>>
        %dma_start3A_30 = arith.constant 0 : i32
        %dma_start3A_31 = tpu.memref_slice %arg3[%add3A_26, %dma_start3A_30] : memref<5056x128xi32, #tpu.memory_space<hbm>> -> memref<2x128xi32, #tpu.memory_space<hbm>>
        tpu.enqueue_dma source(%dma_start3A_31 : memref<2x128xi32, #tpu.memory_space<hbm>>) target(%arg7 : memref<2x128xi32, #tpu.memory_space<vmem>>) target_semaphore(%run_scoped3A_28 : memref<!tpu.dma_semaphore, #tpu.memory_space<semaphore_mem>>)
        %dma_wait3A = arith.constant 0 : i32
        %dma_wait3A_32 = tpu.memref_slice %arg3[%add3A_26, %dma_wait3A] : memref<5056x128xi32, #tpu.memory_space<hbm>> -> memref<2x128xi32, #tpu.memory_space<hbm>>
        %dma_wait3A_33 = arith.constant 0 : i32
        %dma_wait3A_34 = tpu.memref_slice %arg3[%add3A_26, %dma_wait3A_33] : memref<5056x128xi32, #tpu.memory_space<hbm>> -> memref<2x128xi32, #tpu.memory_space<hbm>>
        tpu.wait_dma2 semaphore(%run_scoped3A_28 : memref<!tpu.dma_semaphore, #tpu.memory_space<semaphore_mem>>) src(%dma_wait3A_34 : memref<2x128xi32, #tpu.memory_space<hbm>>) dst(%arg7 : memref<2x128xi32, #tpu.memory_space<vmem>>)
        tpu.yield
      }) : () -> ()
      %run_scoped3A = arith.constant 0 : i32
      "tpu.region"() ({
        %run_scoped3A_28 = tpu.sem_alloc : memref<!tpu.dma_semaphore, #tpu.memory_space<semaphore_mem>>
        %dma_start3A = arith.constant 0 : i32
        %dma_start3A_29 = tpu.memref_slice %arg7[%run_scoped3A, %dma_start3A] : memref<2x128xi32, #tpu.memory_space<vmem>> -> memref<1x128xi32, #tpu.memory_space<vmem>>
        %dma_start3A_30 = tpu.memref_squeeze %dma_start3A_29 : memref<1x128xi32, #tpu.memory_space<vmem>> -> memref<128xi32, #tpu.memory_space<vmem>>
        %dma_start3A_31 = arith.constant 0 : i32
        %dma_start3A_32 = arith.constant 0 : i32
        %dma_start3A_33 = tpu.memref_slice %arg2[%dma_start3A_31, %dma_start3A_32] : memref<10240x128xf32, #tpu.memory_space<hbm>> -> memref<10240x128xf32, #tpu.memory_space<hbm>>
        tpu.enqueue_indirect_dma source(%dma_start3A_33 : memref<10240x128xf32, #tpu.memory_space<hbm>>) target(%arg8 : memref<128x128xf32, #tpu.memory_space<vmem>>) offsets(%dma_start3A_30 : memref<128xi32, #tpu.memory_space<vmem>>) semaphore(%run_scoped3A_28 : memref<!tpu.dma_semaphore, #tpu.memory_space<semaphore_mem>>)
        %dma_wait3A = arith.constant 0 : i32
        %dma_wait3A_34 = tpu.memref_slice %arg7[%run_scoped3A, %dma_wait3A] : memref<2x128xi32, #tpu.memory_space<vmem>> -> memref<1x128xi32, #tpu.memory_space<vmem>>
        %dma_wait3A_35 = tpu.memref_squeeze %dma_wait3A_34 : memref<1x128xi32, #tpu.memory_space<vmem>> -> memref<128xi32, #tpu.memory_space<vmem>>
        %dma_wait3A_36 = arith.constant 0 : i32
        %dma_wait3A_37 = arith.constant 0 : i32
        %dma_wait3A_38 = tpu.memref_slice %arg2[%dma_wait3A_36, %dma_wait3A_37] : memref<10240x128xf32, #tpu.memory_space<hbm>> -> memref<10240x128xf32, #tpu.memory_space<hbm>>
        tpu.wait_indirect_dma semaphore(%run_scoped3A_28 : memref<!tpu.dma_semaphore, #tpu.memory_space<semaphore_mem>>) src(%dma_wait3A_38 : memref<10240x128xf32, #tpu.memory_space<hbm>>) dst(%arg8 : memref<128x128xf32, #tpu.memory_space<vmem>>)
        tpu.yield
      }) : () -> ()
      %run_scoped3A_27 = arith.constant 1 : i32
      "tpu.region"() ({
        %run_scoped3A_28 = tpu.sem_alloc : memref<!tpu.dma_semaphore, #tpu.memory_space<semaphore_mem>>
        %dma_start3A = arith.constant 0 : i32
        %dma_start3A_29 = tpu.memref_slice %arg7[%run_scoped3A_27, %dma_start3A] : memref<2x128xi32, #tpu.memory_space<vmem>> -> memref<1x128xi32, #tpu.memory_space<vmem>>
        %dma_start3A_30 = tpu.memref_squeeze %dma_start3A_29 : memref<1x128xi32, #tpu.memory_space<vmem>> -> memref<128xi32, #tpu.memory_space<vmem>>
        %dma_start3A_31 = arith.constant 0 : i32
        %dma_start3A_32 = arith.constant 0 : i32
        %dma_start3A_33 = tpu.memref_slice %arg6[%dma_start3A_31, %dma_start3A_32] : memref<10240x128xf32, #tpu.memory_space<vmem_shared>> -> memref<10240x128xf32, #tpu.memory_space<vmem_shared>>
        tpu.enqueue_indirect_dma source(%arg8 : memref<128x128xf32, #tpu.memory_space<vmem>>) target(%dma_start3A_33 : memref<10240x128xf32, #tpu.memory_space<vmem_shared>>) offsets(%dma_start3A_30 : memref<128xi32, #tpu.memory_space<vmem>>) semaphore(%run_scoped3A_28 : memref<!tpu.dma_semaphore, #tpu.memory_space<semaphore_mem>>) {add = true}
        %dma_wait3A = arith.constant 0 : i32
        %dma_wait3A_34 = tpu.memref_slice %arg7[%run_scoped3A_27, %dma_wait3A] : memref<2x128xi32, #tpu.memory_space<vmem>> -> memref<1x128xi32, #tpu.memory_space<vmem>>
        %dma_wait3A_35 = tpu.memref_squeeze %dma_wait3A_34 : memref<1x128xi32, #tpu.memory_space<vmem>> -> memref<128xi32, #tpu.memory_space<vmem>>
        %dma_wait3A_36 = arith.constant 0 : i32
        %dma_wait3A_37 = arith.constant 0 : i32
        %dma_wait3A_38 = tpu.memref_slice %arg6[%dma_wait3A_36, %dma_wait3A_37] : memref<10240x128xf32, #tpu.memory_space<vmem_shared>> -> memref<10240x128xf32, #tpu.memory_space<vmem_shared>>
        tpu.wait_indirect_dma semaphore(%run_scoped3A_28 : memref<!tpu.dma_semaphore, #tpu.memory_space<semaphore_mem>>) src(%arg8 : memref<128x128xf32, #tpu.memory_space<vmem>>) dst(%dma_wait3A_38 : memref<10240x128xf32, #tpu.memory_space<vmem_shared>>)
        tpu.yield
      }) : () -> ()
    }
    %scan3A_13 = arith.constant 79 : i32
    %barrier3A_14 = arith.constant 0 : index
    tpu.barrier barrier_id(%barrier3A_14)
    %mul3A_15 = arith.constant 640 : i32
    %mul3A_16 = arith.muli %arg1, %mul3A_15 : i32
    %mul3A_17 = arith.constant 640 : i32
    %mul3A_18 = arith.muli %arg1, %mul3A_17 : i32
    "tpu.region"() ({
      %run_scoped3A = tpu.sem_alloc : memref<!tpu.dma_semaphore, #tpu.memory_space<semaphore_mem>>
      %dma_start3A = arith.constant 0 : i32
      %dma_start3A_19 = tpu.memref_slice %arg5[%arg0, %mul3A_18, %dma_start3A] : memref<2x10240x128xf32, #tpu.memory_space<hbm>> -> memref<1x640x128xf32, #tpu.memory_space<hbm>>
      %dma_start3A_20 = tpu.memref_squeeze %dma_start3A_19 : memref<1x640x128xf32, #tpu.memory_space<hbm>> -> memref<640x128xf32, #tpu.memory_space<hbm>>
      %dma_start3A_21 = arith.constant 0 : i32
      %dma_start3A_22 = tpu.memref_slice %arg6[%mul3A_16, %dma_start3A_21] : memref<10240x128xf32, #tpu.memory_space<vmem_shared>> -> memref<640x128xf32, #tpu.memory_space<vmem_shared>>
      tpu.enqueue_dma source(%dma_start3A_22 : memref<640x128xf32, #tpu.memory_space<vmem_shared>>) target(%dma_start3A_20 : memref<640x128xf32, #tpu.memory_space<hbm>>) target_semaphore(%run_scoped3A : memref<!tpu.dma_semaphore, #tpu.memory_space<semaphore_mem>>)
      %dma_wait3A = arith.constant 0 : i32
      %dma_wait3A_23 = tpu.memref_slice %arg5[%arg0, %mul3A_18, %dma_wait3A] : memref<2x10240x128xf32, #tpu.memory_space<hbm>> -> memref<1x640x128xf32, #tpu.memory_space<hbm>>
      %dma_wait3A_24 = tpu.memref_squeeze %dma_wait3A_23 : memref<1x640x128xf32, #tpu.memory_space<hbm>> -> memref<640x128xf32, #tpu.memory_space<hbm>>
      %dma_wait3A_25 = arith.constant 0 : i32
      %dma_wait3A_26 = tpu.memref_slice %arg6[%mul3A_16, %dma_wait3A_25] : memref<10240x128xf32, #tpu.memory_space<vmem_shared>> -> memref<640x128xf32, #tpu.memory_space<vmem_shared>>
      tpu.wait_dma2 semaphore(%run_scoped3A : memref<!tpu.dma_semaphore, #tpu.memory_space<semaphore_mem>>) src(%dma_wait3A_26 : memref<640x128xf32, #tpu.memory_space<vmem_shared>>) dst(%dma_wait3A_24 : memref<640x128xf32, #tpu.memory_space<hbm>>)
      tpu.yield
    }) : () -> ()
    return
  }
}

#map = affine_map<(d0, d1) -> (0, 0)>
#map1 = affine_map<(d0, d1) -> (0, 0, 0)>
module attributes {stable_mosaic.version = 14 : i64} {
  func.func @body(%arg0: i32, %arg1: i32, %arg2: memref<10240x128xf32, #tpu.memory_space<hbm>>, %arg3: memref<5056x128xi32, #tpu.memory_space<hbm>>, %arg4: memref<128x128xf32, #tpu.memory_space<hbm>>, %arg5: memref<2x10240x128xf32, #tpu.memory_space<hbm>>, %arg6: memref<10240x128xf32, #tpu.memory_space<vmem_shared>>, %arg7: memref<2x128xi32, #tpu.memory_space<vmem>>, %arg8: memref<128x128xf32, #tpu.memory_space<vmem>>) attributes {dimension_semantics = [#tpu.dimension_semantics<core_parallel>, #tpu.dimension_semantics<subcore_parallel>], iteration_bounds = array<i64: 2, 16>, scalar_prefetch = 0 : i64, scratch_operands = 3 : i64, tpu.core_type = #tpu.core_type<sc_vector_subcore>, window_params = [{transform_indices = #map}, {transform_indices = #map}, {transform_indices = #map}, {transform_indices = #map1}]} {
    %scan3A = arith.constant 0 : i32
    %scan3A_0 = arith.constant 5 : i32
    %scan3A_1 = arith.addi %scan3A, %scan3A_0 : i32
    %scan3A_2 = arith.constant 1 : i32
    scf.for %scan3A_19 = %scan3A to %scan3A_1 step %scan3A_2  : i32 {
      %mul3A_20 = arith.constant 1 : i32
      %mul3A_21 = arith.muli %scan3A_19, %mul3A_20 : i32
      %add3A_22 = arith.constant 0 : i32
      %add3A_23 = arith.addi %add3A_22, %mul3A_21 : i32
      %mul3A_24 = arith.constant 640 : i32
      %mul3A_25 = arith.muli %arg1, %mul3A_24 : i32
      %mul3A_26 = arith.constant 128 : i32
      %mul3A_27 = arith.muli %add3A_23, %mul3A_26 : i32
      %add3A_28 = arith.addi %mul3A_25, %mul3A_27 : i32
      "tpu.region"() ({
        %run_scoped3A = tpu.sem_alloc : memref<!tpu.dma_semaphore, #tpu.memory_space<semaphore_mem>>
        %dma_start3A = arith.constant 0 : i32
        %dma_start3A_29 = tpu.memref_slice %arg6[%add3A_28, %dma_start3A] : memref<10240x128xf32, #tpu.memory_space<vmem_shared>> -> memref<128x128xf32, #tpu.memory_space<vmem_shared>>
        tpu.enqueue_dma source(%arg4 : memref<128x128xf32, #tpu.memory_space<hbm>>) target(%dma_start3A_29 : memref<128x128xf32, #tpu.memory_space<vmem_shared>>) target_semaphore(%run_scoped3A : memref<!tpu.dma_semaphore, #tpu.memory_space<semaphore_mem>>)
        %dma_wait3A = arith.constant 0 : i32
        %dma_wait3A_30 = tpu.memref_slice %arg6[%add3A_28, %dma_wait3A] : memref<10240x128xf32, #tpu.memory_space<vmem_shared>> -> memref<128x128xf32, #tpu.memory_space<vmem_shared>>
        tpu.wait_dma2 semaphore(%run_scoped3A : memref<!tpu.dma_semaphore, #tpu.memory_space<semaphore_mem>>) src(%arg4 : memref<128x128xf32, #tpu.memory_space<hbm>>) dst(%dma_wait3A_30 : memref<128x128xf32, #tpu.memory_space<vmem_shared>>)
        tpu.yield
      }) : () -> ()
    }
    %scan3A_3 = arith.constant 5 : i32
    %barrier3A = arith.constant 0 : index
    tpu.barrier barrier_id(%barrier3A)
    %mul3A = arith.constant 16 : i32
    %mul3A_4 = arith.muli %arg0, %mul3A : i32
    %add3A = arith.addi %mul3A_4, %arg1 : i32
    %mul3A_5 = arith.constant 2 : i32
    %mul3A_6 = arith.muli %add3A, %mul3A_5 : i32
    %mul3A_7 = arith.constant 79 : i32
    %mul3A_8 = arith.muli %mul3A_6, %mul3A_7 : i32
    %scan3A_9 = arith.constant 0 : i32
    %scan3A_10 = arith.constant 79 : i32
    %scan3A_11 = arith.addi %scan3A_9, %scan3A_10 : i32
    %scan3A_12 = arith.constant 1 : i32
    scf.for %scan3A_19 = %scan3A_9 to %scan3A_11 step %scan3A_12  : i32 {
      %mul3A_20 = arith.constant 1 : i32
      %mul3A_21 = arith.muli %scan3A_19, %mul3A_20 : i32
      %add3A_22 = arith.constant 0 : i32
      %add3A_23 = arith.addi %add3A_22, %mul3A_21 : i32
      %mul3A_24 = arith.constant 2 : i32
      %mul3A_25 = arith.muli %mul3A_24, %add3A_23 : i32
      %add3A_26 = arith.addi %mul3A_8, %mul3A_25 : i32
      "tpu.region"() ({
        %run_scoped3A_28 = tpu.sem_alloc : memref<!tpu.dma_semaphore, #tpu.memory_space<semaphore_mem>>
        %dma_start3A = arith.constant 0 : i32
        %dma_start3A_29 = tpu.memref_slice %arg3[%add3A_26, %dma_start3A] : memref<5056x128xi32, #tpu.memory_space<hbm>> -> memref<2x128xi32, #tpu.memory_space<hbm>>
        %dma_start3A_30 = arith.constant 0 : i32
        %dma_start3A_31 = tpu.memref_slice %arg3[%add3A_26, %dma_start3A_30] : memref<5056x128xi32, #tpu.memory_space<hbm>> -> memref<2x128xi32, #tpu.memory_space<hbm>>
        tpu.enqueue_dma source(%dma_start3A_31 : memref<2x128xi32, #tpu.memory_space<hbm>>) target(%arg7 : memref<2x128xi32, #tpu.memory_space<vmem>>) target_semaphore(%run_scoped3A_28 : memref<!tpu.dma_semaphore, #tpu.memory_space<semaphore_mem>>)
        %dma_wait3A = arith.constant 0 : i32
        %dma_wait3A_32 = tpu.memref_slice %arg3[%add3A_26, %dma_wait3A] : memref<5056x128xi32, #tpu.memory_space<hbm>> -> memref<2x128xi32, #tpu.memory_space<hbm>>
        %dma_wait3A_33 = arith.constant 0 : i32
        %dma_wait3A_34 = tpu.memref_slice %arg3[%add3A_26, %dma_wait3A_33] : memref<5056x128xi32, #tpu.memory_space<hbm>> -> memref<2x128xi32, #tpu.memory_space<hbm>>
        tpu.wait_dma2 semaphore(%run_scoped3A_28 : memref<!tpu.dma_semaphore, #tpu.memory_space<semaphore_mem>>) src(%dma_wait3A_34 : memref<2x128xi32, #tpu.memory_space<hbm>>) dst(%arg7 : memref<2x128xi32, #tpu.memory_space<vmem>>)
        tpu.yield
      }) : () -> ()
      %run_scoped3A = arith.constant 0 : i32
      "tpu.region"() ({
        %run_scoped3A_28 = tpu.sem_alloc : memref<!tpu.dma_semaphore, #tpu.memory_space<semaphore_mem>>
        %dma_start3A = arith.constant 0 : i32
        %dma_start3A_29 = tpu.memref_slice %arg7[%run_scoped3A, %dma_start3A] : memref<2x128xi32, #tpu.memory_space<vmem>> -> memref<1x128xi32, #tpu.memory_space<vmem>>
        %dma_start3A_30 = tpu.memref_squeeze %dma_start3A_29 : memref<1x128xi32, #tpu.memory_space<vmem>> -> memref<128xi32, #tpu.memory_space<vmem>>
        %dma_start3A_31 = arith.constant 0 : i32
        %dma_start3A_32 = arith.constant 0 : i32
        %dma_start3A_33 = tpu.memref_slice %arg2[%dma_start3A_31, %dma_start3A_32] : memref<10240x128xf32, #tpu.memory_space<hbm>> -> memref<10240x128xf32, #tpu.memory_space<hbm>>
        tpu.enqueue_indirect_dma source(%dma_start3A_33 : memref<10240x128xf32, #tpu.memory_space<hbm>>) target(%arg8 : memref<128x128xf32, #tpu.memory_space<vmem>>) offsets(%dma_start3A_30 : memref<128xi32, #tpu.memory_space<vmem>>) semaphore(%run_scoped3A_28 : memref<!tpu.dma_semaphore, #tpu.memory_space<semaphore_mem>>)
        %dma_wait3A = arith.constant 0 : i32
        %dma_wait3A_34 = tpu.memref_slice %arg7[%run_scoped3A, %dma_wait3A] : memref<2x128xi32, #tpu.memory_space<vmem>> -> memref<1x128xi32, #tpu.memory_space<vmem>>
        %dma_wait3A_35 = tpu.memref_squeeze %dma_wait3A_34 : memref<1x128xi32, #tpu.memory_space<vmem>> -> memref<128xi32, #tpu.memory_space<vmem>>
        %dma_wait3A_36 = arith.constant 0 : i32
        %dma_wait3A_37 = arith.constant 0 : i32
        %dma_wait3A_38 = tpu.memref_slice %arg2[%dma_wait3A_36, %dma_wait3A_37] : memref<10240x128xf32, #tpu.memory_space<hbm>> -> memref<10240x128xf32, #tpu.memory_space<hbm>>
        tpu.wait_indirect_dma semaphore(%run_scoped3A_28 : memref<!tpu.dma_semaphore, #tpu.memory_space<semaphore_mem>>) src(%dma_wait3A_38 : memref<10240x128xf32, #tpu.memory_space<hbm>>) dst(%arg8 : memref<128x128xf32, #tpu.memory_space<vmem>>)
        tpu.yield
      }) : () -> ()
      %run_scoped3A_27 = arith.constant 1 : i32
      "tpu.region"() ({
        %run_scoped3A_28 = tpu.sem_alloc : memref<!tpu.dma_semaphore, #tpu.memory_space<semaphore_mem>>
        %dma_start3A = arith.constant 0 : i32
        %dma_start3A_29 = tpu.memref_slice %arg7[%run_scoped3A_27, %dma_start3A] : memref<2x128xi32, #tpu.memory_space<vmem>> -> memref<1x128xi32, #tpu.memory_space<vmem>>
        %dma_start3A_30 = tpu.memref_squeeze %dma_start3A_29 : memref<1x128xi32, #tpu.memory_space<vmem>> -> memref<128xi32, #tpu.memory_space<vmem>>
        %dma_start3A_31 = arith.constant 0 : i32
        %dma_start3A_32 = arith.constant 0 : i32
        %dma_start3A_33 = tpu.memref_slice %arg6[%dma_start3A_31, %dma_start3A_32] : memref<10240x128xf32, #tpu.memory_space<vmem_shared>> -> memref<10240x128xf32, #tpu.memory_space<vmem_shared>>
        tpu.enqueue_indirect_dma source(%arg8 : memref<128x128xf32, #tpu.memory_space<vmem>>) target(%dma_start3A_33 : memref<10240x128xf32, #tpu.memory_space<vmem_shared>>) offsets(%dma_start3A_30 : memref<128xi32, #tpu.memory_space<vmem>>) semaphore(%run_scoped3A_28 : memref<!tpu.dma_semaphore, #tpu.memory_space<semaphore_mem>>) {add = true}
        %dma_wait3A = arith.constant 0 : i32
        %dma_wait3A_34 = tpu.memref_slice %arg7[%run_scoped3A_27, %dma_wait3A] : memref<2x128xi32, #tpu.memory_space<vmem>> -> memref<1x128xi32, #tpu.memory_space<vmem>>
        %dma_wait3A_35 = tpu.memref_squeeze %dma_wait3A_34 : memref<1x128xi32, #tpu.memory_space<vmem>> -> memref<128xi32, #tpu.memory_space<vmem>>
        %dma_wait3A_36 = arith.constant 0 : i32
        %dma_wait3A_37 = arith.constant 0 : i32
        %dma_wait3A_38 = tpu.memref_slice %arg6[%dma_wait3A_36, %dma_wait3A_37] : memref<10240x128xf32, #tpu.memory_space<vmem_shared>> -> memref<10240x128xf32, #tpu.memory_space<vmem_shared>>
        tpu.wait_indirect_dma semaphore(%run_scoped3A_28 : memref<!tpu.dma_semaphore, #tpu.memory_space<semaphore_mem>>) src(%arg8 : memref<128x128xf32, #tpu.memory_space<vmem>>) dst(%dma_wait3A_38 : memref<10240x128xf32, #tpu.memory_space<vmem_shared>>)
        tpu.yield
      }) : () -> ()
    }
    %scan3A_13 = arith.constant 79 : i32
    %barrier3A_14 = arith.constant 0 : index
    tpu.barrier barrier_id(%barrier3A_14)
    %mul3A_15 = arith.constant 640 : i32
    %mul3A_16 = arith.muli %arg1, %mul3A_15 : i32
    %mul3A_17 = arith.constant 640 : i32
    %mul3A_18 = arith.muli %arg1, %mul3A_17 : i32
    "tpu.region"() ({
      %run_scoped3A = tpu.sem_alloc : memref<!tpu.dma_semaphore, #tpu.memory_space<semaphore_mem>>
      %dma_start3A = arith.constant 0 : i32
      %dma_start3A_19 = tpu.memref_slice %arg5[%arg0, %mul3A_18, %dma_start3A] : memref<2x10240x128xf32, #tpu.memory_space<hbm>> -> memref<1x640x128xf32, #tpu.memory_space<hbm>>
      %dma_start3A_20 = tpu.memref_squeeze %dma_start3A_19 : memref<1x640x128xf32, #tpu.memory_space<hbm>> -> memref<640x128xf32, #tpu.memory_space<hbm>>
      %dma_start3A_21 = arith.constant 0 : i32
      %dma_start3A_22 = tpu.memref_slice %arg6[%mul3A_16, %dma_start3A_21] : memref<10240x128xf32, #tpu.memory_space<vmem_shared>> -> memref<640x128xf32, #tpu.memory_space<vmem_shared>>
      tpu.enqueue_dma source(%dma_start3A_22 : memref<640x128xf32, #tpu.memory_space<vmem_shared>>) target(%dma_start3A_20 : memref<640x128xf32, #tpu.memory_space<hbm>>) target_semaphore(%run_scoped3A : memref<!tpu.dma_semaphore, #tpu.memory_space<semaphore_mem>>)
      %dma_wait3A = arith.constant 0 : i32
      %dma_wait3A_23 = tpu.memref_slice %arg5[%arg0, %mul3A_18, %dma_wait3A] : memref<2x10240x128xf32, #tpu.memory_space<hbm>> -> memref<1x640x128xf32, #tpu.memory_space<hbm>>
      %dma_wait3A_24 = tpu.memref_squeeze %dma_wait3A_23 : memref<1x640x128xf32, #tpu.memory_space<hbm>> -> memref<640x128xf32, #tpu.memory_space<hbm>>
      %dma_wait3A_25 = arith.constant 0 : i32
      %dma_wait3A_26 = tpu.memref_slice %arg6[%mul3A_16, %dma_wait3A_25] : memref<10240x128xf32, #tpu.memory_space<vmem_shared>> -> memref<640x128xf32, #tpu.memory_space<vmem_shared>>
      tpu.wait_dma2 semaphore(%run_scoped3A : memref<!tpu.dma_semaphore, #tpu.memory_space<semaphore_mem>>) src(%dma_wait3A_26 : memref<640x128xf32, #tpu.memory_space<vmem_shared>>) dst(%dma_wait3A_24 : memref<640x128xf32, #tpu.memory_space<hbm>>)
      tpu.yield
    }) : () -> ()
    return
  }
}

#map = affine_map<(d0, d1) -> (0, 0)>
#map1 = affine_map<(d0, d1) -> (0, 0, 0)>
module attributes {stable_mosaic.version = 14 : i64} {
  func.func @body(%arg0: i32, %arg1: i32, %arg2: memref<5056x128xi32, #tpu.memory_space<hbm>>, %arg3: memref<128x128xf32, #tpu.memory_space<hbm>>, %arg4: memref<128x128xf32, #tpu.memory_space<hbm>>, %arg5: memref<2x10240x128xf32, #tpu.memory_space<hbm>>, %arg6: memref<10240x128xf32, #tpu.memory_space<vmem_shared>>, %arg7: memref<2x128xi32, #tpu.memory_space<vmem>>, %arg8: memref<128x128xf32, #tpu.memory_space<vmem>>) attributes {dimension_semantics = [#tpu.dimension_semantics<core_parallel>, #tpu.dimension_semantics<subcore_parallel>], iteration_bounds = array<i64: 2, 16>, scalar_prefetch = 0 : i64, scratch_operands = 3 : i64, tpu.core_type = #tpu.core_type<sc_vector_subcore>, window_params = [{transform_indices = #map}, {transform_indices = #map}, {transform_indices = #map}, {transform_indices = #map1}]} {
    %scan3A = arith.constant 0 : i32
    %scan3A_0 = arith.constant 5 : i32
    %scan3A_1 = arith.addi %scan3A, %scan3A_0 : i32
    %scan3A_2 = arith.constant 1 : i32
    scf.for %scan3A_19 = %scan3A to %scan3A_1 step %scan3A_2  : i32 {
      %mul3A_20 = arith.constant 1 : i32
      %mul3A_21 = arith.muli %scan3A_19, %mul3A_20 : i32
      %add3A_22 = arith.constant 0 : i32
      %add3A_23 = arith.addi %add3A_22, %mul3A_21 : i32
      %mul3A_24 = arith.constant 640 : i32
      %mul3A_25 = arith.muli %arg1, %mul3A_24 : i32
      %mul3A_26 = arith.constant 128 : i32
      %mul3A_27 = arith.muli %add3A_23, %mul3A_26 : i32
      %add3A_28 = arith.addi %mul3A_25, %mul3A_27 : i32
      "tpu.region"() ({
        %run_scoped3A = tpu.sem_alloc : memref<!tpu.dma_semaphore, #tpu.memory_space<semaphore_mem>>
        %dma_start3A = arith.constant 0 : i32
        %dma_start3A_29 = tpu.memref_slice %arg6[%add3A_28, %dma_start3A] : memref<10240x128xf32, #tpu.memory_space<vmem_shared>> -> memref<128x128xf32, #tpu.memory_space<vmem_shared>>
        tpu.enqueue_dma source(%arg3 : memref<128x128xf32, #tpu.memory_space<hbm>>) target(%dma_start3A_29 : memref<128x128xf32, #tpu.memory_space<vmem_shared>>) target_semaphore(%run_scoped3A : memref<!tpu.dma_semaphore, #tpu.memory_space<semaphore_mem>>)
        %dma_wait3A = arith.constant 0 : i32
        %dma_wait3A_30 = tpu.memref_slice %arg6[%add3A_28, %dma_wait3A] : memref<10240x128xf32, #tpu.memory_space<vmem_shared>> -> memref<128x128xf32, #tpu.memory_space<vmem_shared>>
        tpu.wait_dma2 semaphore(%run_scoped3A : memref<!tpu.dma_semaphore, #tpu.memory_space<semaphore_mem>>) src(%arg3 : memref<128x128xf32, #tpu.memory_space<hbm>>) dst(%dma_wait3A_30 : memref<128x128xf32, #tpu.memory_space<vmem_shared>>)
        tpu.yield
      }) : () -> ()
    }
    %scan3A_3 = arith.constant 5 : i32
    "tpu.region"() ({
      %run_scoped3A = tpu.sem_alloc : memref<!tpu.dma_semaphore, #tpu.memory_space<semaphore_mem>>
      tpu.enqueue_dma source(%arg4 : memref<128x128xf32, #tpu.memory_space<hbm>>) target(%arg8 : memref<128x128xf32, #tpu.memory_space<vmem>>) target_semaphore(%run_scoped3A : memref<!tpu.dma_semaphore, #tpu.memory_space<semaphore_mem>>)
      tpu.wait_dma2 semaphore(%run_scoped3A : memref<!tpu.dma_semaphore, #tpu.memory_space<semaphore_mem>>) src(%arg4 : memref<128x128xf32, #tpu.memory_space<hbm>>) dst(%arg8 : memref<128x128xf32, #tpu.memory_space<vmem>>)
      tpu.yield
    }) : () -> ()
    %barrier3A = arith.constant 0 : index
    tpu.barrier barrier_id(%barrier3A)
    %mul3A = arith.constant 16 : i32
    %mul3A_4 = arith.muli %arg0, %mul3A : i32
    %add3A = arith.addi %mul3A_4, %arg1 : i32
    %mul3A_5 = arith.constant 2 : i32
    %mul3A_6 = arith.muli %add3A, %mul3A_5 : i32
    %mul3A_7 = arith.constant 79 : i32
    %mul3A_8 = arith.muli %mul3A_6, %mul3A_7 : i32
    %scan3A_9 = arith.constant 0 : i32
    %scan3A_10 = arith.constant 79 : i32
    %scan3A_11 = arith.addi %scan3A_9, %scan3A_10 : i32
    %scan3A_12 = arith.constant 1 : i32
    scf.for %scan3A_19 = %scan3A_9 to %scan3A_11 step %scan3A_12  : i32 {
      %mul3A_20 = arith.constant 1 : i32
      %mul3A_21 = arith.muli %scan3A_19, %mul3A_20 : i32
      %add3A_22 = arith.constant 0 : i32
      %add3A_23 = arith.addi %add3A_22, %mul3A_21 : i32
      %mul3A_24 = arith.constant 2 : i32
      %mul3A_25 = arith.muli %mul3A_24, %add3A_23 : i32
      %add3A_26 = arith.addi %mul3A_8, %mul3A_25 : i32
      "tpu.region"() ({
        %run_scoped3A_27 = tpu.sem_alloc : memref<!tpu.dma_semaphore, #tpu.memory_space<semaphore_mem>>
        %dma_start3A = arith.constant 0 : i32
        %dma_start3A_28 = tpu.memref_slice %arg2[%add3A_26, %dma_start3A] : memref<5056x128xi32, #tpu.memory_space<hbm>> -> memref<2x128xi32, #tpu.memory_space<hbm>>
        %dma_start3A_29 = arith.constant 0 : i32
        %dma_start3A_30 = tpu.memref_slice %arg2[%add3A_26, %dma_start3A_29] : memref<5056x128xi32, #tpu.memory_space<hbm>> -> memref<2x128xi32, #tpu.memory_space<hbm>>
        tpu.enqueue_dma source(%dma_start3A_30 : memref<2x128xi32, #tpu.memory_space<hbm>>) target(%arg7 : memref<2x128xi32, #tpu.memory_space<vmem>>) target_semaphore(%run_scoped3A_27 : memref<!tpu.dma_semaphore, #tpu.memory_space<semaphore_mem>>)
        %dma_wait3A = arith.constant 0 : i32
        %dma_wait3A_31 = tpu.memref_slice %arg2[%add3A_26, %dma_wait3A] : memref<5056x128xi32, #tpu.memory_space<hbm>> -> memref<2x128xi32, #tpu.memory_space<hbm>>
        %dma_wait3A_32 = arith.constant 0 : i32
        %dma_wait3A_33 = tpu.memref_slice %arg2[%add3A_26, %dma_wait3A_32] : memref<5056x128xi32, #tpu.memory_space<hbm>> -> memref<2x128xi32, #tpu.memory_space<hbm>>
        tpu.wait_dma2 semaphore(%run_scoped3A_27 : memref<!tpu.dma_semaphore, #tpu.memory_space<semaphore_mem>>) src(%dma_wait3A_33 : memref<2x128xi32, #tpu.memory_space<hbm>>) dst(%arg7 : memref<2x128xi32, #tpu.memory_space<vmem>>)
        tpu.yield
      }) : () -> ()
      %run_scoped3A = arith.constant 1 : i32
      "tpu.region"() ({
        %run_scoped3A_27 = tpu.sem_alloc : memref<!tpu.dma_semaphore, #tpu.memory_space<semaphore_mem>>
        %dma_start3A = arith.constant 0 : i32
        %dma_start3A_28 = tpu.memref_slice %arg7[%run_scoped3A, %dma_start3A] : memref<2x128xi32, #tpu.memory_space<vmem>> -> memref<1x128xi32, #tpu.memory_space<vmem>>
        %dma_start3A_29 = tpu.memref_squeeze %dma_start3A_28 : memref<1x128xi32, #tpu.memory_space<vmem>> -> memref<128xi32, #tpu.memory_space<vmem>>
        %dma_start3A_30 = arith.constant 0 : i32
        %dma_start3A_31 = arith.constant 0 : i32
        %dma_start3A_32 = tpu.memref_slice %arg6[%dma_start3A_30, %dma_start3A_31] : memref<10240x128xf32, #tpu.memory_space<vmem_shared>> -> memref<10240x128xf32, #tpu.memory_space<vmem_shared>>
        tpu.enqueue_indirect_dma source(%arg8 : memref<128x128xf32, #tpu.memory_space<vmem>>) target(%dma_start3A_32 : memref<10240x128xf32, #tpu.memory_space<vmem_shared>>) offsets(%dma_start3A_29 : memref<128xi32, #tpu.memory_space<vmem>>) semaphore(%run_scoped3A_27 : memref<!tpu.dma_semaphore, #tpu.memory_space<semaphore_mem>>) {add = true}
        %dma_wait3A = arith.constant 0 : i32
        %dma_wait3A_33 = tpu.memref_slice %arg7[%run_scoped3A, %dma_wait3A] : memref<2x128xi32, #tpu.memory_space<vmem>> -> memref<1x128xi32, #tpu.memory_space<vmem>>
        %dma_wait3A_34 = tpu.memref_squeeze %dma_wait3A_33 : memref<1x128xi32, #tpu.memory_space<vmem>> -> memref<128xi32, #tpu.memory_space<vmem>>
        %dma_wait3A_35 = arith.constant 0 : i32
        %dma_wait3A_36 = arith.constant 0 : i32
        %dma_wait3A_37 = tpu.memref_slice %arg6[%dma_wait3A_35, %dma_wait3A_36] : memref<10240x128xf32, #tpu.memory_space<vmem_shared>> -> memref<10240x128xf32, #tpu.memory_space<vmem_shared>>
        tpu.wait_indirect_dma semaphore(%run_scoped3A_27 : memref<!tpu.dma_semaphore, #tpu.memory_space<semaphore_mem>>) src(%arg8 : memref<128x128xf32, #tpu.memory_space<vmem>>) dst(%dma_wait3A_37 : memref<10240x128xf32, #tpu.memory_space<vmem_shared>>)
        tpu.yield
      }) : () -> ()
    }
    %scan3A_13 = arith.constant 79 : i32
    %barrier3A_14 = arith.constant 0 : index
    tpu.barrier barrier_id(%barrier3A_14)
    %mul3A_15 = arith.constant 640 : i32
    %mul3A_16 = arith.muli %arg1, %mul3A_15 : i32
    %mul3A_17 = arith.constant 640 : i32
    %mul3A_18 = arith.muli %arg1, %mul3A_17 : i32
    "tpu.region"() ({
      %run_scoped3A = tpu.sem_alloc : memref<!tpu.dma_semaphore, #tpu.memory_space<semaphore_mem>>
      %dma_start3A = arith.constant 0 : i32
      %dma_start3A_19 = tpu.memref_slice %arg5[%arg0, %mul3A_18, %dma_start3A] : memref<2x10240x128xf32, #tpu.memory_space<hbm>> -> memref<1x640x128xf32, #tpu.memory_space<hbm>>
      %dma_start3A_20 = tpu.memref_squeeze %dma_start3A_19 : memref<1x640x128xf32, #tpu.memory_space<hbm>> -> memref<640x128xf32, #tpu.memory_space<hbm>>
      %dma_start3A_21 = arith.constant 0 : i32
      %dma_start3A_22 = tpu.memref_slice %arg6[%mul3A_16, %dma_start3A_21] : memref<10240x128xf32, #tpu.memory_space<vmem_shared>> -> memref<640x128xf32, #tpu.memory_space<vmem_shared>>
      tpu.enqueue_dma source(%dma_start3A_22 : memref<640x128xf32, #tpu.memory_space<vmem_shared>>) target(%dma_start3A_20 : memref<640x128xf32, #tpu.memory_space<hbm>>) target_semaphore(%run_scoped3A : memref<!tpu.dma_semaphore, #tpu.memory_space<semaphore_mem>>)
      %dma_wait3A = arith.constant 0 : i32
      %dma_wait3A_23 = tpu.memref_slice %arg5[%arg0, %mul3A_18, %dma_wait3A] : memref<2x10240x128xf32, #tpu.memory_space<hbm>> -> memref<1x640x128xf32, #tpu.memory_space<hbm>>
      %dma_wait3A_24 = tpu.memref_squeeze %dma_wait3A_23 : memref<1x640x128xf32, #tpu.memory_space<hbm>> -> memref<640x128xf32, #tpu.memory_space<hbm>>
      %dma_wait3A_25 = arith.constant 0 : i32
      %dma_wait3A_26 = tpu.memref_slice %arg6[%mul3A_16, %dma_wait3A_25] : memref<10240x128xf32, #tpu.memory_space<vmem_shared>> -> memref<640x128xf32, #tpu.memory_space<vmem_shared>>
      tpu.wait_dma2 semaphore(%run_scoped3A : memref<!tpu.dma_semaphore, #tpu.memory_space<semaphore_mem>>) src(%dma_wait3A_26 : memref<640x128xf32, #tpu.memory_space<vmem_shared>>) dst(%dma_wait3A_24 : memref<640x128xf32, #tpu.memory_space<hbm>>)
      tpu.yield
    }) : () -> ()
    return
  }
}

#map = affine_map<(d0, d1) -> (0, 0)>
#map1 = affine_map<(d0, d1) -> (0, 0, 0)>
module attributes {stable_mosaic.version = 14 : i64} {
  func.func @body(%arg0: i32, %arg1: i32, %arg2: memref<10240x128xf32, #tpu.memory_space<hbm>>, %arg3: memref<5056x128xi32, #tpu.memory_space<hbm>>, %arg4: memref<128x128xf32, #tpu.memory_space<hbm>>, %arg5: memref<2x10240x128xf32, #tpu.memory_space<hbm>>, %arg6: memref<10240x128xf32, #tpu.memory_space<vmem_shared>>, %arg7: memref<2x128xi32, #tpu.memory_space<vmem>>, %arg8: memref<128x128xf32, #tpu.memory_space<vmem>>) attributes {dimension_semantics = [#tpu.dimension_semantics<core_parallel>, #tpu.dimension_semantics<subcore_parallel>], iteration_bounds = array<i64: 2, 16>, scalar_prefetch = 0 : i64, scratch_operands = 3 : i64, tpu.core_type = #tpu.core_type<sc_vector_subcore>, window_params = [{transform_indices = #map}, {transform_indices = #map}, {transform_indices = #map}, {transform_indices = #map1}]} {
    %scan3A = arith.constant 0 : i32
    %scan3A_0 = arith.constant 5 : i32
    %scan3A_1 = arith.addi %scan3A, %scan3A_0 : i32
    %scan3A_2 = arith.constant 1 : i32
    scf.for %scan3A_19 = %scan3A to %scan3A_1 step %scan3A_2  : i32 {
      %mul3A_20 = arith.constant 1 : i32
      %mul3A_21 = arith.muli %scan3A_19, %mul3A_20 : i32
      %add3A_22 = arith.constant 0 : i32
      %add3A_23 = arith.addi %add3A_22, %mul3A_21 : i32
      %mul3A_24 = arith.constant 640 : i32
      %mul3A_25 = arith.muli %arg1, %mul3A_24 : i32
      %mul3A_26 = arith.constant 128 : i32
      %mul3A_27 = arith.muli %add3A_23, %mul3A_26 : i32
      %add3A_28 = arith.addi %mul3A_25, %mul3A_27 : i32
      "tpu.region"() ({
        %run_scoped3A = tpu.sem_alloc : memref<!tpu.dma_semaphore, #tpu.memory_space<semaphore_mem>>
        %dma_start3A = arith.constant 0 : i32
        %dma_start3A_29 = tpu.memref_slice %arg6[%add3A_28, %dma_start3A] : memref<10240x128xf32, #tpu.memory_space<vmem_shared>> -> memref<128x128xf32, #tpu.memory_space<vmem_shared>>
        tpu.enqueue_dma source(%arg4 : memref<128x128xf32, #tpu.memory_space<hbm>>) target(%dma_start3A_29 : memref<128x128xf32, #tpu.memory_space<vmem_shared>>) target_semaphore(%run_scoped3A : memref<!tpu.dma_semaphore, #tpu.memory_space<semaphore_mem>>)
        %dma_wait3A = arith.constant 0 : i32
        %dma_wait3A_30 = tpu.memref_slice %arg6[%add3A_28, %dma_wait3A] : memref<10240x128xf32, #tpu.memory_space<vmem_shared>> -> memref<128x128xf32, #tpu.memory_space<vmem_shared>>
        tpu.wait_dma2 semaphore(%run_scoped3A : memref<!tpu.dma_semaphore, #tpu.memory_space<semaphore_mem>>) src(%arg4 : memref<128x128xf32, #tpu.memory_space<hbm>>) dst(%dma_wait3A_30 : memref<128x128xf32, #tpu.memory_space<vmem_shared>>)
        tpu.yield
      }) : () -> ()
    }
    %scan3A_3 = arith.constant 5 : i32
    %barrier3A = arith.constant 0 : index
    tpu.barrier barrier_id(%barrier3A)
    %mul3A = arith.constant 16 : i32
    %mul3A_4 = arith.muli %arg0, %mul3A : i32
    %add3A = arith.addi %mul3A_4, %arg1 : i32
    %mul3A_5 = arith.constant 2 : i32
    %mul3A_6 = arith.muli %add3A, %mul3A_5 : i32
    %mul3A_7 = arith.constant 79 : i32
    %mul3A_8 = arith.muli %mul3A_6, %mul3A_7 : i32
    %scan3A_9 = arith.constant 0 : i32
    %scan3A_10 = arith.constant 79 : i32
    %scan3A_11 = arith.addi %scan3A_9, %scan3A_10 : i32
    %scan3A_12 = arith.constant 1 : i32
    scf.for %scan3A_19 = %scan3A_9 to %scan3A_11 step %scan3A_12  : i32 {
      %mul3A_20 = arith.constant 1 : i32
      %mul3A_21 = arith.muli %scan3A_19, %mul3A_20 : i32
      %add3A_22 = arith.constant 0 : i32
      %add3A_23 = arith.addi %add3A_22, %mul3A_21 : i32
      %mul3A_24 = arith.constant 2 : i32
      %mul3A_25 = arith.muli %mul3A_24, %add3A_23 : i32
      %add3A_26 = arith.addi %mul3A_8, %mul3A_25 : i32
      "tpu.region"() ({
        %run_scoped3A_28 = tpu.sem_alloc : memref<!tpu.dma_semaphore, #tpu.memory_space<semaphore_mem>>
        %dma_start3A = arith.constant 0 : i32
        %dma_start3A_29 = tpu.memref_slice %arg3[%add3A_26, %dma_start3A] : memref<5056x128xi32, #tpu.memory_space<hbm>> -> memref<2x128xi32, #tpu.memory_space<hbm>>
        %dma_start3A_30 = arith.constant 0 : i32
        %dma_start3A_31 = tpu.memref_slice %arg3[%add3A_26, %dma_start3A_30] : memref<5056x128xi32, #tpu.memory_space<hbm>> -> memref<2x128xi32, #tpu.memory_space<hbm>>
        tpu.enqueue_dma source(%dma_start3A_31 : memref<2x128xi32, #tpu.memory_space<hbm>>) target(%arg7 : memref<2x128xi32, #tpu.memory_space<vmem>>) target_semaphore(%run_scoped3A_28 : memref<!tpu.dma_semaphore, #tpu.memory_space<semaphore_mem>>)
        %dma_wait3A = arith.constant 0 : i32
        %dma_wait3A_32 = tpu.memref_slice %arg3[%add3A_26, %dma_wait3A] : memref<5056x128xi32, #tpu.memory_space<hbm>> -> memref<2x128xi32, #tpu.memory_space<hbm>>
        %dma_wait3A_33 = arith.constant 0 : i32
        %dma_wait3A_34 = tpu.memref_slice %arg3[%add3A_26, %dma_wait3A_33] : memref<5056x128xi32, #tpu.memory_space<hbm>> -> memref<2x128xi32, #tpu.memory_space<hbm>>
        tpu.wait_dma2 semaphore(%run_scoped3A_28 : memref<!tpu.dma_semaphore, #tpu.memory_space<semaphore_mem>>) src(%dma_wait3A_34 : memref<2x128xi32, #tpu.memory_space<hbm>>) dst(%arg7 : memref<2x128xi32, #tpu.memory_space<vmem>>)
        tpu.yield
      }) : () -> ()
      %run_scoped3A = arith.constant 0 : i32
      "tpu.region"() ({
        %run_scoped3A_28 = tpu.sem_alloc : memref<!tpu.dma_semaphore, #tpu.memory_space<semaphore_mem>>
        %dma_start3A = arith.constant 0 : i32
        %dma_start3A_29 = tpu.memref_slice %arg7[%run_scoped3A, %dma_start3A] : memref<2x128xi32, #tpu.memory_space<vmem>> -> memref<1x128xi32, #tpu.memory_space<vmem>>
        %dma_start3A_30 = tpu.memref_squeeze %dma_start3A_29 : memref<1x128xi32, #tpu.memory_space<vmem>> -> memref<128xi32, #tpu.memory_space<vmem>>
        %dma_start3A_31 = arith.constant 0 : i32
        %dma_start3A_32 = arith.constant 0 : i32
        %dma_start3A_33 = tpu.memref_slice %arg2[%dma_start3A_31, %dma_start3A_32] : memref<10240x128xf32, #tpu.memory_space<hbm>> -> memref<10240x128xf32, #tpu.memory_space<hbm>>
        tpu.enqueue_indirect_dma source(%dma_start3A_33 : memref<10240x128xf32, #tpu.memory_space<hbm>>) target(%arg8 : memref<128x128xf32, #tpu.memory_space<vmem>>) offsets(%dma_start3A_30 : memref<128xi32, #tpu.memory_space<vmem>>) semaphore(%run_scoped3A_28 : memref<!tpu.dma_semaphore, #tpu.memory_space<semaphore_mem>>)
        %dma_wait3A = arith.constant 0 : i32
        %dma_wait3A_34 = tpu.memref_slice %arg7[%run_scoped3A, %dma_wait3A] : memref<2x128xi32, #tpu.memory_space<vmem>> -> memref<1x128xi32, #tpu.memory_space<vmem>>
        %dma_wait3A_35 = tpu.memref_squeeze %dma_wait3A_34 : memref<1x128xi32, #tpu.memory_space<vmem>> -> memref<128xi32, #tpu.memory_space<vmem>>
        %dma_wait3A_36 = arith.constant 0 : i32
        %dma_wait3A_37 = arith.constant 0 : i32
        %dma_wait3A_38 = tpu.memref_slice %arg2[%dma_wait3A_36, %dma_wait3A_37] : memref<10240x128xf32, #tpu.memory_space<hbm>> -> memref<10240x128xf32, #tpu.memory_space<hbm>>
        tpu.wait_indirect_dma semaphore(%run_scoped3A_28 : memref<!tpu.dma_semaphore, #tpu.memory_space<semaphore_mem>>) src(%dma_wait3A_38 : memref<10240x128xf32, #tpu.memory_space<hbm>>) dst(%arg8 : memref<128x128xf32, #tpu.memory_space<vmem>>)
        tpu.yield
      }) : () -> ()
      %run_scoped3A_27 = arith.constant 1 : i32
      "tpu.region"() ({
        %run_scoped3A_28 = tpu.sem_alloc : memref<!tpu.dma_semaphore, #tpu.memory_space<semaphore_mem>>
        %dma_start3A = arith.constant 0 : i32
        %dma_start3A_29 = tpu.memref_slice %arg7[%run_scoped3A_27, %dma_start3A] : memref<2x128xi32, #tpu.memory_space<vmem>> -> memref<1x128xi32, #tpu.memory_space<vmem>>
        %dma_start3A_30 = tpu.memref_squeeze %dma_start3A_29 : memref<1x128xi32, #tpu.memory_space<vmem>> -> memref<128xi32, #tpu.memory_space<vmem>>
        %dma_start3A_31 = arith.constant 0 : i32
        %dma_start3A_32 = arith.constant 0 : i32
        %dma_start3A_33 = tpu.memref_slice %arg6[%dma_start3A_31, %dma_start3A_32] : memref<10240x128xf32, #tpu.memory_space<vmem_shared>> -> memref<10240x128xf32, #tpu.memory_space<vmem_shared>>
        tpu.enqueue_indirect_dma source(%arg8 : memref<128x128xf32, #tpu.memory_space<vmem>>) target(%dma_start3A_33 : memref<10240x128xf32, #tpu.memory_space<vmem_shared>>) offsets(%dma_start3A_30 : memref<128xi32, #tpu.memory_space<vmem>>) semaphore(%run_scoped3A_28 : memref<!tpu.dma_semaphore, #tpu.memory_space<semaphore_mem>>) {add = true}
        %dma_wait3A = arith.constant 0 : i32
        %dma_wait3A_34 = tpu.memref_slice %arg7[%run_scoped3A_27, %dma_wait3A] : memref<2x128xi32, #tpu.memory_space<vmem>> -> memref<1x128xi32, #tpu.memory_space<vmem>>
        %dma_wait3A_35 = tpu.memref_squeeze %dma_wait3A_34 : memref<1x128xi32, #tpu.memory_space<vmem>> -> memref<128xi32, #tpu.memory_space<vmem>>
        %dma_wait3A_36 = arith.constant 0 : i32
        %dma_wait3A_37 = arith.constant 0 : i32
        %dma_wait3A_38 = tpu.memref_slice %arg6[%dma_wait3A_36, %dma_wait3A_37] : memref<10240x128xf32, #tpu.memory_space<vmem_shared>> -> memref<10240x128xf32, #tpu.memory_space<vmem_shared>>
        tpu.wait_indirect_dma semaphore(%run_scoped3A_28 : memref<!tpu.dma_semaphore, #tpu.memory_space<semaphore_mem>>) src(%arg8 : memref<128x128xf32, #tpu.memory_space<vmem>>) dst(%dma_wait3A_38 : memref<10240x128xf32, #tpu.memory_space<vmem_shared>>)
        tpu.yield
      }) : () -> ()
    }
    %scan3A_13 = arith.constant 79 : i32
    %barrier3A_14 = arith.constant 0 : index
    tpu.barrier barrier_id(%barrier3A_14)
    %mul3A_15 = arith.constant 640 : i32
    %mul3A_16 = arith.muli %arg1, %mul3A_15 : i32
    %mul3A_17 = arith.constant 640 : i32
    %mul3A_18 = arith.muli %arg1, %mul3A_17 : i32
    "tpu.region"() ({
      %run_scoped3A = tpu.sem_alloc : memref<!tpu.dma_semaphore, #tpu.memory_space<semaphore_mem>>
      %dma_start3A = arith.constant 0 : i32
      %dma_start3A_19 = tpu.memref_slice %arg5[%arg0, %mul3A_18, %dma_start3A] : memref<2x10240x128xf32, #tpu.memory_space<hbm>> -> memref<1x640x128xf32, #tpu.memory_space<hbm>>
      %dma_start3A_20 = tpu.memref_squeeze %dma_start3A_19 : memref<1x640x128xf32, #tpu.memory_space<hbm>> -> memref<640x128xf32, #tpu.memory_space<hbm>>
      %dma_start3A_21 = arith.constant 0 : i32
      %dma_start3A_22 = tpu.memref_slice %arg6[%mul3A_16, %dma_start3A_21] : memref<10240x128xf32, #tpu.memory_space<vmem_shared>> -> memref<640x128xf32, #tpu.memory_space<vmem_shared>>
      tpu.enqueue_dma source(%dma_start3A_22 : memref<640x128xf32, #tpu.memory_space<vmem_shared>>) target(%dma_start3A_20 : memref<640x128xf32, #tpu.memory_space<hbm>>) target_semaphore(%run_scoped3A : memref<!tpu.dma_semaphore, #tpu.memory_space<semaphore_mem>>)
      %dma_wait3A = arith.constant 0 : i32
      %dma_wait3A_23 = tpu.memref_slice %arg5[%arg0, %mul3A_18, %dma_wait3A] : memref<2x10240x128xf32, #tpu.memory_space<hbm>> -> memref<1x640x128xf32, #tpu.memory_space<hbm>>
      %dma_wait3A_24 = tpu.memref_squeeze %dma_wait3A_23 : memref<1x640x128xf32, #tpu.memory_space<hbm>> -> memref<640x128xf32, #tpu.memory_space<hbm>>
      %dma_wait3A_25 = arith.constant 0 : i32
      %dma_wait3A_26 = tpu.memref_slice %arg6[%mul3A_16, %dma_wait3A_25] : memref<10240x128xf32, #tpu.memory_space<vmem_shared>> -> memref<640x128xf32, #tpu.memory_space<vmem_shared>>
      tpu.wait_dma2 semaphore(%run_scoped3A : memref<!tpu.dma_semaphore, #tpu.memory_space<semaphore_mem>>) src(%dma_wait3A_26 : memref<640x128xf32, #tpu.memory_space<vmem_shared>>) dst(%dma_wait3A_24 : memref<640x128xf32, #tpu.memory_space<hbm>>)
      tpu.yield
    }) : () -> ()
    return
  }
}

module attributes {stable_mosaic.version = 14 : i64} {
  func.func @_tc_layer_body(%arg0: i32, %arg1: memref<1024x128xf32, #tpu.memory_space<vmem>>, %arg2: memref<1024x128xf32, #tpu.memory_space<vmem>>, %arg3: memref<1024x128xf32, #tpu.memory_space<vmem>>, %arg4: memref<1024x128xf32, #tpu.memory_space<vmem>>, %arg5: memref<1024x128xf32, #tpu.memory_space<vmem>>, %arg6: memref<128x128xf32, #tpu.memory_space<vmem>>, %arg7: memref<128x128xf32, #tpu.memory_space<vmem>>, %arg8: memref<1x128xf32, #tpu.memory_space<vmem>>, %arg9: memref<1024x128xf32, #tpu.memory_space<vmem>>) attributes {dimension_semantics = [#tpu.dimension_semantics<arbitrary>], iteration_bounds = array<i64: 10>, scalar_prefetch = 0 : i64, scratch_operands = 0 : i64, tpu.core_type = #tpu.core_type<tc>, window_params = [{transform_indices = @transform_0, window_bounds = array<i64: 1024, 128>}, {transform_indices = @transform_1, window_bounds = array<i64: 1024, 128>}, {transform_indices = @transform_2, window_bounds = array<i64: 1024, 128>}, {transform_indices = @transform_3, window_bounds = array<i64: 1024, 128>}, {transform_indices = @transform_4, window_bounds = array<i64: 1024, 128>}, {pipeline_mode = #tpu.pipeline_mode<synchronous>, transform_indices = @transform_5, window_bounds = array<i64: 128, 128>}, {pipeline_mode = #tpu.pipeline_mode<synchronous>, transform_indices = @transform_6, window_bounds = array<i64: 128, 128>}, {pipeline_mode = #tpu.pipeline_mode<synchronous>, transform_indices = @transform_7, window_bounds = array<i64: 1, 128>}, {transform_indices = @transform_8, window_bounds = array<i64: 1024, 128>}]} {
    %get3A = arith.constant 0 : index
    %get3A_0 = arith.constant 0 : index
    %get3A_1 = vector.load %arg4[%get3A, %get3A_0] : memref<1024x128xf32, #tpu.memory_space<vmem>>, vector<1024x1xf32>
    %get3A_2 = arith.constant 0 : index
    %get3A_3 = arith.constant 0 : index
    %get3A_4 = vector.load %arg5[%get3A_2, %get3A_3] : memref<1024x128xf32, #tpu.memory_space<vmem>>, vector<1024x1xf32>
    %add3A = arith.addf %get3A_1, %get3A_4 : vector<1024x1xf32>
    %max3A = arith.constant 1.000000e+00 : f32
    %max3A_5 = vector.broadcast %max3A : f32 to vector<1024x1xf32>
    %max3A_6 = arith.maximumf %add3A, %max3A_5 : vector<1024x1xf32>
    %div3A = arith.constant 1.000000e+00 : f32
    %div3A_7 = vector.broadcast %div3A : f32 to vector<1024x1xf32>
    %div3A_8 = arith.divf %div3A_7, %max3A_6 : vector<1024x1xf32>
    %get3A_9 = arith.constant 0 : index
    %get3A_10 = arith.constant 0 : index
    %get3A_11 = vector.load %arg2[%get3A_9, %get3A_10] : memref<1024x128xf32, #tpu.memory_space<vmem>>, vector<1024x128xf32>
    %get3A_12 = arith.constant 0 : index
    %get3A_13 = arith.constant 0 : index
    %get3A_14 = vector.load %arg3[%get3A_12, %get3A_13] : memref<1024x128xf32, #tpu.memory_space<vmem>>, vector<1024x128xf32>
    %add3A_15 = arith.addf %get3A_11, %get3A_14 : vector<1024x128xf32>
    %mul3A = vector.broadcast %div3A_8 : vector<1024x1xf32> to vector<1024x128xf32>
    %mul3A_16 = arith.mulf %add3A_15, %mul3A : vector<1024x128xf32>
    %get3A_17 = arith.constant 0 : index
    %get3A_18 = arith.constant 0 : index
    %get3A_19 = vector.load %arg6[%get3A_17, %get3A_18] : memref<128x128xf32, #tpu.memory_space<vmem>>, vector<128x128xf32>
    %dot_general3A = arith.constant dense<0.000000e+00> : vector<1024x128xf32>
    %dot_general3A_20 = tpu.matmul %mul3A_16, %get3A_19, %dot_general3A {dimension_numbers = #tpu.dot_dimension_numbers<[1], [0], [0], [1], [0, 0, 1, 1], [], []>, transpose_lhs_hint = false} : vector<1024x128xf32>, vector<128x128xf32>, vector<1024x128xf32> -> vector<1024x128xf32>
    %get3A_21 = arith.constant 0 : index
    %get3A_22 = arith.constant 0 : index
    %get3A_23 = vector.load %arg1[%get3A_21, %get3A_22] : memref<1024x128xf32, #tpu.memory_space<vmem>>, vector<1024x128xf32>
    %get3A_24 = arith.constant 0 : index
    %get3A_25 = arith.constant 0 : index
    %get3A_26 = vector.load %arg7[%get3A_24, %get3A_25] : memref<128x128xf32, #tpu.memory_space<vmem>>, vector<128x128xf32>
    %dot_general3A_27 = arith.constant dense<0.000000e+00> : vector<1024x128xf32>
    %dot_general3A_28 = tpu.matmul %get3A_23, %get3A_26, %dot_general3A_27 {dimension_numbers = #tpu.dot_dimension_numbers<[1], [0], [0], [1], [0, 0, 1, 1], [], []>, transpose_lhs_hint = false} : vector<1024x128xf32>, vector<128x128xf32>, vector<1024x128xf32> -> vector<1024x128xf32>
    %add3A_29 = arith.addf %dot_general3A_20, %dot_general3A_28 : vector<1024x128xf32>
    %get3A_30 = arith.constant 0 : index
    %get3A_31 = arith.constant 0 : index
    %get3A_32 = vector.load %arg8[%get3A_30, %get3A_31] : memref<1x128xf32, #tpu.memory_space<vmem>>, vector<1x128xf32>
    %add3A_33 = vector.broadcast %get3A_32 : vector<1x128xf32> to vector<1024x128xf32>
    %add3A_34 = arith.addf %add3A_29, %add3A_33 : vector<1024x128xf32>
    %max3A_35 = arith.constant 0.000000e+00 : f32
    %max3A_36 = vector.broadcast %max3A_35 : f32 to vector<1024x128xf32>
    %max3A_37 = arith.maximumf %add3A_34, %max3A_36 : vector<1024x128xf32>
    %swap3A = arith.constant 0 : index
    %swap3A_38 = arith.constant 0 : index
    %swap3A_39 = vector.load %arg9[%swap3A, %swap3A_38] : memref<1024x128xf32, #tpu.memory_space<vmem>>, vector<1024x128xf32>
    tpu.vector_store %arg9[%swap3A, %swap3A_38], %max3A_37 {strides = array<i32>} : memref<1024x128xf32, #tpu.memory_space<vmem>>, vector<1024x128xf32>,
    return
  }
  func.func @transform_0(%arg0: i32) -> (i32, i32) {
    %c0_i32 = arith.constant 0 : i32
    %c0_i32_0 = arith.constant 0 : i32
    return %arg0, %c0_i32 : i32, i32
  }
  func.func @transform_1(%arg0: i32) -> (i32, i32) {
    %c0_i32 = arith.constant 0 : i32
    %c0_i32_0 = arith.constant 0 : i32
    return %arg0, %c0_i32 : i32, i32
  }
  func.func @transform_2(%arg0: i32) -> (i32, i32) {
    %c0_i32 = arith.constant 0 : i32
    %c0_i32_0 = arith.constant 0 : i32
    return %arg0, %c0_i32 : i32, i32
  }
  func.func @transform_3(%arg0: i32) -> (i32, i32) {
    %c0_i32 = arith.constant 0 : i32
    %c0_i32_0 = arith.constant 0 : i32
    return %arg0, %c0_i32 : i32, i32
  }
  func.func @transform_4(%arg0: i32) -> (i32, i32) {
    %c0_i32 = arith.constant 0 : i32
    %c0_i32_0 = arith.constant 0 : i32
    return %arg0, %c0_i32 : i32, i32
  }
  func.func @transform_5(%arg0: i32) -> (i32, i32) {
    %c0_i32 = arith.constant 0 : i32
    %c0_i32_0 = arith.constant 0 : i32
    %c0_i32_1 = arith.constant 0 : i32
    return %c0_i32, %c0_i32_0 : i32, i32
  }
  func.func @transform_6(%arg0: i32) -> (i32, i32) {
    %c0_i32 = arith.constant 0 : i32
    %c0_i32_0 = arith.constant 0 : i32
    %c0_i32_1 = arith.constant 0 : i32
    return %c0_i32, %c0_i32_0 : i32, i32
  }
  func.func @transform_7(%arg0: i32) -> (i32, i32) {
    %c0_i32 = arith.constant 0 : i32
    %c0_i32_0 = arith.constant 0 : i32
    %c0_i32_1 = arith.constant 0 : i32
    return %c0_i32, %c0_i32_0 : i32, i32
  }
  func.func @transform_8(%arg0: i32) -> (i32, i32) {
    %c0_i32 = arith.constant 0 : i32
    %c0_i32_0 = arith.constant 0 : i32
    return %arg0, %c0_i32 : i32, i32
  }
}

module attributes {stable_mosaic.version = 14 : i64} {
  func.func @_tc_pool_head_body(%arg0: i32, %arg1: memref<1024x128xf32, #tpu.memory_space<vmem>>, %arg2: memref<1x1x1024xi32, #tpu.memory_space<vmem>>, %arg3: memref<1024x1xi32, #tpu.memory_space<vmem>>, %arg4: memref<384x128xf32, #tpu.memory_space<vmem>>, %arg5: memref<1x128xf32, #tpu.memory_space<vmem>>, %arg6: memref<128x2xf32, #tpu.memory_space<vmem>>, %arg7: memref<1x2xf32, #tpu.memory_space<vmem>>, %arg8: memref<64x2xf32, #tpu.memory_space<vmem>>, %arg9: memref<64x128xf32, #tpu.memory_space<vmem>>, %arg10: memref<64x128xf32, #tpu.memory_space<vmem>>, %arg11: memref<64x1xf32, #tpu.memory_space<vmem>>) attributes {dimension_semantics = [#tpu.dimension_semantics<arbitrary>], iteration_bounds = array<i64: 10>, scalar_prefetch = 0 : i64, scratch_operands = 3 : i64, tpu.core_type = #tpu.core_type<tc>, window_params = [{transform_indices = @transform_0, window_bounds = array<i64: 1024, 128>}, {transform_indices = @transform_1, window_bounds = array<i64: 1, 1, 1024>}, {transform_indices = @transform_2, window_bounds = array<i64: 1024, 1>}, {pipeline_mode = #tpu.pipeline_mode<synchronous>, transform_indices = @transform_3, window_bounds = array<i64: 384, 128>}, {pipeline_mode = #tpu.pipeline_mode<synchronous>, transform_indices = @transform_4, window_bounds = array<i64: 1, 128>}, {pipeline_mode = #tpu.pipeline_mode<synchronous>, transform_indices = @transform_5, window_bounds = array<i64: 128, 2>}, {pipeline_mode = #tpu.pipeline_mode<synchronous>, transform_indices = @transform_6, window_bounds = array<i64: 1, 2>}, {pipeline_mode = #tpu.pipeline_mode<synchronous>, transform_indices = @transform_7, window_bounds = array<i64: 64, 2>}]} {
    %eq3A = arith.constant 0 : i32
    %eq3A_0 = arith.cmpi eq, %arg0, %eq3A : i32
    %convert_element_type3A = arith.extui %eq3A_0 : i1 to i32
    %cond3A = arith.constant 0 : i32
    %cond3A_1 = arith.cmpi ne, %convert_element_type3A, %cond3A : i32
    scf.if %cond3A_1 {
      %broadcast_in_dim3A_547 = arith.constant 0.000000e+00 : f32
      %broadcast_in_dim3A_548 = vector.broadcast %broadcast_in_dim3A_547 : f32 to vector<64x128xf32>
      %swap3A_549 = arith.constant 0 : index
      %swap3A_550 = arith.constant 0 : index
      %swap3A_551 = vector.load %arg9[%swap3A_549, %swap3A_550] : memref<64x128xf32, #tpu.memory_space<vmem>>, vector<64x128xf32>
      tpu.vector_store %arg9[%swap3A_549, %swap3A_550], %broadcast_in_dim3A_548 {strides = array<i32>} : memref<64x128xf32, #tpu.memory_space<vmem>>, vector<64x128xf32>,
      %broadcast_in_dim3A_552 = arith.constant 0.000000e+00 : f32
      %broadcast_in_dim3A_553 = vector.broadcast %broadcast_in_dim3A_552 : f32 to vector<64x1xf32>
      %swap3A_554 = arith.constant 0 : index
      %swap3A_555 = arith.constant 0 : index
      %swap3A_556 = vector.load %arg11[%swap3A_554, %swap3A_555] : memref<64x1xf32, #tpu.memory_space<vmem>>, vector<64x1xf32>
      tpu.vector_store %arg11[%swap3A_554, %swap3A_555], %broadcast_in_dim3A_553 {strides = array<i32>} : memref<64x1xf32, #tpu.memory_space<vmem>>, vector<64x1xf32>,
      %broadcast_in_dim3A_557 = arith.constant -3.000000e+38 : f32
      %broadcast_in_dim3A_558 = vector.broadcast %broadcast_in_dim3A_557 : f32 to vector<64x128xf32>
      %swap3A_559 = arith.constant 0 : index
      %swap3A_560 = arith.constant 0 : index
      %swap3A_561 = vector.load %arg10[%swap3A_559, %swap3A_560] : memref<64x128xf32, #tpu.memory_space<vmem>>, vector<64x128xf32>
      tpu.vector_store %arg10[%swap3A_559, %swap3A_560], %broadcast_in_dim3A_558 {strides = array<i32>} : memref<64x128xf32, #tpu.memory_space<vmem>>, vector<64x128xf32>,
    } else {
    }
    %get3A = arith.constant 0 : index
    %get3A_2 = arith.constant 0 : index
    %get3A_3 = vector.load %arg1[%get3A, %get3A_2] : memref<1024x128xf32, #tpu.memory_space<vmem>>, vector<1024x128xf32>
    %get3A_4 = arith.constant 0 : index
    %get3A_5 = arith.constant 0 : index
    %get3A_6 = arith.constant 0 : index
    %get3A_7 = vector.load %arg2[%get3A_4, %get3A_5, %get3A_6] : memref<1x1x1024xi32, #tpu.memory_space<vmem>>, vector<1x1x1024xi32>
    %get3A_8 = vector.shape_cast %get3A_7 : vector<1x1x1024xi32> to vector<1x1024xi32>
    %iota3A = tpu.iota {dimensions = array<i32: 0>} : vector<64x1024xi32>
    %eq3A_9 = vector.broadcast %get3A_8 : vector<1x1024xi32> to vector<64x1024xi32>
    %eq3A_10 = arith.cmpi eq, %eq3A_9, %iota3A : vector<64x1024xi32>
    %jit3A = arith.constant 1.000000e+00 : f32
    %jit3A_11 = arith.constant 0.000000e+00 : f32
    %broadcast_in_dim3A = vector.broadcast %jit3A : f32 to vector<64x1024xf32>
    %broadcast_in_dim3A_12 = vector.broadcast %jit3A_11 : f32 to vector<64x1024xf32>
    %select_n3A = arith.select %eq3A_10, %broadcast_in_dim3A, %broadcast_in_dim3A_12 : vector<64x1024xi1>, vector<64x1024xf32>
    %get3A_13 = arith.constant 0 : index
    %get3A_14 = arith.constant 0 : index
    %get3A_15 = vector.load %arg9[%get3A_13, %get3A_14] : memref<64x128xf32, #tpu.memory_space<vmem>>, vector<64x128xf32>
    %dot_general3A = arith.constant dense<0.000000e+00> : vector<64x128xf32>
    %dot_general3A_16 = tpu.matmul %select_n3A, %get3A_3, %dot_general3A {dimension_numbers = #tpu.dot_dimension_numbers<[1], [0], [0], [1], [0, 0, 1, 1], [], []>, transpose_lhs_hint = false} : vector<64x1024xf32>, vector<1024x128xf32>, vector<64x128xf32> -> vector<64x128xf32>
    %add3A = arith.addf %get3A_15, %dot_general3A_16 : vector<64x128xf32>
    %swap3A = arith.constant 0 : index
    %swap3A_17 = arith.constant 0 : index
    %swap3A_18 = vector.load %arg9[%swap3A, %swap3A_17] : memref<64x128xf32, #tpu.memory_space<vmem>>, vector<64x128xf32>
    tpu.vector_store %arg9[%swap3A, %swap3A_17], %add3A {strides = array<i32>} : memref<64x128xf32, #tpu.memory_space<vmem>>, vector<64x128xf32>,
    %get3A_19 = arith.constant 0 : index
    %get3A_20 = arith.constant 0 : index
    %get3A_21 = vector.load %arg11[%get3A_19, %get3A_20] : memref<64x1xf32, #tpu.memory_space<vmem>>, vector<64x1xf32>
    %reduce_sum3A = arith.constant dense<0.000000e+00> : vector<64xf32>
    %reduce_sum3A_22 = vector.multi_reduction <add>, %select_n3A, %reduce_sum3A [1] : vector<64x1024xf32> to vector<64xf32>
    %broadcast_in_dim3A_23 = vector.shape_cast %reduce_sum3A_22 : vector<64xf32> to vector<64x1xf32>
    %add3A_24 = arith.addf %get3A_21, %broadcast_in_dim3A_23 : vector<64x1xf32>
    %swap3A_25 = arith.constant 0 : index
    %swap3A_26 = arith.constant 0 : index
    %swap3A_27 = vector.load %arg11[%swap3A_25, %swap3A_26] : memref<64x1xf32, #tpu.memory_space<vmem>>, vector<64x1xf32>
    tpu.vector_store %arg11[%swap3A_25, %swap3A_26], %add3A_24 {strides = array<i32>} : memref<64x1xf32, #tpu.memory_space<vmem>>, vector<64x1xf32>,
    %slice3A = vector.extract_strided_slice %get3A_8 {offsets = [0, 0], sizes = [1, 1], strides = [1, 1]} : vector<1x1024xi32> to vector<1x1xi32>
    %squeeze3A = vector.extract %slice3A[0, 0] : i32 from vector<1x1xi32>
    %slice3A_28 = vector.extract_strided_slice %get3A_8 {offsets = [0, 1023], sizes = [1, 1], strides = [1, 1]} : vector<1x1024xi32> to vector<1x1xi32>
    %squeeze3A_29 = vector.extract %slice3A_28[0, 0] : i32 from vector<1x1xi32>
    %get3A_30 = arith.constant 0 : index
    %get3A_31 = arith.constant 0 : index
    %get3A_32 = vector.load %arg3[%get3A_30, %get3A_31] : memref<1024x1xi32, #tpu.memory_space<vmem>>, vector<1024x1xi32>
    %ge3A = arith.constant 0 : i32
    %ge3A_33 = arith.cmpi sge, %ge3A, %squeeze3A : i32
    %le3A = arith.constant 0 : i32
    %le3A_34 = arith.cmpi sle, %le3A, %squeeze3A_29 : i32
    %and3A = arith.andi %ge3A_33, %le3A_34 : i1
    %convert_element_type3A_35 = arith.extui %and3A : i1 to i32
    %cond3A_36 = arith.constant 0 : i32
    %cond3A_37 = arith.cmpi ne, %convert_element_type3A_35, %cond3A_36 : i32
    scf.if %cond3A_37 {
      %eq3A_547 = arith.constant 0 : i32
      %eq3A_548 = vector.broadcast %eq3A_547 : i32 to vector<1024x1xi32>
      %eq3A_549 = arith.cmpi eq, %get3A_32, %eq3A_548 : vector<1024x1xi32>
      %jit3A_550 = arith.constant -3.000000e+38 : f32
      %broadcast_in_dim3A_551 = vector.shape_cast %eq3A_549 : vector<1024x1xi1> to vector<1024x1xi1>
      %broadcast_in_dim3A_552 = vector.broadcast %broadcast_in_dim3A_551 : vector<1024x1xi1> to vector<1024x128xi1>
      %broadcast_in_dim3A_553 = vector.broadcast %jit3A_550 : f32 to vector<1024x128xf32>
      %select_n3A_554 = arith.select %broadcast_in_dim3A_552, %get3A_3, %broadcast_in_dim3A_553 : vector<1024x128xi1>, vector<1024x128xf32>
      %reduce_max3A = arith.constant dense<0xFF800000> : vector<128xf32>
      %reduce_max3A_555 = vector.multi_reduction <maximumf>, %select_n3A_554, %reduce_max3A [0] : vector<1024x128xf32> to vector<128xf32>
      %broadcast_in_dim3A_556 = vector.shape_cast %reduce_max3A_555 : vector<128xf32> to vector<1x128xf32>
      %get3A_557 = arith.constant 0 : index
      %get3A_558 = arith.constant 0 : index
      %get3A_559 = vector.load %arg10[%get3A_557, %get3A_558] : memref<64x128xf32, #tpu.memory_space<vmem>>, vector<1x128xf32>
      %max3A = arith.maximumf %get3A_559, %broadcast_in_dim3A_556 : vector<1x128xf32>
      %swap3A_560 = arith.constant 0 : index
      %swap3A_561 = arith.constant 0 : index
      %swap3A_562 = vector.load %arg10[%swap3A_560, %swap3A_561] : memref<64x128xf32, #tpu.memory_space<vmem>>, vector<1x128xf32>
      tpu.vector_store %arg10[%swap3A_560, %swap3A_561], %max3A {strides = array<i32>} : memref<64x128xf32, #tpu.memory_space<vmem>>, vector<1x128xf32>,
    } else {
    }
    %ge3A_38 = arith.constant 1 : i32
    %ge3A_39 = arith.cmpi sge, %ge3A_38, %squeeze3A : i32
    %le3A_40 = arith.constant 1 : i32
    %le3A_41 = arith.cmpi sle, %le3A_40, %squeeze3A_29 : i32
    %and3A_42 = arith.andi %ge3A_39, %le3A_41 : i1
    %convert_element_type3A_43 = arith.extui %and3A_42 : i1 to i32
    %cond3A_44 = arith.constant 0 : i32
    %cond3A_45 = arith.cmpi ne, %convert_element_type3A_43, %cond3A_44 : i32
    scf.if %cond3A_45 {
      %eq3A_547 = arith.constant 1 : i32
      %eq3A_548 = vector.broadcast %eq3A_547 : i32 to vector<1024x1xi32>
      %eq3A_549 = arith.cmpi eq, %get3A_32, %eq3A_548 : vector<1024x1xi32>
      %jit3A_550 = arith.constant -3.000000e+38 : f32
      %broadcast_in_dim3A_551 = vector.shape_cast %eq3A_549 : vector<1024x1xi1> to vector<1024x1xi1>
      %broadcast_in_dim3A_552 = vector.broadcast %broadcast_in_dim3A_551 : vector<1024x1xi1> to vector<1024x128xi1>
      %broadcast_in_dim3A_553 = vector.broadcast %jit3A_550 : f32 to vector<1024x128xf32>
      %select_n3A_554 = arith.select %broadcast_in_dim3A_552, %get3A_3, %broadcast_in_dim3A_553 : vector<1024x128xi1>, vector<1024x128xf32>
      %reduce_max3A = arith.constant dense<0xFF800000> : vector<128xf32>
      %reduce_max3A_555 = vector.multi_reduction <maximumf>, %select_n3A_554, %reduce_max3A [0] : vector<1024x128xf32> to vector<128xf32>
      %broadcast_in_dim3A_556 = vector.shape_cast %reduce_max3A_555 : vector<128xf32> to vector<1x128xf32>
      %get3A_557 = arith.constant 1 : index
      %get3A_558 = arith.constant 0 : index
      %get3A_559 = vector.load %arg10[%get3A_557, %get3A_558] : memref<64x128xf32, #tpu.memory_space<vmem>>, vector<1x128xf32>
      %max3A = arith.maximumf %get3A_559, %broadcast_in_dim3A_556 : vector<1x128xf32>
      %swap3A_560 = arith.constant 1 : index
      %swap3A_561 = arith.constant 0 : index
      %swap3A_562 = vector.load %arg10[%swap3A_560, %swap3A_561] : memref<64x128xf32, #tpu.memory_space<vmem>>, vector<1x128xf32>
      tpu.vector_store %arg10[%swap3A_560, %swap3A_561], %max3A {strides = array<i32>} : memref<64x128xf32, #tpu.memory_space<vmem>>, vector<1x128xf32>,
    } else {
    }
    %ge3A_46 = arith.constant 2 : i32
    %ge3A_47 = arith.cmpi sge, %ge3A_46, %squeeze3A : i32
    %le3A_48 = arith.constant 2 : i32
    %le3A_49 = arith.cmpi sle, %le3A_48, %squeeze3A_29 : i32
    %and3A_50 = arith.andi %ge3A_47, %le3A_49 : i1
    %convert_element_type3A_51 = arith.extui %and3A_50 : i1 to i32
    %cond3A_52 = arith.constant 0 : i32
    %cond3A_53 = arith.cmpi ne, %convert_element_type3A_51, %cond3A_52 : i32
    scf.if %cond3A_53 {
      %eq3A_547 = arith.constant 2 : i32
      %eq3A_548 = vector.broadcast %eq3A_547 : i32 to vector<1024x1xi32>
      %eq3A_549 = arith.cmpi eq, %get3A_32, %eq3A_548 : vector<1024x1xi32>
      %jit3A_550 = arith.constant -3.000000e+38 : f32
      %broadcast_in_dim3A_551 = vector.shape_cast %eq3A_549 : vector<1024x1xi1> to vector<1024x1xi1>
      %broadcast_in_dim3A_552 = vector.broadcast %broadcast_in_dim3A_551 : vector<1024x1xi1> to vector<1024x128xi1>
      %broadcast_in_dim3A_553 = vector.broadcast %jit3A_550 : f32 to vector<1024x128xf32>
      %select_n3A_554 = arith.select %broadcast_in_dim3A_552, %get3A_3, %broadcast_in_dim3A_553 : vector<1024x128xi1>, vector<1024x128xf32>
      %reduce_max3A = arith.constant dense<0xFF800000> : vector<128xf32>
      %reduce_max3A_555 = vector.multi_reduction <maximumf>, %select_n3A_554, %reduce_max3A [0] : vector<1024x128xf32> to vector<128xf32>
      %broadcast_in_dim3A_556 = vector.shape_cast %reduce_max3A_555 : vector<128xf32> to vector<1x128xf32>
      %get3A_557 = arith.constant 2 : index
      %get3A_558 = arith.constant 0 : index
      %get3A_559 = vector.load %arg10[%get3A_557, %get3A_558] : memref<64x128xf32, #tpu.memory_space<vmem>>, vector<1x128xf32>
      %max3A = arith.maximumf %get3A_559, %broadcast_in_dim3A_556 : vector<1x128xf32>
      %swap3A_560 = arith.constant 2 : index
      %swap3A_561 = arith.constant 0 : index
      %swap3A_562 = vector.load %arg10[%swap3A_560, %swap3A_561] : memref<64x128xf32, #tpu.memory_space<vmem>>, vector<1x128xf32>
      tpu.vector_store %arg10[%swap3A_560, %swap3A_561], %max3A {strides = array<i32>} : memref<64x128xf32, #tpu.memory_space<vmem>>, vector<1x128xf32>,
    } else {
    }
    %ge3A_54 = arith.constant 3 : i32
    %ge3A_55 = arith.cmpi sge, %ge3A_54, %squeeze3A : i32
    %le3A_56 = arith.constant 3 : i32
    %le3A_57 = arith.cmpi sle, %le3A_56, %squeeze3A_29 : i32
    %and3A_58 = arith.andi %ge3A_55, %le3A_57 : i1
    %convert_element_type3A_59 = arith.extui %and3A_58 : i1 to i32
    %cond3A_60 = arith.constant 0 : i32
    %cond3A_61 = arith.cmpi ne, %convert_element_type3A_59, %cond3A_60 : i32
    scf.if %cond3A_61 {
      %eq3A_547 = arith.constant 3 : i32
      %eq3A_548 = vector.broadcast %eq3A_547 : i32 to vector<1024x1xi32>
      %eq3A_549 = arith.cmpi eq, %get3A_32, %eq3A_548 : vector<1024x1xi32>
      %jit3A_550 = arith.constant -3.000000e+38 : f32
      %broadcast_in_dim3A_551 = vector.shape_cast %eq3A_549 : vector<1024x1xi1> to vector<1024x1xi1>
      %broadcast_in_dim3A_552 = vector.broadcast %broadcast_in_dim3A_551 : vector<1024x1xi1> to vector<1024x128xi1>
      %broadcast_in_dim3A_553 = vector.broadcast %jit3A_550 : f32 to vector<1024x128xf32>
      %select_n3A_554 = arith.select %broadcast_in_dim3A_552, %get3A_3, %broadcast_in_dim3A_553 : vector<1024x128xi1>, vector<1024x128xf32>
      %reduce_max3A = arith.constant dense<0xFF800000> : vector<128xf32>
      %reduce_max3A_555 = vector.multi_reduction <maximumf>, %select_n3A_554, %reduce_max3A [0] : vector<1024x128xf32> to vector<128xf32>
      %broadcast_in_dim3A_556 = vector.shape_cast %reduce_max3A_555 : vector<128xf32> to vector<1x128xf32>
      %get3A_557 = arith.constant 3 : index
      %get3A_558 = arith.constant 0 : index
      %get3A_559 = vector.load %arg10[%get3A_557, %get3A_558] : memref<64x128xf32, #tpu.memory_space<vmem>>, vector<1x128xf32>
      %max3A = arith.maximumf %get3A_559, %broadcast_in_dim3A_556 : vector<1x128xf32>
      %swap3A_560 = arith.constant 3 : index
      %swap3A_561 = arith.constant 0 : index
      %swap3A_562 = vector.load %arg10[%swap3A_560, %swap3A_561] : memref<64x128xf32, #tpu.memory_space<vmem>>, vector<1x128xf32>
      tpu.vector_store %arg10[%swap3A_560, %swap3A_561], %max3A {strides = array<i32>} : memref<64x128xf32, #tpu.memory_space<vmem>>, vector<1x128xf32>,
    } else {
    }
    %ge3A_62 = arith.constant 4 : i32
    %ge3A_63 = arith.cmpi sge, %ge3A_62, %squeeze3A : i32
    %le3A_64 = arith.constant 4 : i32
    %le3A_65 = arith.cmpi sle, %le3A_64, %squeeze3A_29 : i32
    %and3A_66 = arith.andi %ge3A_63, %le3A_65 : i1
    %convert_element_type3A_67 = arith.extui %and3A_66 : i1 to i32
    %cond3A_68 = arith.constant 0 : i32
    %cond3A_69 = arith.cmpi ne, %convert_element_type3A_67, %cond3A_68 : i32
    scf.if %cond3A_69 {
      %eq3A_547 = arith.constant 4 : i32
      %eq3A_548 = vector.broadcast %eq3A_547 : i32 to vector<1024x1xi32>
      %eq3A_549 = arith.cmpi eq, %get3A_32, %eq3A_548 : vector<1024x1xi32>
      %jit3A_550 = arith.constant -3.000000e+38 : f32
      %broadcast_in_dim3A_551 = vector.shape_cast %eq3A_549 : vector<1024x1xi1> to vector<1024x1xi1>
      %broadcast_in_dim3A_552 = vector.broadcast %broadcast_in_dim3A_551 : vector<1024x1xi1> to vector<1024x128xi1>
      %broadcast_in_dim3A_553 = vector.broadcast %jit3A_550 : f32 to vector<1024x128xf32>
      %select_n3A_554 = arith.select %broadcast_in_dim3A_552, %get3A_3, %broadcast_in_dim3A_553 : vector<1024x128xi1>, vector<1024x128xf32>
      %reduce_max3A = arith.constant dense<0xFF800000> : vector<128xf32>
      %reduce_max3A_555 = vector.multi_reduction <maximumf>, %select_n3A_554, %reduce_max3A [0] : vector<1024x128xf32> to vector<128xf32>
      %broadcast_in_dim3A_556 = vector.shape_cast %reduce_max3A_555 : vector<128xf32> to vector<1x128xf32>
      %get3A_557 = arith.constant 4 : index
      %get3A_558 = arith.constant 0 : index
      %get3A_559 = vector.load %arg10[%get3A_557, %get3A_558] : memref<64x128xf32, #tpu.memory_space<vmem>>, vector<1x128xf32>
      %max3A = arith.maximumf %get3A_559, %broadcast_in_dim3A_556 : vector<1x128xf32>
      %swap3A_560 = arith.constant 4 : index
      %swap3A_561 = arith.constant 0 : index
      %swap3A_562 = vector.load %arg10[%swap3A_560, %swap3A_561] : memref<64x128xf32, #tpu.memory_space<vmem>>, vector<1x128xf32>
      tpu.vector_store %arg10[%swap3A_560, %swap3A_561], %max3A {strides = array<i32>} : memref<64x128xf32, #tpu.memory_space<vmem>>, vector<1x128xf32>,
    } else {
    }
    %ge3A_70 = arith.constant 5 : i32
    %ge3A_71 = arith.cmpi sge, %ge3A_70, %squeeze3A : i32
    %le3A_72 = arith.constant 5 : i32
    %le3A_73 = arith.cmpi sle, %le3A_72, %squeeze3A_29 : i32
    %and3A_74 = arith.andi %ge3A_71, %le3A_73 : i1
    %convert_element_type3A_75 = arith.extui %and3A_74 : i1 to i32
    %cond3A_76 = arith.constant 0 : i32
    %cond3A_77 = arith.cmpi ne, %convert_element_type3A_75, %cond3A_76 : i32
    scf.if %cond3A_77 {
      %eq3A_547 = arith.constant 5 : i32
      %eq3A_548 = vector.broadcast %eq3A_547 : i32 to vector<1024x1xi32>
      %eq3A_549 = arith.cmpi eq, %get3A_32, %eq3A_548 : vector<1024x1xi32>
      %jit3A_550 = arith.constant -3.000000e+38 : f32
      %broadcast_in_dim3A_551 = vector.shape_cast %eq3A_549 : vector<1024x1xi1> to vector<1024x1xi1>
      %broadcast_in_dim3A_552 = vector.broadcast %broadcast_in_dim3A_551 : vector<1024x1xi1> to vector<1024x128xi1>
      %broadcast_in_dim3A_553 = vector.broadcast %jit3A_550 : f32 to vector<1024x128xf32>
      %select_n3A_554 = arith.select %broadcast_in_dim3A_552, %get3A_3, %broadcast_in_dim3A_553 : vector<1024x128xi1>, vector<1024x128xf32>
      %reduce_max3A = arith.constant dense<0xFF800000> : vector<128xf32>
      %reduce_max3A_555 = vector.multi_reduction <maximumf>, %select_n3A_554, %reduce_max3A [0] : vector<1024x128xf32> to vector<128xf32>
      %broadcast_in_dim3A_556 = vector.shape_cast %reduce_max3A_555 : vector<128xf32> to vector<1x128xf32>
      %get3A_557 = arith.constant 5 : index
      %get3A_558 = arith.constant 0 : index
      %get3A_559 = vector.load %arg10[%get3A_557, %get3A_558] : memref<64x128xf32, #tpu.memory_space<vmem>>, vector<1x128xf32>
      %max3A = arith.maximumf %get3A_559, %broadcast_in_dim3A_556 : vector<1x128xf32>
      %swap3A_560 = arith.constant 5 : index
      %swap3A_561 = arith.constant 0 : index
      %swap3A_562 = vector.load %arg10[%swap3A_560, %swap3A_561] : memref<64x128xf32, #tpu.memory_space<vmem>>, vector<1x128xf32>
      tpu.vector_store %arg10[%swap3A_560, %swap3A_561], %max3A {strides = array<i32>} : memref<64x128xf32, #tpu.memory_space<vmem>>, vector<1x128xf32>,
    } else {
    }
    %ge3A_78 = arith.constant 6 : i32
    %ge3A_79 = arith.cmpi sge, %ge3A_78, %squeeze3A : i32
    %le3A_80 = arith.constant 6 : i32
    %le3A_81 = arith.cmpi sle, %le3A_80, %squeeze3A_29 : i32
    %and3A_82 = arith.andi %ge3A_79, %le3A_81 : i1
    %convert_element_type3A_83 = arith.extui %and3A_82 : i1 to i32
    %cond3A_84 = arith.constant 0 : i32
    %cond3A_85 = arith.cmpi ne, %convert_element_type3A_83, %cond3A_84 : i32
    scf.if %cond3A_85 {
      %eq3A_547 = arith.constant 6 : i32
      %eq3A_548 = vector.broadcast %eq3A_547 : i32 to vector<1024x1xi32>
      %eq3A_549 = arith.cmpi eq, %get3A_32, %eq3A_548 : vector<1024x1xi32>
      %jit3A_550 = arith.constant -3.000000e+38 : f32
      %broadcast_in_dim3A_551 = vector.shape_cast %eq3A_549 : vector<1024x1xi1> to vector<1024x1xi1>
      %broadcast_in_dim3A_552 = vector.broadcast %broadcast_in_dim3A_551 : vector<1024x1xi1> to vector<1024x128xi1>
      %broadcast_in_dim3A_553 = vector.broadcast %jit3A_550 : f32 to vector<1024x128xf32>
      %select_n3A_554 = arith.select %broadcast_in_dim3A_552, %get3A_3, %broadcast_in_dim3A_553 : vector<1024x128xi1>, vector<1024x128xf32>
      %reduce_max3A = arith.constant dense<0xFF800000> : vector<128xf32>
      %reduce_max3A_555 = vector.multi_reduction <maximumf>, %select_n3A_554, %reduce_max3A [0] : vector<1024x128xf32> to vector<128xf32>
      %broadcast_in_dim3A_556 = vector.shape_cast %reduce_max3A_555 : vector<128xf32> to vector<1x128xf32>
      %get3A_557 = arith.constant 6 : index
      %get3A_558 = arith.constant 0 : index
      %get3A_559 = vector.load %arg10[%get3A_557, %get3A_558] : memref<64x128xf32, #tpu.memory_space<vmem>>, vector<1x128xf32>
      %max3A = arith.maximumf %get3A_559, %broadcast_in_dim3A_556 : vector<1x128xf32>
      %swap3A_560 = arith.constant 6 : index
      %swap3A_561 = arith.constant 0 : index
      %swap3A_562 = vector.load %arg10[%swap3A_560, %swap3A_561] : memref<64x128xf32, #tpu.memory_space<vmem>>, vector<1x128xf32>
      tpu.vector_store %arg10[%swap3A_560, %swap3A_561], %max3A {strides = array<i32>} : memref<64x128xf32, #tpu.memory_space<vmem>>, vector<1x128xf32>,
    } else {
    }
    %ge3A_86 = arith.constant 7 : i32
    %ge3A_87 = arith.cmpi sge, %ge3A_86, %squeeze3A : i32
    %le3A_88 = arith.constant 7 : i32
    %le3A_89 = arith.cmpi sle, %le3A_88, %squeeze3A_29 : i32
    %and3A_90 = arith.andi %ge3A_87, %le3A_89 : i1
    %convert_element_type3A_91 = arith.extui %and3A_90 : i1 to i32
    %cond3A_92 = arith.constant 0 : i32
    %cond3A_93 = arith.cmpi ne, %convert_element_type3A_91, %cond3A_92 : i32
    scf.if %cond3A_93 {
      %eq3A_547 = arith.constant 7 : i32
      %eq3A_548 = vector.broadcast %eq3A_547 : i32 to vector<1024x1xi32>
      %eq3A_549 = arith.cmpi eq, %get3A_32, %eq3A_548 : vector<1024x1xi32>
      %jit3A_550 = arith.constant -3.000000e+38 : f32
      %broadcast_in_dim3A_551 = vector.shape_cast %eq3A_549 : vector<1024x1xi1> to vector<1024x1xi1>
      %broadcast_in_dim3A_552 = vector.broadcast %broadcast_in_dim3A_551 : vector<1024x1xi1> to vector<1024x128xi1>
      %broadcast_in_dim3A_553 = vector.broadcast %jit3A_550 : f32 to vector<1024x128xf32>
      %select_n3A_554 = arith.select %broadcast_in_dim3A_552, %get3A_3, %broadcast_in_dim3A_553 : vector<1024x128xi1>, vector<1024x128xf32>
      %reduce_max3A = arith.constant dense<0xFF800000> : vector<128xf32>
      %reduce_max3A_555 = vector.multi_reduction <maximumf>, %select_n3A_554, %reduce_max3A [0] : vector<1024x128xf32> to vector<128xf32>
      %broadcast_in_dim3A_556 = vector.shape_cast %reduce_max3A_555 : vector<128xf32> to vector<1x128xf32>
      %get3A_557 = arith.constant 7 : index
      %get3A_558 = arith.constant 0 : index
      %get3A_559 = vector.load %arg10[%get3A_557, %get3A_558] : memref<64x128xf32, #tpu.memory_space<vmem>>, vector<1x128xf32>
      %max3A = arith.maximumf %get3A_559, %broadcast_in_dim3A_556 : vector<1x128xf32>
      %swap3A_560 = arith.constant 7 : index
      %swap3A_561 = arith.constant 0 : index
      %swap3A_562 = vector.load %arg10[%swap3A_560, %swap3A_561] : memref<64x128xf32, #tpu.memory_space<vmem>>, vector<1x128xf32>
      tpu.vector_store %arg10[%swap3A_560, %swap3A_561], %max3A {strides = array<i32>} : memref<64x128xf32, #tpu.memory_space<vmem>>, vector<1x128xf32>,
    } else {
    }
    %ge3A_94 = arith.constant 8 : i32
    %ge3A_95 = arith.cmpi sge, %ge3A_94, %squeeze3A : i32
    %le3A_96 = arith.constant 8 : i32
    %le3A_97 = arith.cmpi sle, %le3A_96, %squeeze3A_29 : i32
    %and3A_98 = arith.andi %ge3A_95, %le3A_97 : i1
    %convert_element_type3A_99 = arith.extui %and3A_98 : i1 to i32
    %cond3A_100 = arith.constant 0 : i32
    %cond3A_101 = arith.cmpi ne, %convert_element_type3A_99, %cond3A_100 : i32
    scf.if %cond3A_101 {
      %eq3A_547 = arith.constant 8 : i32
      %eq3A_548 = vector.broadcast %eq3A_547 : i32 to vector<1024x1xi32>
      %eq3A_549 = arith.cmpi eq, %get3A_32, %eq3A_548 : vector<1024x1xi32>
      %jit3A_550 = arith.constant -3.000000e+38 : f32
      %broadcast_in_dim3A_551 = vector.shape_cast %eq3A_549 : vector<1024x1xi1> to vector<1024x1xi1>
      %broadcast_in_dim3A_552 = vector.broadcast %broadcast_in_dim3A_551 : vector<1024x1xi1> to vector<1024x128xi1>
      %broadcast_in_dim3A_553 = vector.broadcast %jit3A_550 : f32 to vector<1024x128xf32>
      %select_n3A_554 = arith.select %broadcast_in_dim3A_552, %get3A_3, %broadcast_in_dim3A_553 : vector<1024x128xi1>, vector<1024x128xf32>
      %reduce_max3A = arith.constant dense<0xFF800000> : vector<128xf32>
      %reduce_max3A_555 = vector.multi_reduction <maximumf>, %select_n3A_554, %reduce_max3A [0] : vector<1024x128xf32> to vector<128xf32>
      %broadcast_in_dim3A_556 = vector.shape_cast %reduce_max3A_555 : vector<128xf32> to vector<1x128xf32>
      %get3A_557 = arith.constant 8 : index
      %get3A_558 = arith.constant 0 : index
      %get3A_559 = vector.load %arg10[%get3A_557, %get3A_558] : memref<64x128xf32, #tpu.memory_space<vmem>>, vector<1x128xf32>
      %max3A = arith.maximumf %get3A_559, %broadcast_in_dim3A_556 : vector<1x128xf32>
      %swap3A_560 = arith.constant 8 : index
      %swap3A_561 = arith.constant 0 : index
      %swap3A_562 = vector.load %arg10[%swap3A_560, %swap3A_561] : memref<64x128xf32, #tpu.memory_space<vmem>>, vector<1x128xf32>
      tpu.vector_store %arg10[%swap3A_560, %swap3A_561], %max3A {strides = array<i32>} : memref<64x128xf32, #tpu.memory_space<vmem>>, vector<1x128xf32>,
    } else {
    }
    %ge3A_102 = arith.constant 9 : i32
    %ge3A_103 = arith.cmpi sge, %ge3A_102, %squeeze3A : i32
    %le3A_104 = arith.constant 9 : i32
    %le3A_105 = arith.cmpi sle, %le3A_104, %squeeze3A_29 : i32
    %and3A_106 = arith.andi %ge3A_103, %le3A_105 : i1
    %convert_element_type3A_107 = arith.extui %and3A_106 : i1 to i32
    %cond3A_108 = arith.constant 0 : i32
    %cond3A_109 = arith.cmpi ne, %convert_element_type3A_107, %cond3A_108 : i32
    scf.if %cond3A_109 {
      %eq3A_547 = arith.constant 9 : i32
      %eq3A_548 = vector.broadcast %eq3A_547 : i32 to vector<1024x1xi32>
      %eq3A_549 = arith.cmpi eq, %get3A_32, %eq3A_548 : vector<1024x1xi32>
      %jit3A_550 = arith.constant -3.000000e+38 : f32
      %broadcast_in_dim3A_551 = vector.shape_cast %eq3A_549 : vector<1024x1xi1> to vector<1024x1xi1>
      %broadcast_in_dim3A_552 = vector.broadcast %broadcast_in_dim3A_551 : vector<1024x1xi1> to vector<1024x128xi1>
      %broadcast_in_dim3A_553 = vector.broadcast %jit3A_550 : f32 to vector<1024x128xf32>
      %select_n3A_554 = arith.select %broadcast_in_dim3A_552, %get3A_3, %broadcast_in_dim3A_553 : vector<1024x128xi1>, vector<1024x128xf32>
      %reduce_max3A = arith.constant dense<0xFF800000> : vector<128xf32>
      %reduce_max3A_555 = vector.multi_reduction <maximumf>, %select_n3A_554, %reduce_max3A [0] : vector<1024x128xf32> to vector<128xf32>
      %broadcast_in_dim3A_556 = vector.shape_cast %reduce_max3A_555 : vector<128xf32> to vector<1x128xf32>
      %get3A_557 = arith.constant 9 : index
      %get3A_558 = arith.constant 0 : index
      %get3A_559 = vector.load %arg10[%get3A_557, %get3A_558] : memref<64x128xf32, #tpu.memory_space<vmem>>, vector<1x128xf32>
      %max3A = arith.maximumf %get3A_559, %broadcast_in_dim3A_556 : vector<1x128xf32>
      %swap3A_560 = arith.constant 9 : index
      %swap3A_561 = arith.constant 0 : index
      %swap3A_562 = vector.load %arg10[%swap3A_560, %swap3A_561] : memref<64x128xf32, #tpu.memory_space<vmem>>, vector<1x128xf32>
      tpu.vector_store %arg10[%swap3A_560, %swap3A_561], %max3A {strides = array<i32>} : memref<64x128xf32, #tpu.memory_space<vmem>>, vector<1x128xf32>,
    } else {
    }
    %ge3A_110 = arith.constant 10 : i32
    %ge3A_111 = arith.cmpi sge, %ge3A_110, %squeeze3A : i32
    %le3A_112 = arith.constant 10 : i32
    %le3A_113 = arith.cmpi sle, %le3A_112, %squeeze3A_29 : i32
    %and3A_114 = arith.andi %ge3A_111, %le3A_113 : i1
    %convert_element_type3A_115 = arith.extui %and3A_114 : i1 to i32
    %cond3A_116 = arith.constant 0 : i32
    %cond3A_117 = arith.cmpi ne, %convert_element_type3A_115, %cond3A_116 : i32
    scf.if %cond3A_117 {
      %eq3A_547 = arith.constant 10 : i32
      %eq3A_548 = vector.broadcast %eq3A_547 : i32 to vector<1024x1xi32>
      %eq3A_549 = arith.cmpi eq, %get3A_32, %eq3A_548 : vector<1024x1xi32>
      %jit3A_550 = arith.constant -3.000000e+38 : f32
      %broadcast_in_dim3A_551 = vector.shape_cast %eq3A_549 : vector<1024x1xi1> to vector<1024x1xi1>
      %broadcast_in_dim3A_552 = vector.broadcast %broadcast_in_dim3A_551 : vector<1024x1xi1> to vector<1024x128xi1>
      %broadcast_in_dim3A_553 = vector.broadcast %jit3A_550 : f32 to vector<1024x128xf32>
      %select_n3A_554 = arith.select %broadcast_in_dim3A_552, %get3A_3, %broadcast_in_dim3A_553 : vector<1024x128xi1>, vector<1024x128xf32>
      %reduce_max3A = arith.constant dense<0xFF800000> : vector<128xf32>
      %reduce_max3A_555 = vector.multi_reduction <maximumf>, %select_n3A_554, %reduce_max3A [0] : vector<1024x128xf32> to vector<128xf32>
      %broadcast_in_dim3A_556 = vector.shape_cast %reduce_max3A_555 : vector<128xf32> to vector<1x128xf32>
      %get3A_557 = arith.constant 10 : index
      %get3A_558 = arith.constant 0 : index
      %get3A_559 = vector.load %arg10[%get3A_557, %get3A_558] : memref<64x128xf32, #tpu.memory_space<vmem>>, vector<1x128xf32>
      %max3A = arith.maximumf %get3A_559, %broadcast_in_dim3A_556 : vector<1x128xf32>
      %swap3A_560 = arith.constant 10 : index
      %swap3A_561 = arith.constant 0 : index
      %swap3A_562 = vector.load %arg10[%swap3A_560, %swap3A_561] : memref<64x128xf32, #tpu.memory_space<vmem>>, vector<1x128xf32>
      tpu.vector_store %arg10[%swap3A_560, %swap3A_561], %max3A {strides = array<i32>} : memref<64x128xf32, #tpu.memory_space<vmem>>, vector<1x128xf32>,
    } else {
    }
    %ge3A_118 = arith.constant 11 : i32
    %ge3A_119 = arith.cmpi sge, %ge3A_118, %squeeze3A : i32
    %le3A_120 = arith.constant 11 : i32
    %le3A_121 = arith.cmpi sle, %le3A_120, %squeeze3A_29 : i32
    %and3A_122 = arith.andi %ge3A_119, %le3A_121 : i1
    %convert_element_type3A_123 = arith.extui %and3A_122 : i1 to i32
    %cond3A_124 = arith.constant 0 : i32
    %cond3A_125 = arith.cmpi ne, %convert_element_type3A_123, %cond3A_124 : i32
    scf.if %cond3A_125 {
      %eq3A_547 = arith.constant 11 : i32
      %eq3A_548 = vector.broadcast %eq3A_547 : i32 to vector<1024x1xi32>
      %eq3A_549 = arith.cmpi eq, %get3A_32, %eq3A_548 : vector<1024x1xi32>
      %jit3A_550 = arith.constant -3.000000e+38 : f32
      %broadcast_in_dim3A_551 = vector.shape_cast %eq3A_549 : vector<1024x1xi1> to vector<1024x1xi1>
      %broadcast_in_dim3A_552 = vector.broadcast %broadcast_in_dim3A_551 : vector<1024x1xi1> to vector<1024x128xi1>
      %broadcast_in_dim3A_553 = vector.broadcast %jit3A_550 : f32 to vector<1024x128xf32>
      %select_n3A_554 = arith.select %broadcast_in_dim3A_552, %get3A_3, %broadcast_in_dim3A_553 : vector<1024x128xi1>, vector<1024x128xf32>
      %reduce_max3A = arith.constant dense<0xFF800000> : vector<128xf32>
      %reduce_max3A_555 = vector.multi_reduction <maximumf>, %select_n3A_554, %reduce_max3A [0] : vector<1024x128xf32> to vector<128xf32>
      %broadcast_in_dim3A_556 = vector.shape_cast %reduce_max3A_555 : vector<128xf32> to vector<1x128xf32>
      %get3A_557 = arith.constant 11 : index
      %get3A_558 = arith.constant 0 : index
      %get3A_559 = vector.load %arg10[%get3A_557, %get3A_558] : memref<64x128xf32, #tpu.memory_space<vmem>>, vector<1x128xf32>
      %max3A = arith.maximumf %get3A_559, %broadcast_in_dim3A_556 : vector<1x128xf32>
      %swap3A_560 = arith.constant 11 : index
      %swap3A_561 = arith.constant 0 : index
      %swap3A_562 = vector.load %arg10[%swap3A_560, %swap3A_561] : memref<64x128xf32, #tpu.memory_space<vmem>>, vector<1x128xf32>
      tpu.vector_store %arg10[%swap3A_560, %swap3A_561], %max3A {strides = array<i32>} : memref<64x128xf32, #tpu.memory_space<vmem>>, vector<1x128xf32>,
    } else {
    }
    %ge3A_126 = arith.constant 12 : i32
    %ge3A_127 = arith.cmpi sge, %ge3A_126, %squeeze3A : i32
    %le3A_128 = arith.constant 12 : i32
    %le3A_129 = arith.cmpi sle, %le3A_128, %squeeze3A_29 : i32
    %and3A_130 = arith.andi %ge3A_127, %le3A_129 : i1
    %convert_element_type3A_131 = arith.extui %and3A_130 : i1 to i32
    %cond3A_132 = arith.constant 0 : i32
    %cond3A_133 = arith.cmpi ne, %convert_element_type3A_131, %cond3A_132 : i32
    scf.if %cond3A_133 {
      %eq3A_547 = arith.constant 12 : i32
      %eq3A_548 = vector.broadcast %eq3A_547 : i32 to vector<1024x1xi32>
      %eq3A_549 = arith.cmpi eq, %get3A_32, %eq3A_548 : vector<1024x1xi32>
      %jit3A_550 = arith.constant -3.000000e+38 : f32
      %broadcast_in_dim3A_551 = vector.shape_cast %eq3A_549 : vector<1024x1xi1> to vector<1024x1xi1>
      %broadcast_in_dim3A_552 = vector.broadcast %broadcast_in_dim3A_551 : vector<1024x1xi1> to vector<1024x128xi1>
      %broadcast_in_dim3A_553 = vector.broadcast %jit3A_550 : f32 to vector<1024x128xf32>
      %select_n3A_554 = arith.select %broadcast_in_dim3A_552, %get3A_3, %broadcast_in_dim3A_553 : vector<1024x128xi1>, vector<1024x128xf32>
      %reduce_max3A = arith.constant dense<0xFF800000> : vector<128xf32>
      %reduce_max3A_555 = vector.multi_reduction <maximumf>, %select_n3A_554, %reduce_max3A [0] : vector<1024x128xf32> to vector<128xf32>
      %broadcast_in_dim3A_556 = vector.shape_cast %reduce_max3A_555 : vector<128xf32> to vector<1x128xf32>
      %get3A_557 = arith.constant 12 : index
      %get3A_558 = arith.constant 0 : index
      %get3A_559 = vector.load %arg10[%get3A_557, %get3A_558] : memref<64x128xf32, #tpu.memory_space<vmem>>, vector<1x128xf32>
      %max3A = arith.maximumf %get3A_559, %broadcast_in_dim3A_556 : vector<1x128xf32>
      %swap3A_560 = arith.constant 12 : index
      %swap3A_561 = arith.constant 0 : index
      %swap3A_562 = vector.load %arg10[%swap3A_560, %swap3A_561] : memref<64x128xf32, #tpu.memory_space<vmem>>, vector<1x128xf32>
      tpu.vector_store %arg10[%swap3A_560, %swap3A_561], %max3A {strides = array<i32>} : memref<64x128xf32, #tpu.memory_space<vmem>>, vector<1x128xf32>,
    } else {
    }
    %ge3A_134 = arith.constant 13 : i32
    %ge3A_135 = arith.cmpi sge, %ge3A_134, %squeeze3A : i32
    %le3A_136 = arith.constant 13 : i32
    %le3A_137 = arith.cmpi sle, %le3A_136, %squeeze3A_29 : i32
    %and3A_138 = arith.andi %ge3A_135, %le3A_137 : i1
    %convert_element_type3A_139 = arith.extui %and3A_138 : i1 to i32
    %cond3A_140 = arith.constant 0 : i32
    %cond3A_141 = arith.cmpi ne, %convert_element_type3A_139, %cond3A_140 : i32
    scf.if %cond3A_141 {
      %eq3A_547 = arith.constant 13 : i32
      %eq3A_548 = vector.broadcast %eq3A_547 : i32 to vector<1024x1xi32>
      %eq3A_549 = arith.cmpi eq, %get3A_32, %eq3A_548 : vector<1024x1xi32>
      %jit3A_550 = arith.constant -3.000000e+38 : f32
      %broadcast_in_dim3A_551 = vector.shape_cast %eq3A_549 : vector<1024x1xi1> to vector<1024x1xi1>
      %broadcast_in_dim3A_552 = vector.broadcast %broadcast_in_dim3A_551 : vector<1024x1xi1> to vector<1024x128xi1>
      %broadcast_in_dim3A_553 = vector.broadcast %jit3A_550 : f32 to vector<1024x128xf32>
      %select_n3A_554 = arith.select %broadcast_in_dim3A_552, %get3A_3, %broadcast_in_dim3A_553 : vector<1024x128xi1>, vector<1024x128xf32>
      %reduce_max3A = arith.constant dense<0xFF800000> : vector<128xf32>
      %reduce_max3A_555 = vector.multi_reduction <maximumf>, %select_n3A_554, %reduce_max3A [0] : vector<1024x128xf32> to vector<128xf32>
      %broadcast_in_dim3A_556 = vector.shape_cast %reduce_max3A_555 : vector<128xf32> to vector<1x128xf32>
      %get3A_557 = arith.constant 13 : index
      %get3A_558 = arith.constant 0 : index
      %get3A_559 = vector.load %arg10[%get3A_557, %get3A_558] : memref<64x128xf32, #tpu.memory_space<vmem>>, vector<1x128xf32>
      %max3A = arith.maximumf %get3A_559, %broadcast_in_dim3A_556 : vector<1x128xf32>
      %swap3A_560 = arith.constant 13 : index
      %swap3A_561 = arith.constant 0 : index
      %swap3A_562 = vector.load %arg10[%swap3A_560, %swap3A_561] : memref<64x128xf32, #tpu.memory_space<vmem>>, vector<1x128xf32>
      tpu.vector_store %arg10[%swap3A_560, %swap3A_561], %max3A {strides = array<i32>} : memref<64x128xf32, #tpu.memory_space<vmem>>, vector<1x128xf32>,
    } else {
    }
    %ge3A_142 = arith.constant 14 : i32
    %ge3A_143 = arith.cmpi sge, %ge3A_142, %squeeze3A : i32
    %le3A_144 = arith.constant 14 : i32
    %le3A_145 = arith.cmpi sle, %le3A_144, %squeeze3A_29 : i32
    %and3A_146 = arith.andi %ge3A_143, %le3A_145 : i1
    %convert_element_type3A_147 = arith.extui %and3A_146 : i1 to i32
    %cond3A_148 = arith.constant 0 : i32
    %cond3A_149 = arith.cmpi ne, %convert_element_type3A_147, %cond3A_148 : i32
    scf.if %cond3A_149 {
      %eq3A_547 = arith.constant 14 : i32
      %eq3A_548 = vector.broadcast %eq3A_547 : i32 to vector<1024x1xi32>
      %eq3A_549 = arith.cmpi eq, %get3A_32, %eq3A_548 : vector<1024x1xi32>
      %jit3A_550 = arith.constant -3.000000e+38 : f32
      %broadcast_in_dim3A_551 = vector.shape_cast %eq3A_549 : vector<1024x1xi1> to vector<1024x1xi1>
      %broadcast_in_dim3A_552 = vector.broadcast %broadcast_in_dim3A_551 : vector<1024x1xi1> to vector<1024x128xi1>
      %broadcast_in_dim3A_553 = vector.broadcast %jit3A_550 : f32 to vector<1024x128xf32>
      %select_n3A_554 = arith.select %broadcast_in_dim3A_552, %get3A_3, %broadcast_in_dim3A_553 : vector<1024x128xi1>, vector<1024x128xf32>
      %reduce_max3A = arith.constant dense<0xFF800000> : vector<128xf32>
      %reduce_max3A_555 = vector.multi_reduction <maximumf>, %select_n3A_554, %reduce_max3A [0] : vector<1024x128xf32> to vector<128xf32>
      %broadcast_in_dim3A_556 = vector.shape_cast %reduce_max3A_555 : vector<128xf32> to vector<1x128xf32>
      %get3A_557 = arith.constant 14 : index
      %get3A_558 = arith.constant 0 : index
      %get3A_559 = vector.load %arg10[%get3A_557, %get3A_558] : memref<64x128xf32, #tpu.memory_space<vmem>>, vector<1x128xf32>
      %max3A = arith.maximumf %get3A_559, %broadcast_in_dim3A_556 : vector<1x128xf32>
      %swap3A_560 = arith.constant 14 : index
      %swap3A_561 = arith.constant 0 : index
      %swap3A_562 = vector.load %arg10[%swap3A_560, %swap3A_561] : memref<64x128xf32, #tpu.memory_space<vmem>>, vector<1x128xf32>
      tpu.vector_store %arg10[%swap3A_560, %swap3A_561], %max3A {strides = array<i32>} : memref<64x128xf32, #tpu.memory_space<vmem>>, vector<1x128xf32>,
    } else {
    }
    %ge3A_150 = arith.constant 15 : i32
    %ge3A_151 = arith.cmpi sge, %ge3A_150, %squeeze3A : i32
    %le3A_152 = arith.constant 15 : i32
    %le3A_153 = arith.cmpi sle, %le3A_152, %squeeze3A_29 : i32
    %and3A_154 = arith.andi %ge3A_151, %le3A_153 : i1
    %convert_element_type3A_155 = arith.extui %and3A_154 : i1 to i32
    %cond3A_156 = arith.constant 0 : i32
    %cond3A_157 = arith.cmpi ne, %convert_element_type3A_155, %cond3A_156 : i32
    scf.if %cond3A_157 {
      %eq3A_547 = arith.constant 15 : i32
      %eq3A_548 = vector.broadcast %eq3A_547 : i32 to vector<1024x1xi32>
      %eq3A_549 = arith.cmpi eq, %get3A_32, %eq3A_548 : vector<1024x1xi32>
      %jit3A_550 = arith.constant -3.000000e+38 : f32
      %broadcast_in_dim3A_551 = vector.shape_cast %eq3A_549 : vector<1024x1xi1> to vector<1024x1xi1>
      %broadcast_in_dim3A_552 = vector.broadcast %broadcast_in_dim3A_551 : vector<1024x1xi1> to vector<1024x128xi1>
      %broadcast_in_dim3A_553 = vector.broadcast %jit3A_550 : f32 to vector<1024x128xf32>
      %select_n3A_554 = arith.select %broadcast_in_dim3A_552, %get3A_3, %broadcast_in_dim3A_553 : vector<1024x128xi1>, vector<1024x128xf32>
      %reduce_max3A = arith.constant dense<0xFF800000> : vector<128xf32>
      %reduce_max3A_555 = vector.multi_reduction <maximumf>, %select_n3A_554, %reduce_max3A [0] : vector<1024x128xf32> to vector<128xf32>
      %broadcast_in_dim3A_556 = vector.shape_cast %reduce_max3A_555 : vector<128xf32> to vector<1x128xf32>
      %get3A_557 = arith.constant 15 : index
      %get3A_558 = arith.constant 0 : index
      %get3A_559 = vector.load %arg10[%get3A_557, %get3A_558] : memref<64x128xf32, #tpu.memory_space<vmem>>, vector<1x128xf32>
      %max3A = arith.maximumf %get3A_559, %broadcast_in_dim3A_556 : vector<1x128xf32>
      %swap3A_560 = arith.constant 15 : index
      %swap3A_561 = arith.constant 0 : index
      %swap3A_562 = vector.load %arg10[%swap3A_560, %swap3A_561] : memref<64x128xf32, #tpu.memory_space<vmem>>, vector<1x128xf32>
      tpu.vector_store %arg10[%swap3A_560, %swap3A_561], %max3A {strides = array<i32>} : memref<64x128xf32, #tpu.memory_space<vmem>>, vector<1x128xf32>,
    } else {
    }
    %ge3A_158 = arith.constant 16 : i32
    %ge3A_159 = arith.cmpi sge, %ge3A_158, %squeeze3A : i32
    %le3A_160 = arith.constant 16 : i32
    %le3A_161 = arith.cmpi sle, %le3A_160, %squeeze3A_29 : i32
    %and3A_162 = arith.andi %ge3A_159, %le3A_161 : i1
    %convert_element_type3A_163 = arith.extui %and3A_162 : i1 to i32
    %cond3A_164 = arith.constant 0 : i32
    %cond3A_165 = arith.cmpi ne, %convert_element_type3A_163, %cond3A_164 : i32
    scf.if %cond3A_165 {
      %eq3A_547 = arith.constant 16 : i32
      %eq3A_548 = vector.broadcast %eq3A_547 : i32 to vector<1024x1xi32>
      %eq3A_549 = arith.cmpi eq, %get3A_32, %eq3A_548 : vector<1024x1xi32>
      %jit3A_550 = arith.constant -3.000000e+38 : f32
      %broadcast_in_dim3A_551 = vector.shape_cast %eq3A_549 : vector<1024x1xi1> to vector<1024x1xi1>
      %broadcast_in_dim3A_552 = vector.broadcast %broadcast_in_dim3A_551 : vector<1024x1xi1> to vector<1024x128xi1>
      %broadcast_in_dim3A_553 = vector.broadcast %jit3A_550 : f32 to vector<1024x128xf32>
      %select_n3A_554 = arith.select %broadcast_in_dim3A_552, %get3A_3, %broadcast_in_dim3A_553 : vector<1024x128xi1>, vector<1024x128xf32>
      %reduce_max3A = arith.constant dense<0xFF800000> : vector<128xf32>
      %reduce_max3A_555 = vector.multi_reduction <maximumf>, %select_n3A_554, %reduce_max3A [0] : vector<1024x128xf32> to vector<128xf32>
      %broadcast_in_dim3A_556 = vector.shape_cast %reduce_max3A_555 : vector<128xf32> to vector<1x128xf32>
      %get3A_557 = arith.constant 16 : index
      %get3A_558 = arith.constant 0 : index
      %get3A_559 = vector.load %arg10[%get3A_557, %get3A_558] : memref<64x128xf32, #tpu.memory_space<vmem>>, vector<1x128xf32>
      %max3A = arith.maximumf %get3A_559, %broadcast_in_dim3A_556 : vector<1x128xf32>
      %swap3A_560 = arith.constant 16 : index
      %swap3A_561 = arith.constant 0 : index
      %swap3A_562 = vector.load %arg10[%swap3A_560, %swap3A_561] : memref<64x128xf32, #tpu.memory_space<vmem>>, vector<1x128xf32>
      tpu.vector_store %arg10[%swap3A_560, %swap3A_561], %max3A {strides = array<i32>} : memref<64x128xf32, #tpu.memory_space<vmem>>, vector<1x128xf32>,
    } else {
    }
    %ge3A_166 = arith.constant 17 : i32
    %ge3A_167 = arith.cmpi sge, %ge3A_166, %squeeze3A : i32
    %le3A_168 = arith.constant 17 : i32
    %le3A_169 = arith.cmpi sle, %le3A_168, %squeeze3A_29 : i32
    %and3A_170 = arith.andi %ge3A_167, %le3A_169 : i1
    %convert_element_type3A_171 = arith.extui %and3A_170 : i1 to i32
    %cond3A_172 = arith.constant 0 : i32
    %cond3A_173 = arith.cmpi ne, %convert_element_type3A_171, %cond3A_172 : i32
    scf.if %cond3A_173 {
      %eq3A_547 = arith.constant 17 : i32
      %eq3A_548 = vector.broadcast %eq3A_547 : i32 to vector<1024x1xi32>
      %eq3A_549 = arith.cmpi eq, %get3A_32, %eq3A_548 : vector<1024x1xi32>
      %jit3A_550 = arith.constant -3.000000e+38 : f32
      %broadcast_in_dim3A_551 = vector.shape_cast %eq3A_549 : vector<1024x1xi1> to vector<1024x1xi1>
      %broadcast_in_dim3A_552 = vector.broadcast %broadcast_in_dim3A_551 : vector<1024x1xi1> to vector<1024x128xi1>
      %broadcast_in_dim3A_553 = vector.broadcast %jit3A_550 : f32 to vector<1024x128xf32>
      %select_n3A_554 = arith.select %broadcast_in_dim3A_552, %get3A_3, %broadcast_in_dim3A_553 : vector<1024x128xi1>, vector<1024x128xf32>
      %reduce_max3A = arith.constant dense<0xFF800000> : vector<128xf32>
      %reduce_max3A_555 = vector.multi_reduction <maximumf>, %select_n3A_554, %reduce_max3A [0] : vector<1024x128xf32> to vector<128xf32>
      %broadcast_in_dim3A_556 = vector.shape_cast %reduce_max3A_555 : vector<128xf32> to vector<1x128xf32>
      %get3A_557 = arith.constant 17 : index
      %get3A_558 = arith.constant 0 : index
      %get3A_559 = vector.load %arg10[%get3A_557, %get3A_558] : memref<64x128xf32, #tpu.memory_space<vmem>>, vector<1x128xf32>
      %max3A = arith.maximumf %get3A_559, %broadcast_in_dim3A_556 : vector<1x128xf32>
      %swap3A_560 = arith.constant 17 : index
      %swap3A_561 = arith.constant 0 : index
      %swap3A_562 = vector.load %arg10[%swap3A_560, %swap3A_561] : memref<64x128xf32, #tpu.memory_space<vmem>>, vector<1x128xf32>
      tpu.vector_store %arg10[%swap3A_560, %swap3A_561], %max3A {strides = array<i32>} : memref<64x128xf32, #tpu.memory_space<vmem>>, vector<1x128xf32>,
    } else {
    }
    %ge3A_174 = arith.constant 18 : i32
    %ge3A_175 = arith.cmpi sge, %ge3A_174, %squeeze3A : i32
    %le3A_176 = arith.constant 18 : i32
    %le3A_177 = arith.cmpi sle, %le3A_176, %squeeze3A_29 : i32
    %and3A_178 = arith.andi %ge3A_175, %le3A_177 : i1
    %convert_element_type3A_179 = arith.extui %and3A_178 : i1 to i32
    %cond3A_180 = arith.constant 0 : i32
    %cond3A_181 = arith.cmpi ne, %convert_element_type3A_179, %cond3A_180 : i32
    scf.if %cond3A_181 {
      %eq3A_547 = arith.constant 18 : i32
      %eq3A_548 = vector.broadcast %eq3A_547 : i32 to vector<1024x1xi32>
      %eq3A_549 = arith.cmpi eq, %get3A_32, %eq3A_548 : vector<1024x1xi32>
      %jit3A_550 = arith.constant -3.000000e+38 : f32
      %broadcast_in_dim3A_551 = vector.shape_cast %eq3A_549 : vector<1024x1xi1> to vector<1024x1xi1>
      %broadcast_in_dim3A_552 = vector.broadcast %broadcast_in_dim3A_551 : vector<1024x1xi1> to vector<1024x128xi1>
      %broadcast_in_dim3A_553 = vector.broadcast %jit3A_550 : f32 to vector<1024x128xf32>
      %select_n3A_554 = arith.select %broadcast_in_dim3A_552, %get3A_3, %broadcast_in_dim3A_553 : vector<1024x128xi1>, vector<1024x128xf32>
      %reduce_max3A = arith.constant dense<0xFF800000> : vector<128xf32>
      %reduce_max3A_555 = vector.multi_reduction <maximumf>, %select_n3A_554, %reduce_max3A [0] : vector<1024x128xf32> to vector<128xf32>
      %broadcast_in_dim3A_556 = vector.shape_cast %reduce_max3A_555 : vector<128xf32> to vector<1x128xf32>
      %get3A_557 = arith.constant 18 : index
      %get3A_558 = arith.constant 0 : index
      %get3A_559 = vector.load %arg10[%get3A_557, %get3A_558] : memref<64x128xf32, #tpu.memory_space<vmem>>, vector<1x128xf32>
      %max3A = arith.maximumf %get3A_559, %broadcast_in_dim3A_556 : vector<1x128xf32>
      %swap3A_560 = arith.constant 18 : index
      %swap3A_561 = arith.constant 0 : index
      %swap3A_562 = vector.load %arg10[%swap3A_560, %swap3A_561] : memref<64x128xf32, #tpu.memory_space<vmem>>, vector<1x128xf32>
      tpu.vector_store %arg10[%swap3A_560, %swap3A_561], %max3A {strides = array<i32>} : memref<64x128xf32, #tpu.memory_space<vmem>>, vector<1x128xf32>,
    } else {
    }
    %ge3A_182 = arith.constant 19 : i32
    %ge3A_183 = arith.cmpi sge, %ge3A_182, %squeeze3A : i32
    %le3A_184 = arith.constant 19 : i32
    %le3A_185 = arith.cmpi sle, %le3A_184, %squeeze3A_29 : i32
    %and3A_186 = arith.andi %ge3A_183, %le3A_185 : i1
    %convert_element_type3A_187 = arith.extui %and3A_186 : i1 to i32
    %cond3A_188 = arith.constant 0 : i32
    %cond3A_189 = arith.cmpi ne, %convert_element_type3A_187, %cond3A_188 : i32
    scf.if %cond3A_189 {
      %eq3A_547 = arith.constant 19 : i32
      %eq3A_548 = vector.broadcast %eq3A_547 : i32 to vector<1024x1xi32>
      %eq3A_549 = arith.cmpi eq, %get3A_32, %eq3A_548 : vector<1024x1xi32>
      %jit3A_550 = arith.constant -3.000000e+38 : f32
      %broadcast_in_dim3A_551 = vector.shape_cast %eq3A_549 : vector<1024x1xi1> to vector<1024x1xi1>
      %broadcast_in_dim3A_552 = vector.broadcast %broadcast_in_dim3A_551 : vector<1024x1xi1> to vector<1024x128xi1>
      %broadcast_in_dim3A_553 = vector.broadcast %jit3A_550 : f32 to vector<1024x128xf32>
      %select_n3A_554 = arith.select %broadcast_in_dim3A_552, %get3A_3, %broadcast_in_dim3A_553 : vector<1024x128xi1>, vector<1024x128xf32>
      %reduce_max3A = arith.constant dense<0xFF800000> : vector<128xf32>
      %reduce_max3A_555 = vector.multi_reduction <maximumf>, %select_n3A_554, %reduce_max3A [0] : vector<1024x128xf32> to vector<128xf32>
      %broadcast_in_dim3A_556 = vector.shape_cast %reduce_max3A_555 : vector<128xf32> to vector<1x128xf32>
      %get3A_557 = arith.constant 19 : index
      %get3A_558 = arith.constant 0 : index
      %get3A_559 = vector.load %arg10[%get3A_557, %get3A_558] : memref<64x128xf32, #tpu.memory_space<vmem>>, vector<1x128xf32>
      %max3A = arith.maximumf %get3A_559, %broadcast_in_dim3A_556 : vector<1x128xf32>
      %swap3A_560 = arith.constant 19 : index
      %swap3A_561 = arith.constant 0 : index
      %swap3A_562 = vector.load %arg10[%swap3A_560, %swap3A_561] : memref<64x128xf32, #tpu.memory_space<vmem>>, vector<1x128xf32>
      tpu.vector_store %arg10[%swap3A_560, %swap3A_561], %max3A {strides = array<i32>} : memref<64x128xf32, #tpu.memory_space<vmem>>, vector<1x128xf32>,
    } else {
    }
    %ge3A_190 = arith.constant 20 : i32
    %ge3A_191 = arith.cmpi sge, %ge3A_190, %squeeze3A : i32
    %le3A_192 = arith.constant 20 : i32
    %le3A_193 = arith.cmpi sle, %le3A_192, %squeeze3A_29 : i32
    %and3A_194 = arith.andi %ge3A_191, %le3A_193 : i1
    %convert_element_type3A_195 = arith.extui %and3A_194 : i1 to i32
    %cond3A_196 = arith.constant 0 : i32
    %cond3A_197 = arith.cmpi ne, %convert_element_type3A_195, %cond3A_196 : i32
    scf.if %cond3A_197 {
      %eq3A_547 = arith.constant 20 : i32
      %eq3A_548 = vector.broadcast %eq3A_547 : i32 to vector<1024x1xi32>
      %eq3A_549 = arith.cmpi eq, %get3A_32, %eq3A_548 : vector<1024x1xi32>
      %jit3A_550 = arith.constant -3.000000e+38 : f32
      %broadcast_in_dim3A_551 = vector.shape_cast %eq3A_549 : vector<1024x1xi1> to vector<1024x1xi1>
      %broadcast_in_dim3A_552 = vector.broadcast %broadcast_in_dim3A_551 : vector<1024x1xi1> to vector<1024x128xi1>
      %broadcast_in_dim3A_553 = vector.broadcast %jit3A_550 : f32 to vector<1024x128xf32>
      %select_n3A_554 = arith.select %broadcast_in_dim3A_552, %get3A_3, %broadcast_in_dim3A_553 : vector<1024x128xi1>, vector<1024x128xf32>
      %reduce_max3A = arith.constant dense<0xFF800000> : vector<128xf32>
      %reduce_max3A_555 = vector.multi_reduction <maximumf>, %select_n3A_554, %reduce_max3A [0] : vector<1024x128xf32> to vector<128xf32>
      %broadcast_in_dim3A_556 = vector.shape_cast %reduce_max3A_555 : vector<128xf32> to vector<1x128xf32>
      %get3A_557 = arith.constant 20 : index
      %get3A_558 = arith.constant 0 : index
      %get3A_559 = vector.load %arg10[%get3A_557, %get3A_558] : memref<64x128xf32, #tpu.memory_space<vmem>>, vector<1x128xf32>
      %max3A = arith.maximumf %get3A_559, %broadcast_in_dim3A_556 : vector<1x128xf32>
      %swap3A_560 = arith.constant 20 : index
      %swap3A_561 = arith.constant 0 : index
      %swap3A_562 = vector.load %arg10[%swap3A_560, %swap3A_561] : memref<64x128xf32, #tpu.memory_space<vmem>>, vector<1x128xf32>
      tpu.vector_store %arg10[%swap3A_560, %swap3A_561], %max3A {strides = array<i32>} : memref<64x128xf32, #tpu.memory_space<vmem>>, vector<1x128xf32>,
    } else {
    }
    %ge3A_198 = arith.constant 21 : i32
    %ge3A_199 = arith.cmpi sge, %ge3A_198, %squeeze3A : i32
    %le3A_200 = arith.constant 21 : i32
    %le3A_201 = arith.cmpi sle, %le3A_200, %squeeze3A_29 : i32
    %and3A_202 = arith.andi %ge3A_199, %le3A_201 : i1
    %convert_element_type3A_203 = arith.extui %and3A_202 : i1 to i32
    %cond3A_204 = arith.constant 0 : i32
    %cond3A_205 = arith.cmpi ne, %convert_element_type3A_203, %cond3A_204 : i32
    scf.if %cond3A_205 {
      %eq3A_547 = arith.constant 21 : i32
      %eq3A_548 = vector.broadcast %eq3A_547 : i32 to vector<1024x1xi32>
      %eq3A_549 = arith.cmpi eq, %get3A_32, %eq3A_548 : vector<1024x1xi32>
      %jit3A_550 = arith.constant -3.000000e+38 : f32
      %broadcast_in_dim3A_551 = vector.shape_cast %eq3A_549 : vector<1024x1xi1> to vector<1024x1xi1>
      %broadcast_in_dim3A_552 = vector.broadcast %broadcast_in_dim3A_551 : vector<1024x1xi1> to vector<1024x128xi1>
      %broadcast_in_dim3A_553 = vector.broadcast %jit3A_550 : f32 to vector<1024x128xf32>
      %select_n3A_554 = arith.select %broadcast_in_dim3A_552, %get3A_3, %broadcast_in_dim3A_553 : vector<1024x128xi1>, vector<1024x128xf32>
      %reduce_max3A = arith.constant dense<0xFF800000> : vector<128xf32>
      %reduce_max3A_555 = vector.multi_reduction <maximumf>, %select_n3A_554, %reduce_max3A [0] : vector<1024x128xf32> to vector<128xf32>
      %broadcast_in_dim3A_556 = vector.shape_cast %reduce_max3A_555 : vector<128xf32> to vector<1x128xf32>
      %get3A_557 = arith.constant 21 : index
      %get3A_558 = arith.constant 0 : index
      %get3A_559 = vector.load %arg10[%get3A_557, %get3A_558] : memref<64x128xf32, #tpu.memory_space<vmem>>, vector<1x128xf32>
      %max3A = arith.maximumf %get3A_559, %broadcast_in_dim3A_556 : vector<1x128xf32>
      %swap3A_560 = arith.constant 21 : index
      %swap3A_561 = arith.constant 0 : index
      %swap3A_562 = vector.load %arg10[%swap3A_560, %swap3A_561] : memref<64x128xf32, #tpu.memory_space<vmem>>, vector<1x128xf32>
      tpu.vector_store %arg10[%swap3A_560, %swap3A_561], %max3A {strides = array<i32>} : memref<64x128xf32, #tpu.memory_space<vmem>>, vector<1x128xf32>,
    } else {
    }
    %ge3A_206 = arith.constant 22 : i32
    %ge3A_207 = arith.cmpi sge, %ge3A_206, %squeeze3A : i32
    %le3A_208 = arith.constant 22 : i32
    %le3A_209 = arith.cmpi sle, %le3A_208, %squeeze3A_29 : i32
    %and3A_210 = arith.andi %ge3A_207, %le3A_209 : i1
    %convert_element_type3A_211 = arith.extui %and3A_210 : i1 to i32
    %cond3A_212 = arith.constant 0 : i32
    %cond3A_213 = arith.cmpi ne, %convert_element_type3A_211, %cond3A_212 : i32
    scf.if %cond3A_213 {
      %eq3A_547 = arith.constant 22 : i32
      %eq3A_548 = vector.broadcast %eq3A_547 : i32 to vector<1024x1xi32>
      %eq3A_549 = arith.cmpi eq, %get3A_32, %eq3A_548 : vector<1024x1xi32>
      %jit3A_550 = arith.constant -3.000000e+38 : f32
      %broadcast_in_dim3A_551 = vector.shape_cast %eq3A_549 : vector<1024x1xi1> to vector<1024x1xi1>
      %broadcast_in_dim3A_552 = vector.broadcast %broadcast_in_dim3A_551 : vector<1024x1xi1> to vector<1024x128xi1>
      %broadcast_in_dim3A_553 = vector.broadcast %jit3A_550 : f32 to vector<1024x128xf32>
      %select_n3A_554 = arith.select %broadcast_in_dim3A_552, %get3A_3, %broadcast_in_dim3A_553 : vector<1024x128xi1>, vector<1024x128xf32>
      %reduce_max3A = arith.constant dense<0xFF800000> : vector<128xf32>
      %reduce_max3A_555 = vector.multi_reduction <maximumf>, %select_n3A_554, %reduce_max3A [0] : vector<1024x128xf32> to vector<128xf32>
      %broadcast_in_dim3A_556 = vector.shape_cast %reduce_max3A_555 : vector<128xf32> to vector<1x128xf32>
      %get3A_557 = arith.constant 22 : index
      %get3A_558 = arith.constant 0 : index
      %get3A_559 = vector.load %arg10[%get3A_557, %get3A_558] : memref<64x128xf32, #tpu.memory_space<vmem>>, vector<1x128xf32>
      %max3A = arith.maximumf %get3A_559, %broadcast_in_dim3A_556 : vector<1x128xf32>
      %swap3A_560 = arith.constant 22 : index
      %swap3A_561 = arith.constant 0 : index
      %swap3A_562 = vector.load %arg10[%swap3A_560, %swap3A_561] : memref<64x128xf32, #tpu.memory_space<vmem>>, vector<1x128xf32>
      tpu.vector_store %arg10[%swap3A_560, %swap3A_561], %max3A {strides = array<i32>} : memref<64x128xf32, #tpu.memory_space<vmem>>, vector<1x128xf32>,
    } else {
    }
    %ge3A_214 = arith.constant 23 : i32
    %ge3A_215 = arith.cmpi sge, %ge3A_214, %squeeze3A : i32
    %le3A_216 = arith.constant 23 : i32
    %le3A_217 = arith.cmpi sle, %le3A_216, %squeeze3A_29 : i32
    %and3A_218 = arith.andi %ge3A_215, %le3A_217 : i1
    %convert_element_type3A_219 = arith.extui %and3A_218 : i1 to i32
    %cond3A_220 = arith.constant 0 : i32
    %cond3A_221 = arith.cmpi ne, %convert_element_type3A_219, %cond3A_220 : i32
    scf.if %cond3A_221 {
      %eq3A_547 = arith.constant 23 : i32
      %eq3A_548 = vector.broadcast %eq3A_547 : i32 to vector<1024x1xi32>
      %eq3A_549 = arith.cmpi eq, %get3A_32, %eq3A_548 : vector<1024x1xi32>
      %jit3A_550 = arith.constant -3.000000e+38 : f32
      %broadcast_in_dim3A_551 = vector.shape_cast %eq3A_549 : vector<1024x1xi1> to vector<1024x1xi1>
      %broadcast_in_dim3A_552 = vector.broadcast %broadcast_in_dim3A_551 : vector<1024x1xi1> to vector<1024x128xi1>
      %broadcast_in_dim3A_553 = vector.broadcast %jit3A_550 : f32 to vector<1024x128xf32>
      %select_n3A_554 = arith.select %broadcast_in_dim3A_552, %get3A_3, %broadcast_in_dim3A_553 : vector<1024x128xi1>, vector<1024x128xf32>
      %reduce_max3A = arith.constant dense<0xFF800000> : vector<128xf32>
      %reduce_max3A_555 = vector.multi_reduction <maximumf>, %select_n3A_554, %reduce_max3A [0] : vector<1024x128xf32> to vector<128xf32>
      %broadcast_in_dim3A_556 = vector.shape_cast %reduce_max3A_555 : vector<128xf32> to vector<1x128xf32>
      %get3A_557 = arith.constant 23 : index
      %get3A_558 = arith.constant 0 : index
      %get3A_559 = vector.load %arg10[%get3A_557, %get3A_558] : memref<64x128xf32, #tpu.memory_space<vmem>>, vector<1x128xf32>
      %max3A = arith.maximumf %get3A_559, %broadcast_in_dim3A_556 : vector<1x128xf32>
      %swap3A_560 = arith.constant 23 : index
      %swap3A_561 = arith.constant 0 : index
      %swap3A_562 = vector.load %arg10[%swap3A_560, %swap3A_561] : memref<64x128xf32, #tpu.memory_space<vmem>>, vector<1x128xf32>
      tpu.vector_store %arg10[%swap3A_560, %swap3A_561], %max3A {strides = array<i32>} : memref<64x128xf32, #tpu.memory_space<vmem>>, vector<1x128xf32>,
    } else {
    }
    %ge3A_222 = arith.constant 24 : i32
    %ge3A_223 = arith.cmpi sge, %ge3A_222, %squeeze3A : i32
    %le3A_224 = arith.constant 24 : i32
    %le3A_225 = arith.cmpi sle, %le3A_224, %squeeze3A_29 : i32
    %and3A_226 = arith.andi %ge3A_223, %le3A_225 : i1
    %convert_element_type3A_227 = arith.extui %and3A_226 : i1 to i32
    %cond3A_228 = arith.constant 0 : i32
    %cond3A_229 = arith.cmpi ne, %convert_element_type3A_227, %cond3A_228 : i32
    scf.if %cond3A_229 {
      %eq3A_547 = arith.constant 24 : i32
      %eq3A_548 = vector.broadcast %eq3A_547 : i32 to vector<1024x1xi32>
      %eq3A_549 = arith.cmpi eq, %get3A_32, %eq3A_548 : vector<1024x1xi32>
      %jit3A_550 = arith.constant -3.000000e+38 : f32
      %broadcast_in_dim3A_551 = vector.shape_cast %eq3A_549 : vector<1024x1xi1> to vector<1024x1xi1>
      %broadcast_in_dim3A_552 = vector.broadcast %broadcast_in_dim3A_551 : vector<1024x1xi1> to vector<1024x128xi1>
      %broadcast_in_dim3A_553 = vector.broadcast %jit3A_550 : f32 to vector<1024x128xf32>
      %select_n3A_554 = arith.select %broadcast_in_dim3A_552, %get3A_3, %broadcast_in_dim3A_553 : vector<1024x128xi1>, vector<1024x128xf32>
      %reduce_max3A = arith.constant dense<0xFF800000> : vector<128xf32>
      %reduce_max3A_555 = vector.multi_reduction <maximumf>, %select_n3A_554, %reduce_max3A [0] : vector<1024x128xf32> to vector<128xf32>
      %broadcast_in_dim3A_556 = vector.shape_cast %reduce_max3A_555 : vector<128xf32> to vector<1x128xf32>
      %get3A_557 = arith.constant 24 : index
      %get3A_558 = arith.constant 0 : index
      %get3A_559 = vector.load %arg10[%get3A_557, %get3A_558] : memref<64x128xf32, #tpu.memory_space<vmem>>, vector<1x128xf32>
      %max3A = arith.maximumf %get3A_559, %broadcast_in_dim3A_556 : vector<1x128xf32>
      %swap3A_560 = arith.constant 24 : index
      %swap3A_561 = arith.constant 0 : index
      %swap3A_562 = vector.load %arg10[%swap3A_560, %swap3A_561] : memref<64x128xf32, #tpu.memory_space<vmem>>, vector<1x128xf32>
      tpu.vector_store %arg10[%swap3A_560, %swap3A_561], %max3A {strides = array<i32>} : memref<64x128xf32, #tpu.memory_space<vmem>>, vector<1x128xf32>,
    } else {
    }
    %ge3A_230 = arith.constant 25 : i32
    %ge3A_231 = arith.cmpi sge, %ge3A_230, %squeeze3A : i32
    %le3A_232 = arith.constant 25 : i32
    %le3A_233 = arith.cmpi sle, %le3A_232, %squeeze3A_29 : i32
    %and3A_234 = arith.andi %ge3A_231, %le3A_233 : i1
    %convert_element_type3A_235 = arith.extui %and3A_234 : i1 to i32
    %cond3A_236 = arith.constant 0 : i32
    %cond3A_237 = arith.cmpi ne, %convert_element_type3A_235, %cond3A_236 : i32
    scf.if %cond3A_237 {
      %eq3A_547 = arith.constant 25 : i32
      %eq3A_548 = vector.broadcast %eq3A_547 : i32 to vector<1024x1xi32>
      %eq3A_549 = arith.cmpi eq, %get3A_32, %eq3A_548 : vector<1024x1xi32>
      %jit3A_550 = arith.constant -3.000000e+38 : f32
      %broadcast_in_dim3A_551 = vector.shape_cast %eq3A_549 : vector<1024x1xi1> to vector<1024x1xi1>
      %broadcast_in_dim3A_552 = vector.broadcast %broadcast_in_dim3A_551 : vector<1024x1xi1> to vector<1024x128xi1>
      %broadcast_in_dim3A_553 = vector.broadcast %jit3A_550 : f32 to vector<1024x128xf32>
      %select_n3A_554 = arith.select %broadcast_in_dim3A_552, %get3A_3, %broadcast_in_dim3A_553 : vector<1024x128xi1>, vector<1024x128xf32>
      %reduce_max3A = arith.constant dense<0xFF800000> : vector<128xf32>
      %reduce_max3A_555 = vector.multi_reduction <maximumf>, %select_n3A_554, %reduce_max3A [0] : vector<1024x128xf32> to vector<128xf32>
      %broadcast_in_dim3A_556 = vector.shape_cast %reduce_max3A_555 : vector<128xf32> to vector<1x128xf32>
      %get3A_557 = arith.constant 25 : index
      %get3A_558 = arith.constant 0 : index
      %get3A_559 = vector.load %arg10[%get3A_557, %get3A_558] : memref<64x128xf32, #tpu.memory_space<vmem>>, vector<1x128xf32>
      %max3A = arith.maximumf %get3A_559, %broadcast_in_dim3A_556 : vector<1x128xf32>
      %swap3A_560 = arith.constant 25 : index
      %swap3A_561 = arith.constant 0 : index
      %swap3A_562 = vector.load %arg10[%swap3A_560, %swap3A_561] : memref<64x128xf32, #tpu.memory_space<vmem>>, vector<1x128xf32>
      tpu.vector_store %arg10[%swap3A_560, %swap3A_561], %max3A {strides = array<i32>} : memref<64x128xf32, #tpu.memory_space<vmem>>, vector<1x128xf32>,
    } else {
    }
    %ge3A_238 = arith.constant 26 : i32
    %ge3A_239 = arith.cmpi sge, %ge3A_238, %squeeze3A : i32
    %le3A_240 = arith.constant 26 : i32
    %le3A_241 = arith.cmpi sle, %le3A_240, %squeeze3A_29 : i32
    %and3A_242 = arith.andi %ge3A_239, %le3A_241 : i1
    %convert_element_type3A_243 = arith.extui %and3A_242 : i1 to i32
    %cond3A_244 = arith.constant 0 : i32
    %cond3A_245 = arith.cmpi ne, %convert_element_type3A_243, %cond3A_244 : i32
    scf.if %cond3A_245 {
      %eq3A_547 = arith.constant 26 : i32
      %eq3A_548 = vector.broadcast %eq3A_547 : i32 to vector<1024x1xi32>
      %eq3A_549 = arith.cmpi eq, %get3A_32, %eq3A_548 : vector<1024x1xi32>
      %jit3A_550 = arith.constant -3.000000e+38 : f32
      %broadcast_in_dim3A_551 = vector.shape_cast %eq3A_549 : vector<1024x1xi1> to vector<1024x1xi1>
      %broadcast_in_dim3A_552 = vector.broadcast %broadcast_in_dim3A_551 : vector<1024x1xi1> to vector<1024x128xi1>
      %broadcast_in_dim3A_553 = vector.broadcast %jit3A_550 : f32 to vector<1024x128xf32>
      %select_n3A_554 = arith.select %broadcast_in_dim3A_552, %get3A_3, %broadcast_in_dim3A_553 : vector<1024x128xi1>, vector<1024x128xf32>
      %reduce_max3A = arith.constant dense<0xFF800000> : vector<128xf32>
      %reduce_max3A_555 = vector.multi_reduction <maximumf>, %select_n3A_554, %reduce_max3A [0] : vector<1024x128xf32> to vector<128xf32>
      %broadcast_in_dim3A_556 = vector.shape_cast %reduce_max3A_555 : vector<128xf32> to vector<1x128xf32>
      %get3A_557 = arith.constant 26 : index
      %get3A_558 = arith.constant 0 : index
      %get3A_559 = vector.load %arg10[%get3A_557, %get3A_558] : memref<64x128xf32, #tpu.memory_space<vmem>>, vector<1x128xf32>
      %max3A = arith.maximumf %get3A_559, %broadcast_in_dim3A_556 : vector<1x128xf32>
      %swap3A_560 = arith.constant 26 : index
      %swap3A_561 = arith.constant 0 : index
      %swap3A_562 = vector.load %arg10[%swap3A_560, %swap3A_561] : memref<64x128xf32, #tpu.memory_space<vmem>>, vector<1x128xf32>
      tpu.vector_store %arg10[%swap3A_560, %swap3A_561], %max3A {strides = array<i32>} : memref<64x128xf32, #tpu.memory_space<vmem>>, vector<1x128xf32>,
    } else {
    }
    %ge3A_246 = arith.constant 27 : i32
    %ge3A_247 = arith.cmpi sge, %ge3A_246, %squeeze3A : i32
    %le3A_248 = arith.constant 27 : i32
    %le3A_249 = arith.cmpi sle, %le3A_248, %squeeze3A_29 : i32
    %and3A_250 = arith.andi %ge3A_247, %le3A_249 : i1
    %convert_element_type3A_251 = arith.extui %and3A_250 : i1 to i32
    %cond3A_252 = arith.constant 0 : i32
    %cond3A_253 = arith.cmpi ne, %convert_element_type3A_251, %cond3A_252 : i32
    scf.if %cond3A_253 {
      %eq3A_547 = arith.constant 27 : i32
      %eq3A_548 = vector.broadcast %eq3A_547 : i32 to vector<1024x1xi32>
      %eq3A_549 = arith.cmpi eq, %get3A_32, %eq3A_548 : vector<1024x1xi32>
      %jit3A_550 = arith.constant -3.000000e+38 : f32
      %broadcast_in_dim3A_551 = vector.shape_cast %eq3A_549 : vector<1024x1xi1> to vector<1024x1xi1>
      %broadcast_in_dim3A_552 = vector.broadcast %broadcast_in_dim3A_551 : vector<1024x1xi1> to vector<1024x128xi1>
      %broadcast_in_dim3A_553 = vector.broadcast %jit3A_550 : f32 to vector<1024x128xf32>
      %select_n3A_554 = arith.select %broadcast_in_dim3A_552, %get3A_3, %broadcast_in_dim3A_553 : vector<1024x128xi1>, vector<1024x128xf32>
      %reduce_max3A = arith.constant dense<0xFF800000> : vector<128xf32>
      %reduce_max3A_555 = vector.multi_reduction <maximumf>, %select_n3A_554, %reduce_max3A [0] : vector<1024x128xf32> to vector<128xf32>
      %broadcast_in_dim3A_556 = vector.shape_cast %reduce_max3A_555 : vector<128xf32> to vector<1x128xf32>
      %get3A_557 = arith.constant 27 : index
      %get3A_558 = arith.constant 0 : index
      %get3A_559 = vector.load %arg10[%get3A_557, %get3A_558] : memref<64x128xf32, #tpu.memory_space<vmem>>, vector<1x128xf32>
      %max3A = arith.maximumf %get3A_559, %broadcast_in_dim3A_556 : vector<1x128xf32>
      %swap3A_560 = arith.constant 27 : index
      %swap3A_561 = arith.constant 0 : index
      %swap3A_562 = vector.load %arg10[%swap3A_560, %swap3A_561] : memref<64x128xf32, #tpu.memory_space<vmem>>, vector<1x128xf32>
      tpu.vector_store %arg10[%swap3A_560, %swap3A_561], %max3A {strides = array<i32>} : memref<64x128xf32, #tpu.memory_space<vmem>>, vector<1x128xf32>,
    } else {
    }
    %ge3A_254 = arith.constant 28 : i32
    %ge3A_255 = arith.cmpi sge, %ge3A_254, %squeeze3A : i32
    %le3A_256 = arith.constant 28 : i32
    %le3A_257 = arith.cmpi sle, %le3A_256, %squeeze3A_29 : i32
    %and3A_258 = arith.andi %ge3A_255, %le3A_257 : i1
    %convert_element_type3A_259 = arith.extui %and3A_258 : i1 to i32
    %cond3A_260 = arith.constant 0 : i32
    %cond3A_261 = arith.cmpi ne, %convert_element_type3A_259, %cond3A_260 : i32
    scf.if %cond3A_261 {
      %eq3A_547 = arith.constant 28 : i32
      %eq3A_548 = vector.broadcast %eq3A_547 : i32 to vector<1024x1xi32>
      %eq3A_549 = arith.cmpi eq, %get3A_32, %eq3A_548 : vector<1024x1xi32>
      %jit3A_550 = arith.constant -3.000000e+38 : f32
      %broadcast_in_dim3A_551 = vector.shape_cast %eq3A_549 : vector<1024x1xi1> to vector<1024x1xi1>
      %broadcast_in_dim3A_552 = vector.broadcast %broadcast_in_dim3A_551 : vector<1024x1xi1> to vector<1024x128xi1>
      %broadcast_in_dim3A_553 = vector.broadcast %jit3A_550 : f32 to vector<1024x128xf32>
      %select_n3A_554 = arith.select %broadcast_in_dim3A_552, %get3A_3, %broadcast_in_dim3A_553 : vector<1024x128xi1>, vector<1024x128xf32>
      %reduce_max3A = arith.constant dense<0xFF800000> : vector<128xf32>
      %reduce_max3A_555 = vector.multi_reduction <maximumf>, %select_n3A_554, %reduce_max3A [0] : vector<1024x128xf32> to vector<128xf32>
      %broadcast_in_dim3A_556 = vector.shape_cast %reduce_max3A_555 : vector<128xf32> to vector<1x128xf32>
      %get3A_557 = arith.constant 28 : index
      %get3A_558 = arith.constant 0 : index
      %get3A_559 = vector.load %arg10[%get3A_557, %get3A_558] : memref<64x128xf32, #tpu.memory_space<vmem>>, vector<1x128xf32>
      %max3A = arith.maximumf %get3A_559, %broadcast_in_dim3A_556 : vector<1x128xf32>
      %swap3A_560 = arith.constant 28 : index
      %swap3A_561 = arith.constant 0 : index
      %swap3A_562 = vector.load %arg10[%swap3A_560, %swap3A_561] : memref<64x128xf32, #tpu.memory_space<vmem>>, vector<1x128xf32>
      tpu.vector_store %arg10[%swap3A_560, %swap3A_561], %max3A {strides = array<i32>} : memref<64x128xf32, #tpu.memory_space<vmem>>, vector<1x128xf32>,
    } else {
    }
    %ge3A_262 = arith.constant 29 : i32
    %ge3A_263 = arith.cmpi sge, %ge3A_262, %squeeze3A : i32
    %le3A_264 = arith.constant 29 : i32
    %le3A_265 = arith.cmpi sle, %le3A_264, %squeeze3A_29 : i32
    %and3A_266 = arith.andi %ge3A_263, %le3A_265 : i1
    %convert_element_type3A_267 = arith.extui %and3A_266 : i1 to i32
    %cond3A_268 = arith.constant 0 : i32
    %cond3A_269 = arith.cmpi ne, %convert_element_type3A_267, %cond3A_268 : i32
    scf.if %cond3A_269 {
      %eq3A_547 = arith.constant 29 : i32
      %eq3A_548 = vector.broadcast %eq3A_547 : i32 to vector<1024x1xi32>
      %eq3A_549 = arith.cmpi eq, %get3A_32, %eq3A_548 : vector<1024x1xi32>
      %jit3A_550 = arith.constant -3.000000e+38 : f32
      %broadcast_in_dim3A_551 = vector.shape_cast %eq3A_549 : vector<1024x1xi1> to vector<1024x1xi1>
      %broadcast_in_dim3A_552 = vector.broadcast %broadcast_in_dim3A_551 : vector<1024x1xi1> to vector<1024x128xi1>
      %broadcast_in_dim3A_553 = vector.broadcast %jit3A_550 : f32 to vector<1024x128xf32>
      %select_n3A_554 = arith.select %broadcast_in_dim3A_552, %get3A_3, %broadcast_in_dim3A_553 : vector<1024x128xi1>, vector<1024x128xf32>
      %reduce_max3A = arith.constant dense<0xFF800000> : vector<128xf32>
      %reduce_max3A_555 = vector.multi_reduction <maximumf>, %select_n3A_554, %reduce_max3A [0] : vector<1024x128xf32> to vector<128xf32>
      %broadcast_in_dim3A_556 = vector.shape_cast %reduce_max3A_555 : vector<128xf32> to vector<1x128xf32>
      %get3A_557 = arith.constant 29 : index
      %get3A_558 = arith.constant 0 : index
      %get3A_559 = vector.load %arg10[%get3A_557, %get3A_558] : memref<64x128xf32, #tpu.memory_space<vmem>>, vector<1x128xf32>
      %max3A = arith.maximumf %get3A_559, %broadcast_in_dim3A_556 : vector<1x128xf32>
      %swap3A_560 = arith.constant 29 : index
      %swap3A_561 = arith.constant 0 : index
      %swap3A_562 = vector.load %arg10[%swap3A_560, %swap3A_561] : memref<64x128xf32, #tpu.memory_space<vmem>>, vector<1x128xf32>
      tpu.vector_store %arg10[%swap3A_560, %swap3A_561], %max3A {strides = array<i32>} : memref<64x128xf32, #tpu.memory_space<vmem>>, vector<1x128xf32>,
    } else {
    }
    %ge3A_270 = arith.constant 30 : i32
    %ge3A_271 = arith.cmpi sge, %ge3A_270, %squeeze3A : i32
    %le3A_272 = arith.constant 30 : i32
    %le3A_273 = arith.cmpi sle, %le3A_272, %squeeze3A_29 : i32
    %and3A_274 = arith.andi %ge3A_271, %le3A_273 : i1
    %convert_element_type3A_275 = arith.extui %and3A_274 : i1 to i32
    %cond3A_276 = arith.constant 0 : i32
    %cond3A_277 = arith.cmpi ne, %convert_element_type3A_275, %cond3A_276 : i32
    scf.if %cond3A_277 {
      %eq3A_547 = arith.constant 30 : i32
      %eq3A_548 = vector.broadcast %eq3A_547 : i32 to vector<1024x1xi32>
      %eq3A_549 = arith.cmpi eq, %get3A_32, %eq3A_548 : vector<1024x1xi32>
      %jit3A_550 = arith.constant -3.000000e+38 : f32
      %broadcast_in_dim3A_551 = vector.shape_cast %eq3A_549 : vector<1024x1xi1> to vector<1024x1xi1>
      %broadcast_in_dim3A_552 = vector.broadcast %broadcast_in_dim3A_551 : vector<1024x1xi1> to vector<1024x128xi1>
      %broadcast_in_dim3A_553 = vector.broadcast %jit3A_550 : f32 to vector<1024x128xf32>
      %select_n3A_554 = arith.select %broadcast_in_dim3A_552, %get3A_3, %broadcast_in_dim3A_553 : vector<1024x128xi1>, vector<1024x128xf32>
      %reduce_max3A = arith.constant dense<0xFF800000> : vector<128xf32>
      %reduce_max3A_555 = vector.multi_reduction <maximumf>, %select_n3A_554, %reduce_max3A [0] : vector<1024x128xf32> to vector<128xf32>
      %broadcast_in_dim3A_556 = vector.shape_cast %reduce_max3A_555 : vector<128xf32> to vector<1x128xf32>
      %get3A_557 = arith.constant 30 : index
      %get3A_558 = arith.constant 0 : index
      %get3A_559 = vector.load %arg10[%get3A_557, %get3A_558] : memref<64x128xf32, #tpu.memory_space<vmem>>, vector<1x128xf32>
      %max3A = arith.maximumf %get3A_559, %broadcast_in_dim3A_556 : vector<1x128xf32>
      %swap3A_560 = arith.constant 30 : index
      %swap3A_561 = arith.constant 0 : index
      %swap3A_562 = vector.load %arg10[%swap3A_560, %swap3A_561] : memref<64x128xf32, #tpu.memory_space<vmem>>, vector<1x128xf32>
      tpu.vector_store %arg10[%swap3A_560, %swap3A_561], %max3A {strides = array<i32>} : memref<64x128xf32, #tpu.memory_space<vmem>>, vector<1x128xf32>,
    } else {
    }
    %ge3A_278 = arith.constant 31 : i32
    %ge3A_279 = arith.cmpi sge, %ge3A_278, %squeeze3A : i32
    %le3A_280 = arith.constant 31 : i32
    %le3A_281 = arith.cmpi sle, %le3A_280, %squeeze3A_29 : i32
    %and3A_282 = arith.andi %ge3A_279, %le3A_281 : i1
    %convert_element_type3A_283 = arith.extui %and3A_282 : i1 to i32
    %cond3A_284 = arith.constant 0 : i32
    %cond3A_285 = arith.cmpi ne, %convert_element_type3A_283, %cond3A_284 : i32
    scf.if %cond3A_285 {
      %eq3A_547 = arith.constant 31 : i32
      %eq3A_548 = vector.broadcast %eq3A_547 : i32 to vector<1024x1xi32>
      %eq3A_549 = arith.cmpi eq, %get3A_32, %eq3A_548 : vector<1024x1xi32>
      %jit3A_550 = arith.constant -3.000000e+38 : f32
      %broadcast_in_dim3A_551 = vector.shape_cast %eq3A_549 : vector<1024x1xi1> to vector<1024x1xi1>
      %broadcast_in_dim3A_552 = vector.broadcast %broadcast_in_dim3A_551 : vector<1024x1xi1> to vector<1024x128xi1>
      %broadcast_in_dim3A_553 = vector.broadcast %jit3A_550 : f32 to vector<1024x128xf32>
      %select_n3A_554 = arith.select %broadcast_in_dim3A_552, %get3A_3, %broadcast_in_dim3A_553 : vector<1024x128xi1>, vector<1024x128xf32>
      %reduce_max3A = arith.constant dense<0xFF800000> : vector<128xf32>
      %reduce_max3A_555 = vector.multi_reduction <maximumf>, %select_n3A_554, %reduce_max3A [0] : vector<1024x128xf32> to vector<128xf32>
      %broadcast_in_dim3A_556 = vector.shape_cast %reduce_max3A_555 : vector<128xf32> to vector<1x128xf32>
      %get3A_557 = arith.constant 31 : index
      %get3A_558 = arith.constant 0 : index
      %get3A_559 = vector.load %arg10[%get3A_557, %get3A_558] : memref<64x128xf32, #tpu.memory_space<vmem>>, vector<1x128xf32>
      %max3A = arith.maximumf %get3A_559, %broadcast_in_dim3A_556 : vector<1x128xf32>
      %swap3A_560 = arith.constant 31 : index
      %swap3A_561 = arith.constant 0 : index
      %swap3A_562 = vector.load %arg10[%swap3A_560, %swap3A_561] : memref<64x128xf32, #tpu.memory_space<vmem>>, vector<1x128xf32>
      tpu.vector_store %arg10[%swap3A_560, %swap3A_561], %max3A {strides = array<i32>} : memref<64x128xf32, #tpu.memory_space<vmem>>, vector<1x128xf32>,
    } else {
    }
    %ge3A_286 = arith.constant 32 : i32
    %ge3A_287 = arith.cmpi sge, %ge3A_286, %squeeze3A : i32
    %le3A_288 = arith.constant 32 : i32
    %le3A_289 = arith.cmpi sle, %le3A_288, %squeeze3A_29 : i32
    %and3A_290 = arith.andi %ge3A_287, %le3A_289 : i1
    %convert_element_type3A_291 = arith.extui %and3A_290 : i1 to i32
    %cond3A_292 = arith.constant 0 : i32
    %cond3A_293 = arith.cmpi ne, %convert_element_type3A_291, %cond3A_292 : i32
    scf.if %cond3A_293 {
      %eq3A_547 = arith.constant 32 : i32
      %eq3A_548 = vector.broadcast %eq3A_547 : i32 to vector<1024x1xi32>
      %eq3A_549 = arith.cmpi eq, %get3A_32, %eq3A_548 : vector<1024x1xi32>
      %jit3A_550 = arith.constant -3.000000e+38 : f32
      %broadcast_in_dim3A_551 = vector.shape_cast %eq3A_549 : vector<1024x1xi1> to vector<1024x1xi1>
      %broadcast_in_dim3A_552 = vector.broadcast %broadcast_in_dim3A_551 : vector<1024x1xi1> to vector<1024x128xi1>
      %broadcast_in_dim3A_553 = vector.broadcast %jit3A_550 : f32 to vector<1024x128xf32>
      %select_n3A_554 = arith.select %broadcast_in_dim3A_552, %get3A_3, %broadcast_in_dim3A_553 : vector<1024x128xi1>, vector<1024x128xf32>
      %reduce_max3A = arith.constant dense<0xFF800000> : vector<128xf32>
      %reduce_max3A_555 = vector.multi_reduction <maximumf>, %select_n3A_554, %reduce_max3A [0] : vector<1024x128xf32> to vector<128xf32>
      %broadcast_in_dim3A_556 = vector.shape_cast %reduce_max3A_555 : vector<128xf32> to vector<1x128xf32>
      %get3A_557 = arith.constant 32 : index
      %get3A_558 = arith.constant 0 : index
      %get3A_559 = vector.load %arg10[%get3A_557, %get3A_558] : memref<64x128xf32, #tpu.memory_space<vmem>>, vector<1x128xf32>
      %max3A = arith.maximumf %get3A_559, %broadcast_in_dim3A_556 : vector<1x128xf32>
      %swap3A_560 = arith.constant 32 : index
      %swap3A_561 = arith.constant 0 : index
      %swap3A_562 = vector.load %arg10[%swap3A_560, %swap3A_561] : memref<64x128xf32, #tpu.memory_space<vmem>>, vector<1x128xf32>
      tpu.vector_store %arg10[%swap3A_560, %swap3A_561], %max3A {strides = array<i32>} : memref<64x128xf32, #tpu.memory_space<vmem>>, vector<1x128xf32>,
    } else {
    }
    %ge3A_294 = arith.constant 33 : i32
    %ge3A_295 = arith.cmpi sge, %ge3A_294, %squeeze3A : i32
    %le3A_296 = arith.constant 33 : i32
    %le3A_297 = arith.cmpi sle, %le3A_296, %squeeze3A_29 : i32
    %and3A_298 = arith.andi %ge3A_295, %le3A_297 : i1
    %convert_element_type3A_299 = arith.extui %and3A_298 : i1 to i32
    %cond3A_300 = arith.constant 0 : i32
    %cond3A_301 = arith.cmpi ne, %convert_element_type3A_299, %cond3A_300 : i32
    scf.if %cond3A_301 {
      %eq3A_547 = arith.constant 33 : i32
      %eq3A_548 = vector.broadcast %eq3A_547 : i32 to vector<1024x1xi32>
      %eq3A_549 = arith.cmpi eq, %get3A_32, %eq3A_548 : vector<1024x1xi32>
      %jit3A_550 = arith.constant -3.000000e+38 : f32
      %broadcast_in_dim3A_551 = vector.shape_cast %eq3A_549 : vector<1024x1xi1> to vector<1024x1xi1>
      %broadcast_in_dim3A_552 = vector.broadcast %broadcast_in_dim3A_551 : vector<1024x1xi1> to vector<1024x128xi1>
      %broadcast_in_dim3A_553 = vector.broadcast %jit3A_550 : f32 to vector<1024x128xf32>
      %select_n3A_554 = arith.select %broadcast_in_dim3A_552, %get3A_3, %broadcast_in_dim3A_553 : vector<1024x128xi1>, vector<1024x128xf32>
      %reduce_max3A = arith.constant dense<0xFF800000> : vector<128xf32>
      %reduce_max3A_555 = vector.multi_reduction <maximumf>, %select_n3A_554, %reduce_max3A [0] : vector<1024x128xf32> to vector<128xf32>
      %broadcast_in_dim3A_556 = vector.shape_cast %reduce_max3A_555 : vector<128xf32> to vector<1x128xf32>
      %get3A_557 = arith.constant 33 : index
      %get3A_558 = arith.constant 0 : index
      %get3A_559 = vector.load %arg10[%get3A_557, %get3A_558] : memref<64x128xf32, #tpu.memory_space<vmem>>, vector<1x128xf32>
      %max3A = arith.maximumf %get3A_559, %broadcast_in_dim3A_556 : vector<1x128xf32>
      %swap3A_560 = arith.constant 33 : index
      %swap3A_561 = arith.constant 0 : index
      %swap3A_562 = vector.load %arg10[%swap3A_560, %swap3A_561] : memref<64x128xf32, #tpu.memory_space<vmem>>, vector<1x128xf32>
      tpu.vector_store %arg10[%swap3A_560, %swap3A_561], %max3A {strides = array<i32>} : memref<64x128xf32, #tpu.memory_space<vmem>>, vector<1x128xf32>,
    } else {
    }
    %ge3A_302 = arith.constant 34 : i32
    %ge3A_303 = arith.cmpi sge, %ge3A_302, %squeeze3A : i32
    %le3A_304 = arith.constant 34 : i32
    %le3A_305 = arith.cmpi sle, %le3A_304, %squeeze3A_29 : i32
    %and3A_306 = arith.andi %ge3A_303, %le3A_305 : i1
    %convert_element_type3A_307 = arith.extui %and3A_306 : i1 to i32
    %cond3A_308 = arith.constant 0 : i32
    %cond3A_309 = arith.cmpi ne, %convert_element_type3A_307, %cond3A_308 : i32
    scf.if %cond3A_309 {
      %eq3A_547 = arith.constant 34 : i32
      %eq3A_548 = vector.broadcast %eq3A_547 : i32 to vector<1024x1xi32>
      %eq3A_549 = arith.cmpi eq, %get3A_32, %eq3A_548 : vector<1024x1xi32>
      %jit3A_550 = arith.constant -3.000000e+38 : f32
      %broadcast_in_dim3A_551 = vector.shape_cast %eq3A_549 : vector<1024x1xi1> to vector<1024x1xi1>
      %broadcast_in_dim3A_552 = vector.broadcast %broadcast_in_dim3A_551 : vector<1024x1xi1> to vector<1024x128xi1>
      %broadcast_in_dim3A_553 = vector.broadcast %jit3A_550 : f32 to vector<1024x128xf32>
      %select_n3A_554 = arith.select %broadcast_in_dim3A_552, %get3A_3, %broadcast_in_dim3A_553 : vector<1024x128xi1>, vector<1024x128xf32>
      %reduce_max3A = arith.constant dense<0xFF800000> : vector<128xf32>
      %reduce_max3A_555 = vector.multi_reduction <maximumf>, %select_n3A_554, %reduce_max3A [0] : vector<1024x128xf32> to vector<128xf32>
      %broadcast_in_dim3A_556 = vector.shape_cast %reduce_max3A_555 : vector<128xf32> to vector<1x128xf32>
      %get3A_557 = arith.constant 34 : index
      %get3A_558 = arith.constant 0 : index
      %get3A_559 = vector.load %arg10[%get3A_557, %get3A_558] : memref<64x128xf32, #tpu.memory_space<vmem>>, vector<1x128xf32>
      %max3A = arith.maximumf %get3A_559, %broadcast_in_dim3A_556 : vector<1x128xf32>
      %swap3A_560 = arith.constant 34 : index
      %swap3A_561 = arith.constant 0 : index
      %swap3A_562 = vector.load %arg10[%swap3A_560, %swap3A_561] : memref<64x128xf32, #tpu.memory_space<vmem>>, vector<1x128xf32>
      tpu.vector_store %arg10[%swap3A_560, %swap3A_561], %max3A {strides = array<i32>} : memref<64x128xf32, #tpu.memory_space<vmem>>, vector<1x128xf32>,
    } else {
    }
    %ge3A_310 = arith.constant 35 : i32
    %ge3A_311 = arith.cmpi sge, %ge3A_310, %squeeze3A : i32
    %le3A_312 = arith.constant 35 : i32
    %le3A_313 = arith.cmpi sle, %le3A_312, %squeeze3A_29 : i32
    %and3A_314 = arith.andi %ge3A_311, %le3A_313 : i1
    %convert_element_type3A_315 = arith.extui %and3A_314 : i1 to i32
    %cond3A_316 = arith.constant 0 : i32
    %cond3A_317 = arith.cmpi ne, %convert_element_type3A_315, %cond3A_316 : i32
    scf.if %cond3A_317 {
      %eq3A_547 = arith.constant 35 : i32
      %eq3A_548 = vector.broadcast %eq3A_547 : i32 to vector<1024x1xi32>
      %eq3A_549 = arith.cmpi eq, %get3A_32, %eq3A_548 : vector<1024x1xi32>
      %jit3A_550 = arith.constant -3.000000e+38 : f32
      %broadcast_in_dim3A_551 = vector.shape_cast %eq3A_549 : vector<1024x1xi1> to vector<1024x1xi1>
      %broadcast_in_dim3A_552 = vector.broadcast %broadcast_in_dim3A_551 : vector<1024x1xi1> to vector<1024x128xi1>
      %broadcast_in_dim3A_553 = vector.broadcast %jit3A_550 : f32 to vector<1024x128xf32>
      %select_n3A_554 = arith.select %broadcast_in_dim3A_552, %get3A_3, %broadcast_in_dim3A_553 : vector<1024x128xi1>, vector<1024x128xf32>
      %reduce_max3A = arith.constant dense<0xFF800000> : vector<128xf32>
      %reduce_max3A_555 = vector.multi_reduction <maximumf>, %select_n3A_554, %reduce_max3A [0] : vector<1024x128xf32> to vector<128xf32>
      %broadcast_in_dim3A_556 = vector.shape_cast %reduce_max3A_555 : vector<128xf32> to vector<1x128xf32>
      %get3A_557 = arith.constant 35 : index
      %get3A_558 = arith.constant 0 : index
      %get3A_559 = vector.load %arg10[%get3A_557, %get3A_558] : memref<64x128xf32, #tpu.memory_space<vmem>>, vector<1x128xf32>
      %max3A = arith.maximumf %get3A_559, %broadcast_in_dim3A_556 : vector<1x128xf32>
      %swap3A_560 = arith.constant 35 : index
      %swap3A_561 = arith.constant 0 : index
      %swap3A_562 = vector.load %arg10[%swap3A_560, %swap3A_561] : memref<64x128xf32, #tpu.memory_space<vmem>>, vector<1x128xf32>
      tpu.vector_store %arg10[%swap3A_560, %swap3A_561], %max3A {strides = array<i32>} : memref<64x128xf32, #tpu.memory_space<vmem>>, vector<1x128xf32>,
    } else {
    }
    %ge3A_318 = arith.constant 36 : i32
    %ge3A_319 = arith.cmpi sge, %ge3A_318, %squeeze3A : i32
    %le3A_320 = arith.constant 36 : i32
    %le3A_321 = arith.cmpi sle, %le3A_320, %squeeze3A_29 : i32
    %and3A_322 = arith.andi %ge3A_319, %le3A_321 : i1
    %convert_element_type3A_323 = arith.extui %and3A_322 : i1 to i32
    %cond3A_324 = arith.constant 0 : i32
    %cond3A_325 = arith.cmpi ne, %convert_element_type3A_323, %cond3A_324 : i32
    scf.if %cond3A_325 {
      %eq3A_547 = arith.constant 36 : i32
      %eq3A_548 = vector.broadcast %eq3A_547 : i32 to vector<1024x1xi32>
      %eq3A_549 = arith.cmpi eq, %get3A_32, %eq3A_548 : vector<1024x1xi32>
      %jit3A_550 = arith.constant -3.000000e+38 : f32
      %broadcast_in_dim3A_551 = vector.shape_cast %eq3A_549 : vector<1024x1xi1> to vector<1024x1xi1>
      %broadcast_in_dim3A_552 = vector.broadcast %broadcast_in_dim3A_551 : vector<1024x1xi1> to vector<1024x128xi1>
      %broadcast_in_dim3A_553 = vector.broadcast %jit3A_550 : f32 to vector<1024x128xf32>
      %select_n3A_554 = arith.select %broadcast_in_dim3A_552, %get3A_3, %broadcast_in_dim3A_553 : vector<1024x128xi1>, vector<1024x128xf32>
      %reduce_max3A = arith.constant dense<0xFF800000> : vector<128xf32>
      %reduce_max3A_555 = vector.multi_reduction <maximumf>, %select_n3A_554, %reduce_max3A [0] : vector<1024x128xf32> to vector<128xf32>
      %broadcast_in_dim3A_556 = vector.shape_cast %reduce_max3A_555 : vector<128xf32> to vector<1x128xf32>
      %get3A_557 = arith.constant 36 : index
      %get3A_558 = arith.constant 0 : index
      %get3A_559 = vector.load %arg10[%get3A_557, %get3A_558] : memref<64x128xf32, #tpu.memory_space<vmem>>, vector<1x128xf32>
      %max3A = arith.maximumf %get3A_559, %broadcast_in_dim3A_556 : vector<1x128xf32>
      %swap3A_560 = arith.constant 36 : index
      %swap3A_561 = arith.constant 0 : index
      %swap3A_562 = vector.load %arg10[%swap3A_560, %swap3A_561] : memref<64x128xf32, #tpu.memory_space<vmem>>, vector<1x128xf32>
      tpu.vector_store %arg10[%swap3A_560, %swap3A_561], %max3A {strides = array<i32>} : memref<64x128xf32, #tpu.memory_space<vmem>>, vector<1x128xf32>,
    } else {
    }
    %ge3A_326 = arith.constant 37 : i32
    %ge3A_327 = arith.cmpi sge, %ge3A_326, %squeeze3A : i32
    %le3A_328 = arith.constant 37 : i32
    %le3A_329 = arith.cmpi sle, %le3A_328, %squeeze3A_29 : i32
    %and3A_330 = arith.andi %ge3A_327, %le3A_329 : i1
    %convert_element_type3A_331 = arith.extui %and3A_330 : i1 to i32
    %cond3A_332 = arith.constant 0 : i32
    %cond3A_333 = arith.cmpi ne, %convert_element_type3A_331, %cond3A_332 : i32
    scf.if %cond3A_333 {
      %eq3A_547 = arith.constant 37 : i32
      %eq3A_548 = vector.broadcast %eq3A_547 : i32 to vector<1024x1xi32>
      %eq3A_549 = arith.cmpi eq, %get3A_32, %eq3A_548 : vector<1024x1xi32>
      %jit3A_550 = arith.constant -3.000000e+38 : f32
      %broadcast_in_dim3A_551 = vector.shape_cast %eq3A_549 : vector<1024x1xi1> to vector<1024x1xi1>
      %broadcast_in_dim3A_552 = vector.broadcast %broadcast_in_dim3A_551 : vector<1024x1xi1> to vector<1024x128xi1>
      %broadcast_in_dim3A_553 = vector.broadcast %jit3A_550 : f32 to vector<1024x128xf32>
      %select_n3A_554 = arith.select %broadcast_in_dim3A_552, %get3A_3, %broadcast_in_dim3A_553 : vector<1024x128xi1>, vector<1024x128xf32>
      %reduce_max3A = arith.constant dense<0xFF800000> : vector<128xf32>
      %reduce_max3A_555 = vector.multi_reduction <maximumf>, %select_n3A_554, %reduce_max3A [0] : vector<1024x128xf32> to vector<128xf32>
      %broadcast_in_dim3A_556 = vector.shape_cast %reduce_max3A_555 : vector<128xf32> to vector<1x128xf32>
      %get3A_557 = arith.constant 37 : index
      %get3A_558 = arith.constant 0 : index
      %get3A_559 = vector.load %arg10[%get3A_557, %get3A_558] : memref<64x128xf32, #tpu.memory_space<vmem>>, vector<1x128xf32>
      %max3A = arith.maximumf %get3A_559, %broadcast_in_dim3A_556 : vector<1x128xf32>
      %swap3A_560 = arith.constant 37 : index
      %swap3A_561 = arith.constant 0 : index
      %swap3A_562 = vector.load %arg10[%swap3A_560, %swap3A_561] : memref<64x128xf32, #tpu.memory_space<vmem>>, vector<1x128xf32>
      tpu.vector_store %arg10[%swap3A_560, %swap3A_561], %max3A {strides = array<i32>} : memref<64x128xf32, #tpu.memory_space<vmem>>, vector<1x128xf32>,
    } else {
    }
    %ge3A_334 = arith.constant 38 : i32
    %ge3A_335 = arith.cmpi sge, %ge3A_334, %squeeze3A : i32
    %le3A_336 = arith.constant 38 : i32
    %le3A_337 = arith.cmpi sle, %le3A_336, %squeeze3A_29 : i32
    %and3A_338 = arith.andi %ge3A_335, %le3A_337 : i1
    %convert_element_type3A_339 = arith.extui %and3A_338 : i1 to i32
    %cond3A_340 = arith.constant 0 : i32
    %cond3A_341 = arith.cmpi ne, %convert_element_type3A_339, %cond3A_340 : i32
    scf.if %cond3A_341 {
      %eq3A_547 = arith.constant 38 : i32
      %eq3A_548 = vector.broadcast %eq3A_547 : i32 to vector<1024x1xi32>
      %eq3A_549 = arith.cmpi eq, %get3A_32, %eq3A_548 : vector<1024x1xi32>
      %jit3A_550 = arith.constant -3.000000e+38 : f32
      %broadcast_in_dim3A_551 = vector.shape_cast %eq3A_549 : vector<1024x1xi1> to vector<1024x1xi1>
      %broadcast_in_dim3A_552 = vector.broadcast %broadcast_in_dim3A_551 : vector<1024x1xi1> to vector<1024x128xi1>
      %broadcast_in_dim3A_553 = vector.broadcast %jit3A_550 : f32 to vector<1024x128xf32>
      %select_n3A_554 = arith.select %broadcast_in_dim3A_552, %get3A_3, %broadcast_in_dim3A_553 : vector<1024x128xi1>, vector<1024x128xf32>
      %reduce_max3A = arith.constant dense<0xFF800000> : vector<128xf32>
      %reduce_max3A_555 = vector.multi_reduction <maximumf>, %select_n3A_554, %reduce_max3A [0] : vector<1024x128xf32> to vector<128xf32>
      %broadcast_in_dim3A_556 = vector.shape_cast %reduce_max3A_555 : vector<128xf32> to vector<1x128xf32>
      %get3A_557 = arith.constant 38 : index
      %get3A_558 = arith.constant 0 : index
      %get3A_559 = vector.load %arg10[%get3A_557, %get3A_558] : memref<64x128xf32, #tpu.memory_space<vmem>>, vector<1x128xf32>
      %max3A = arith.maximumf %get3A_559, %broadcast_in_dim3A_556 : vector<1x128xf32>
      %swap3A_560 = arith.constant 38 : index
      %swap3A_561 = arith.constant 0 : index
      %swap3A_562 = vector.load %arg10[%swap3A_560, %swap3A_561] : memref<64x128xf32, #tpu.memory_space<vmem>>, vector<1x128xf32>
      tpu.vector_store %arg10[%swap3A_560, %swap3A_561], %max3A {strides = array<i32>} : memref<64x128xf32, #tpu.memory_space<vmem>>, vector<1x128xf32>,
    } else {
    }
    %ge3A_342 = arith.constant 39 : i32
    %ge3A_343 = arith.cmpi sge, %ge3A_342, %squeeze3A : i32
    %le3A_344 = arith.constant 39 : i32
    %le3A_345 = arith.cmpi sle, %le3A_344, %squeeze3A_29 : i32
    %and3A_346 = arith.andi %ge3A_343, %le3A_345 : i1
    %convert_element_type3A_347 = arith.extui %and3A_346 : i1 to i32
    %cond3A_348 = arith.constant 0 : i32
    %cond3A_349 = arith.cmpi ne, %convert_element_type3A_347, %cond3A_348 : i32
    scf.if %cond3A_349 {
      %eq3A_547 = arith.constant 39 : i32
      %eq3A_548 = vector.broadcast %eq3A_547 : i32 to vector<1024x1xi32>
      %eq3A_549 = arith.cmpi eq, %get3A_32, %eq3A_548 : vector<1024x1xi32>
      %jit3A_550 = arith.constant -3.000000e+38 : f32
      %broadcast_in_dim3A_551 = vector.shape_cast %eq3A_549 : vector<1024x1xi1> to vector<1024x1xi1>
      %broadcast_in_dim3A_552 = vector.broadcast %broadcast_in_dim3A_551 : vector<1024x1xi1> to vector<1024x128xi1>
      %broadcast_in_dim3A_553 = vector.broadcast %jit3A_550 : f32 to vector<1024x128xf32>
      %select_n3A_554 = arith.select %broadcast_in_dim3A_552, %get3A_3, %broadcast_in_dim3A_553 : vector<1024x128xi1>, vector<1024x128xf32>
      %reduce_max3A = arith.constant dense<0xFF800000> : vector<128xf32>
      %reduce_max3A_555 = vector.multi_reduction <maximumf>, %select_n3A_554, %reduce_max3A [0] : vector<1024x128xf32> to vector<128xf32>
      %broadcast_in_dim3A_556 = vector.shape_cast %reduce_max3A_555 : vector<128xf32> to vector<1x128xf32>
      %get3A_557 = arith.constant 39 : index
      %get3A_558 = arith.constant 0 : index
      %get3A_559 = vector.load %arg10[%get3A_557, %get3A_558] : memref<64x128xf32, #tpu.memory_space<vmem>>, vector<1x128xf32>
      %max3A = arith.maximumf %get3A_559, %broadcast_in_dim3A_556 : vector<1x128xf32>
      %swap3A_560 = arith.constant 39 : index
      %swap3A_561 = arith.constant 0 : index
      %swap3A_562 = vector.load %arg10[%swap3A_560, %swap3A_561] : memref<64x128xf32, #tpu.memory_space<vmem>>, vector<1x128xf32>
      tpu.vector_store %arg10[%swap3A_560, %swap3A_561], %max3A {strides = array<i32>} : memref<64x128xf32, #tpu.memory_space<vmem>>, vector<1x128xf32>,
    } else {
    }
    %ge3A_350 = arith.constant 40 : i32
    %ge3A_351 = arith.cmpi sge, %ge3A_350, %squeeze3A : i32
    %le3A_352 = arith.constant 40 : i32
    %le3A_353 = arith.cmpi sle, %le3A_352, %squeeze3A_29 : i32
    %and3A_354 = arith.andi %ge3A_351, %le3A_353 : i1
    %convert_element_type3A_355 = arith.extui %and3A_354 : i1 to i32
    %cond3A_356 = arith.constant 0 : i32
    %cond3A_357 = arith.cmpi ne, %convert_element_type3A_355, %cond3A_356 : i32
    scf.if %cond3A_357 {
      %eq3A_547 = arith.constant 40 : i32
      %eq3A_548 = vector.broadcast %eq3A_547 : i32 to vector<1024x1xi32>
      %eq3A_549 = arith.cmpi eq, %get3A_32, %eq3A_548 : vector<1024x1xi32>
      %jit3A_550 = arith.constant -3.000000e+38 : f32
      %broadcast_in_dim3A_551 = vector.shape_cast %eq3A_549 : vector<1024x1xi1> to vector<1024x1xi1>
      %broadcast_in_dim3A_552 = vector.broadcast %broadcast_in_dim3A_551 : vector<1024x1xi1> to vector<1024x128xi1>
      %broadcast_in_dim3A_553 = vector.broadcast %jit3A_550 : f32 to vector<1024x128xf32>
      %select_n3A_554 = arith.select %broadcast_in_dim3A_552, %get3A_3, %broadcast_in_dim3A_553 : vector<1024x128xi1>, vector<1024x128xf32>
      %reduce_max3A = arith.constant dense<0xFF800000> : vector<128xf32>
      %reduce_max3A_555 = vector.multi_reduction <maximumf>, %select_n3A_554, %reduce_max3A [0] : vector<1024x128xf32> to vector<128xf32>
      %broadcast_in_dim3A_556 = vector.shape_cast %reduce_max3A_555 : vector<128xf32> to vector<1x128xf32>
      %get3A_557 = arith.constant 40 : index
      %get3A_558 = arith.constant 0 : index
      %get3A_559 = vector.load %arg10[%get3A_557, %get3A_558] : memref<64x128xf32, #tpu.memory_space<vmem>>, vector<1x128xf32>
      %max3A = arith.maximumf %get3A_559, %broadcast_in_dim3A_556 : vector<1x128xf32>
      %swap3A_560 = arith.constant 40 : index
      %swap3A_561 = arith.constant 0 : index
      %swap3A_562 = vector.load %arg10[%swap3A_560, %swap3A_561] : memref<64x128xf32, #tpu.memory_space<vmem>>, vector<1x128xf32>
      tpu.vector_store %arg10[%swap3A_560, %swap3A_561], %max3A {strides = array<i32>} : memref<64x128xf32, #tpu.memory_space<vmem>>, vector<1x128xf32>,
    } else {
    }
    %ge3A_358 = arith.constant 41 : i32
    %ge3A_359 = arith.cmpi sge, %ge3A_358, %squeeze3A : i32
    %le3A_360 = arith.constant 41 : i32
    %le3A_361 = arith.cmpi sle, %le3A_360, %squeeze3A_29 : i32
    %and3A_362 = arith.andi %ge3A_359, %le3A_361 : i1
    %convert_element_type3A_363 = arith.extui %and3A_362 : i1 to i32
    %cond3A_364 = arith.constant 0 : i32
    %cond3A_365 = arith.cmpi ne, %convert_element_type3A_363, %cond3A_364 : i32
    scf.if %cond3A_365 {
      %eq3A_547 = arith.constant 41 : i32
      %eq3A_548 = vector.broadcast %eq3A_547 : i32 to vector<1024x1xi32>
      %eq3A_549 = arith.cmpi eq, %get3A_32, %eq3A_548 : vector<1024x1xi32>
      %jit3A_550 = arith.constant -3.000000e+38 : f32
      %broadcast_in_dim3A_551 = vector.shape_cast %eq3A_549 : vector<1024x1xi1> to vector<1024x1xi1>
      %broadcast_in_dim3A_552 = vector.broadcast %broadcast_in_dim3A_551 : vector<1024x1xi1> to vector<1024x128xi1>
      %broadcast_in_dim3A_553 = vector.broadcast %jit3A_550 : f32 to vector<1024x128xf32>
      %select_n3A_554 = arith.select %broadcast_in_dim3A_552, %get3A_3, %broadcast_in_dim3A_553 : vector<1024x128xi1>, vector<1024x128xf32>
      %reduce_max3A = arith.constant dense<0xFF800000> : vector<128xf32>
      %reduce_max3A_555 = vector.multi_reduction <maximumf>, %select_n3A_554, %reduce_max3A [0] : vector<1024x128xf32> to vector<128xf32>
      %broadcast_in_dim3A_556 = vector.shape_cast %reduce_max3A_555 : vector<128xf32> to vector<1x128xf32>
      %get3A_557 = arith.constant 41 : index
      %get3A_558 = arith.constant 0 : index
      %get3A_559 = vector.load %arg10[%get3A_557, %get3A_558] : memref<64x128xf32, #tpu.memory_space<vmem>>, vector<1x128xf32>
      %max3A = arith.maximumf %get3A_559, %broadcast_in_dim3A_556 : vector<1x128xf32>
      %swap3A_560 = arith.constant 41 : index
      %swap3A_561 = arith.constant 0 : index
      %swap3A_562 = vector.load %arg10[%swap3A_560, %swap3A_561] : memref<64x128xf32, #tpu.memory_space<vmem>>, vector<1x128xf32>
      tpu.vector_store %arg10[%swap3A_560, %swap3A_561], %max3A {strides = array<i32>} : memref<64x128xf32, #tpu.memory_space<vmem>>, vector<1x128xf32>,
    } else {
    }
    %ge3A_366 = arith.constant 42 : i32
    %ge3A_367 = arith.cmpi sge, %ge3A_366, %squeeze3A : i32
    %le3A_368 = arith.constant 42 : i32
    %le3A_369 = arith.cmpi sle, %le3A_368, %squeeze3A_29 : i32
    %and3A_370 = arith.andi %ge3A_367, %le3A_369 : i1
    %convert_element_type3A_371 = arith.extui %and3A_370 : i1 to i32
    %cond3A_372 = arith.constant 0 : i32
    %cond3A_373 = arith.cmpi ne, %convert_element_type3A_371, %cond3A_372 : i32
    scf.if %cond3A_373 {
      %eq3A_547 = arith.constant 42 : i32
      %eq3A_548 = vector.broadcast %eq3A_547 : i32 to vector<1024x1xi32>
      %eq3A_549 = arith.cmpi eq, %get3A_32, %eq3A_548 : vector<1024x1xi32>
      %jit3A_550 = arith.constant -3.000000e+38 : f32
      %broadcast_in_dim3A_551 = vector.shape_cast %eq3A_549 : vector<1024x1xi1> to vector<1024x1xi1>
      %broadcast_in_dim3A_552 = vector.broadcast %broadcast_in_dim3A_551 : vector<1024x1xi1> to vector<1024x128xi1>
      %broadcast_in_dim3A_553 = vector.broadcast %jit3A_550 : f32 to vector<1024x128xf32>
      %select_n3A_554 = arith.select %broadcast_in_dim3A_552, %get3A_3, %broadcast_in_dim3A_553 : vector<1024x128xi1>, vector<1024x128xf32>
      %reduce_max3A = arith.constant dense<0xFF800000> : vector<128xf32>
      %reduce_max3A_555 = vector.multi_reduction <maximumf>, %select_n3A_554, %reduce_max3A [0] : vector<1024x128xf32> to vector<128xf32>
      %broadcast_in_dim3A_556 = vector.shape_cast %reduce_max3A_555 : vector<128xf32> to vector<1x128xf32>
      %get3A_557 = arith.constant 42 : index
      %get3A_558 = arith.constant 0 : index
      %get3A_559 = vector.load %arg10[%get3A_557, %get3A_558] : memref<64x128xf32, #tpu.memory_space<vmem>>, vector<1x128xf32>
      %max3A = arith.maximumf %get3A_559, %broadcast_in_dim3A_556 : vector<1x128xf32>
      %swap3A_560 = arith.constant 42 : index
      %swap3A_561 = arith.constant 0 : index
      %swap3A_562 = vector.load %arg10[%swap3A_560, %swap3A_561] : memref<64x128xf32, #tpu.memory_space<vmem>>, vector<1x128xf32>
      tpu.vector_store %arg10[%swap3A_560, %swap3A_561], %max3A {strides = array<i32>} : memref<64x128xf32, #tpu.memory_space<vmem>>, vector<1x128xf32>,
    } else {
    }
    %ge3A_374 = arith.constant 43 : i32
    %ge3A_375 = arith.cmpi sge, %ge3A_374, %squeeze3A : i32
    %le3A_376 = arith.constant 43 : i32
    %le3A_377 = arith.cmpi sle, %le3A_376, %squeeze3A_29 : i32
    %and3A_378 = arith.andi %ge3A_375, %le3A_377 : i1
    %convert_element_type3A_379 = arith.extui %and3A_378 : i1 to i32
    %cond3A_380 = arith.constant 0 : i32
    %cond3A_381 = arith.cmpi ne, %convert_element_type3A_379, %cond3A_380 : i32
    scf.if %cond3A_381 {
      %eq3A_547 = arith.constant 43 : i32
      %eq3A_548 = vector.broadcast %eq3A_547 : i32 to vector<1024x1xi32>
      %eq3A_549 = arith.cmpi eq, %get3A_32, %eq3A_548 : vector<1024x1xi32>
      %jit3A_550 = arith.constant -3.000000e+38 : f32
      %broadcast_in_dim3A_551 = vector.shape_cast %eq3A_549 : vector<1024x1xi1> to vector<1024x1xi1>
      %broadcast_in_dim3A_552 = vector.broadcast %broadcast_in_dim3A_551 : vector<1024x1xi1> to vector<1024x128xi1>
      %broadcast_in_dim3A_553 = vector.broadcast %jit3A_550 : f32 to vector<1024x128xf32>
      %select_n3A_554 = arith.select %broadcast_in_dim3A_552, %get3A_3, %broadcast_in_dim3A_553 : vector<1024x128xi1>, vector<1024x128xf32>
      %reduce_max3A = arith.constant dense<0xFF800000> : vector<128xf32>
      %reduce_max3A_555 = vector.multi_reduction <maximumf>, %select_n3A_554, %reduce_max3A [0] : vector<1024x128xf32> to vector<128xf32>
      %broadcast_in_dim3A_556 = vector.shape_cast %reduce_max3A_555 : vector<128xf32> to vector<1x128xf32>
      %get3A_557 = arith.constant 43 : index
      %get3A_558 = arith.constant 0 : index
      %get3A_559 = vector.load %arg10[%get3A_557, %get3A_558] : memref<64x128xf32, #tpu.memory_space<vmem>>, vector<1x128xf32>
      %max3A = arith.maximumf %get3A_559, %broadcast_in_dim3A_556 : vector<1x128xf32>
      %swap3A_560 = arith.constant 43 : index
      %swap3A_561 = arith.constant 0 : index
      %swap3A_562 = vector.load %arg10[%swap3A_560, %swap3A_561] : memref<64x128xf32, #tpu.memory_space<vmem>>, vector<1x128xf32>
      tpu.vector_store %arg10[%swap3A_560, %swap3A_561], %max3A {strides = array<i32>} : memref<64x128xf32, #tpu.memory_space<vmem>>, vector<1x128xf32>,
    } else {
    }
    %ge3A_382 = arith.constant 44 : i32
    %ge3A_383 = arith.cmpi sge, %ge3A_382, %squeeze3A : i32
    %le3A_384 = arith.constant 44 : i32
    %le3A_385 = arith.cmpi sle, %le3A_384, %squeeze3A_29 : i32
    %and3A_386 = arith.andi %ge3A_383, %le3A_385 : i1
    %convert_element_type3A_387 = arith.extui %and3A_386 : i1 to i32
    %cond3A_388 = arith.constant 0 : i32
    %cond3A_389 = arith.cmpi ne, %convert_element_type3A_387, %cond3A_388 : i32
    scf.if %cond3A_389 {
      %eq3A_547 = arith.constant 44 : i32
      %eq3A_548 = vector.broadcast %eq3A_547 : i32 to vector<1024x1xi32>
      %eq3A_549 = arith.cmpi eq, %get3A_32, %eq3A_548 : vector<1024x1xi32>
      %jit3A_550 = arith.constant -3.000000e+38 : f32
      %broadcast_in_dim3A_551 = vector.shape_cast %eq3A_549 : vector<1024x1xi1> to vector<1024x1xi1>
      %broadcast_in_dim3A_552 = vector.broadcast %broadcast_in_dim3A_551 : vector<1024x1xi1> to vector<1024x128xi1>
      %broadcast_in_dim3A_553 = vector.broadcast %jit3A_550 : f32 to vector<1024x128xf32>
      %select_n3A_554 = arith.select %broadcast_in_dim3A_552, %get3A_3, %broadcast_in_dim3A_553 : vector<1024x128xi1>, vector<1024x128xf32>
      %reduce_max3A = arith.constant dense<0xFF800000> : vector<128xf32>
      %reduce_max3A_555 = vector.multi_reduction <maximumf>, %select_n3A_554, %reduce_max3A [0] : vector<1024x128xf32> to vector<128xf32>
      %broadcast_in_dim3A_556 = vector.shape_cast %reduce_max3A_555 : vector<128xf32> to vector<1x128xf32>
      %get3A_557 = arith.constant 44 : index
      %get3A_558 = arith.constant 0 : index
      %get3A_559 = vector.load %arg10[%get3A_557, %get3A_558] : memref<64x128xf32, #tpu.memory_space<vmem>>, vector<1x128xf32>
      %max3A = arith.maximumf %get3A_559, %broadcast_in_dim3A_556 : vector<1x128xf32>
      %swap3A_560 = arith.constant 44 : index
      %swap3A_561 = arith.constant 0 : index
      %swap3A_562 = vector.load %arg10[%swap3A_560, %swap3A_561] : memref<64x128xf32, #tpu.memory_space<vmem>>, vector<1x128xf32>
      tpu.vector_store %arg10[%swap3A_560, %swap3A_561], %max3A {strides = array<i32>} : memref<64x128xf32, #tpu.memory_space<vmem>>, vector<1x128xf32>,
    } else {
    }
    %ge3A_390 = arith.constant 45 : i32
    %ge3A_391 = arith.cmpi sge, %ge3A_390, %squeeze3A : i32
    %le3A_392 = arith.constant 45 : i32
    %le3A_393 = arith.cmpi sle, %le3A_392, %squeeze3A_29 : i32
    %and3A_394 = arith.andi %ge3A_391, %le3A_393 : i1
    %convert_element_type3A_395 = arith.extui %and3A_394 : i1 to i32
    %cond3A_396 = arith.constant 0 : i32
    %cond3A_397 = arith.cmpi ne, %convert_element_type3A_395, %cond3A_396 : i32
    scf.if %cond3A_397 {
      %eq3A_547 = arith.constant 45 : i32
      %eq3A_548 = vector.broadcast %eq3A_547 : i32 to vector<1024x1xi32>
      %eq3A_549 = arith.cmpi eq, %get3A_32, %eq3A_548 : vector<1024x1xi32>
      %jit3A_550 = arith.constant -3.000000e+38 : f32
      %broadcast_in_dim3A_551 = vector.shape_cast %eq3A_549 : vector<1024x1xi1> to vector<1024x1xi1>
      %broadcast_in_dim3A_552 = vector.broadcast %broadcast_in_dim3A_551 : vector<1024x1xi1> to vector<1024x128xi1>
      %broadcast_in_dim3A_553 = vector.broadcast %jit3A_550 : f32 to vector<1024x128xf32>
      %select_n3A_554 = arith.select %broadcast_in_dim3A_552, %get3A_3, %broadcast_in_dim3A_553 : vector<1024x128xi1>, vector<1024x128xf32>
      %reduce_max3A = arith.constant dense<0xFF800000> : vector<128xf32>
      %reduce_max3A_555 = vector.multi_reduction <maximumf>, %select_n3A_554, %reduce_max3A [0] : vector<1024x128xf32> to vector<128xf32>
      %broadcast_in_dim3A_556 = vector.shape_cast %reduce_max3A_555 : vector<128xf32> to vector<1x128xf32>
      %get3A_557 = arith.constant 45 : index
      %get3A_558 = arith.constant 0 : index
      %get3A_559 = vector.load %arg10[%get3A_557, %get3A_558] : memref<64x128xf32, #tpu.memory_space<vmem>>, vector<1x128xf32>
      %max3A = arith.maximumf %get3A_559, %broadcast_in_dim3A_556 : vector<1x128xf32>
      %swap3A_560 = arith.constant 45 : index
      %swap3A_561 = arith.constant 0 : index
      %swap3A_562 = vector.load %arg10[%swap3A_560, %swap3A_561] : memref<64x128xf32, #tpu.memory_space<vmem>>, vector<1x128xf32>
      tpu.vector_store %arg10[%swap3A_560, %swap3A_561], %max3A {strides = array<i32>} : memref<64x128xf32, #tpu.memory_space<vmem>>, vector<1x128xf32>,
    } else {
    }
    %ge3A_398 = arith.constant 46 : i32
    %ge3A_399 = arith.cmpi sge, %ge3A_398, %squeeze3A : i32
    %le3A_400 = arith.constant 46 : i32
    %le3A_401 = arith.cmpi sle, %le3A_400, %squeeze3A_29 : i32
    %and3A_402 = arith.andi %ge3A_399, %le3A_401 : i1
    %convert_element_type3A_403 = arith.extui %and3A_402 : i1 to i32
    %cond3A_404 = arith.constant 0 : i32
    %cond3A_405 = arith.cmpi ne, %convert_element_type3A_403, %cond3A_404 : i32
    scf.if %cond3A_405 {
      %eq3A_547 = arith.constant 46 : i32
      %eq3A_548 = vector.broadcast %eq3A_547 : i32 to vector<1024x1xi32>
      %eq3A_549 = arith.cmpi eq, %get3A_32, %eq3A_548 : vector<1024x1xi32>
      %jit3A_550 = arith.constant -3.000000e+38 : f32
      %broadcast_in_dim3A_551 = vector.shape_cast %eq3A_549 : vector<1024x1xi1> to vector<1024x1xi1>
      %broadcast_in_dim3A_552 = vector.broadcast %broadcast_in_dim3A_551 : vector<1024x1xi1> to vector<1024x128xi1>
      %broadcast_in_dim3A_553 = vector.broadcast %jit3A_550 : f32 to vector<1024x128xf32>
      %select_n3A_554 = arith.select %broadcast_in_dim3A_552, %get3A_3, %broadcast_in_dim3A_553 : vector<1024x128xi1>, vector<1024x128xf32>
      %reduce_max3A = arith.constant dense<0xFF800000> : vector<128xf32>
      %reduce_max3A_555 = vector.multi_reduction <maximumf>, %select_n3A_554, %reduce_max3A [0] : vector<1024x128xf32> to vector<128xf32>
      %broadcast_in_dim3A_556 = vector.shape_cast %reduce_max3A_555 : vector<128xf32> to vector<1x128xf32>
      %get3A_557 = arith.constant 46 : index
      %get3A_558 = arith.constant 0 : index
      %get3A_559 = vector.load %arg10[%get3A_557, %get3A_558] : memref<64x128xf32, #tpu.memory_space<vmem>>, vector<1x128xf32>
      %max3A = arith.maximumf %get3A_559, %broadcast_in_dim3A_556 : vector<1x128xf32>
      %swap3A_560 = arith.constant 46 : index
      %swap3A_561 = arith.constant 0 : index
      %swap3A_562 = vector.load %arg10[%swap3A_560, %swap3A_561] : memref<64x128xf32, #tpu.memory_space<vmem>>, vector<1x128xf32>
      tpu.vector_store %arg10[%swap3A_560, %swap3A_561], %max3A {strides = array<i32>} : memref<64x128xf32, #tpu.memory_space<vmem>>, vector<1x128xf32>,
    } else {
    }
    %ge3A_406 = arith.constant 47 : i32
    %ge3A_407 = arith.cmpi sge, %ge3A_406, %squeeze3A : i32
    %le3A_408 = arith.constant 47 : i32
    %le3A_409 = arith.cmpi sle, %le3A_408, %squeeze3A_29 : i32
    %and3A_410 = arith.andi %ge3A_407, %le3A_409 : i1
    %convert_element_type3A_411 = arith.extui %and3A_410 : i1 to i32
    %cond3A_412 = arith.constant 0 : i32
    %cond3A_413 = arith.cmpi ne, %convert_element_type3A_411, %cond3A_412 : i32
    scf.if %cond3A_413 {
      %eq3A_547 = arith.constant 47 : i32
      %eq3A_548 = vector.broadcast %eq3A_547 : i32 to vector<1024x1xi32>
      %eq3A_549 = arith.cmpi eq, %get3A_32, %eq3A_548 : vector<1024x1xi32>
      %jit3A_550 = arith.constant -3.000000e+38 : f32
      %broadcast_in_dim3A_551 = vector.shape_cast %eq3A_549 : vector<1024x1xi1> to vector<1024x1xi1>
      %broadcast_in_dim3A_552 = vector.broadcast %broadcast_in_dim3A_551 : vector<1024x1xi1> to vector<1024x128xi1>
      %broadcast_in_dim3A_553 = vector.broadcast %jit3A_550 : f32 to vector<1024x128xf32>
      %select_n3A_554 = arith.select %broadcast_in_dim3A_552, %get3A_3, %broadcast_in_dim3A_553 : vector<1024x128xi1>, vector<1024x128xf32>
      %reduce_max3A = arith.constant dense<0xFF800000> : vector<128xf32>
      %reduce_max3A_555 = vector.multi_reduction <maximumf>, %select_n3A_554, %reduce_max3A [0] : vector<1024x128xf32> to vector<128xf32>
      %broadcast_in_dim3A_556 = vector.shape_cast %reduce_max3A_555 : vector<128xf32> to vector<1x128xf32>
      %get3A_557 = arith.constant 47 : index
      %get3A_558 = arith.constant 0 : index
      %get3A_559 = vector.load %arg10[%get3A_557, %get3A_558] : memref<64x128xf32, #tpu.memory_space<vmem>>, vector<1x128xf32>
      %max3A = arith.maximumf %get3A_559, %broadcast_in_dim3A_556 : vector<1x128xf32>
      %swap3A_560 = arith.constant 47 : index
      %swap3A_561 = arith.constant 0 : index
      %swap3A_562 = vector.load %arg10[%swap3A_560, %swap3A_561] : memref<64x128xf32, #tpu.memory_space<vmem>>, vector<1x128xf32>
      tpu.vector_store %arg10[%swap3A_560, %swap3A_561], %max3A {strides = array<i32>} : memref<64x128xf32, #tpu.memory_space<vmem>>, vector<1x128xf32>,
    } else {
    }
    %ge3A_414 = arith.constant 48 : i32
    %ge3A_415 = arith.cmpi sge, %ge3A_414, %squeeze3A : i32
    %le3A_416 = arith.constant 48 : i32
    %le3A_417 = arith.cmpi sle, %le3A_416, %squeeze3A_29 : i32
    %and3A_418 = arith.andi %ge3A_415, %le3A_417 : i1
    %convert_element_type3A_419 = arith.extui %and3A_418 : i1 to i32
    %cond3A_420 = arith.constant 0 : i32
    %cond3A_421 = arith.cmpi ne, %convert_element_type3A_419, %cond3A_420 : i32
    scf.if %cond3A_421 {
      %eq3A_547 = arith.constant 48 : i32
      %eq3A_548 = vector.broadcast %eq3A_547 : i32 to vector<1024x1xi32>
      %eq3A_549 = arith.cmpi eq, %get3A_32, %eq3A_548 : vector<1024x1xi32>
      %jit3A_550 = arith.constant -3.000000e+38 : f32
      %broadcast_in_dim3A_551 = vector.shape_cast %eq3A_549 : vector<1024x1xi1> to vector<1024x1xi1>
      %broadcast_in_dim3A_552 = vector.broadcast %broadcast_in_dim3A_551 : vector<1024x1xi1> to vector<1024x128xi1>
      %broadcast_in_dim3A_553 = vector.broadcast %jit3A_550 : f32 to vector<1024x128xf32>
      %select_n3A_554 = arith.select %broadcast_in_dim3A_552, %get3A_3, %broadcast_in_dim3A_553 : vector<1024x128xi1>, vector<1024x128xf32>
      %reduce_max3A = arith.constant dense<0xFF800000> : vector<128xf32>
      %reduce_max3A_555 = vector.multi_reduction <maximumf>, %select_n3A_554, %reduce_max3A [0] : vector<1024x128xf32> to vector<128xf32>
      %broadcast_in_dim3A_556 = vector.shape_cast %reduce_max3A_555 : vector<128xf32> to vector<1x128xf32>
      %get3A_557 = arith.constant 48 : index
      %get3A_558 = arith.constant 0 : index
      %get3A_559 = vector.load %arg10[%get3A_557, %get3A_558] : memref<64x128xf32, #tpu.memory_space<vmem>>, vector<1x128xf32>
      %max3A = arith.maximumf %get3A_559, %broadcast_in_dim3A_556 : vector<1x128xf32>
      %swap3A_560 = arith.constant 48 : index
      %swap3A_561 = arith.constant 0 : index
      %swap3A_562 = vector.load %arg10[%swap3A_560, %swap3A_561] : memref<64x128xf32, #tpu.memory_space<vmem>>, vector<1x128xf32>
      tpu.vector_store %arg10[%swap3A_560, %swap3A_561], %max3A {strides = array<i32>} : memref<64x128xf32, #tpu.memory_space<vmem>>, vector<1x128xf32>,
    } else {
    }
    %ge3A_422 = arith.constant 49 : i32
    %ge3A_423 = arith.cmpi sge, %ge3A_422, %squeeze3A : i32
    %le3A_424 = arith.constant 49 : i32
    %le3A_425 = arith.cmpi sle, %le3A_424, %squeeze3A_29 : i32
    %and3A_426 = arith.andi %ge3A_423, %le3A_425 : i1
    %convert_element_type3A_427 = arith.extui %and3A_426 : i1 to i32
    %cond3A_428 = arith.constant 0 : i32
    %cond3A_429 = arith.cmpi ne, %convert_element_type3A_427, %cond3A_428 : i32
    scf.if %cond3A_429 {
      %eq3A_547 = arith.constant 49 : i32
      %eq3A_548 = vector.broadcast %eq3A_547 : i32 to vector<1024x1xi32>
      %eq3A_549 = arith.cmpi eq, %get3A_32, %eq3A_548 : vector<1024x1xi32>
      %jit3A_550 = arith.constant -3.000000e+38 : f32
      %broadcast_in_dim3A_551 = vector.shape_cast %eq3A_549 : vector<1024x1xi1> to vector<1024x1xi1>
      %broadcast_in_dim3A_552 = vector.broadcast %broadcast_in_dim3A_551 : vector<1024x1xi1> to vector<1024x128xi1>
      %broadcast_in_dim3A_553 = vector.broadcast %jit3A_550 : f32 to vector<1024x128xf32>
      %select_n3A_554 = arith.select %broadcast_in_dim3A_552, %get3A_3, %broadcast_in_dim3A_553 : vector<1024x128xi1>, vector<1024x128xf32>
      %reduce_max3A = arith.constant dense<0xFF800000> : vector<128xf32>
      %reduce_max3A_555 = vector.multi_reduction <maximumf>, %select_n3A_554, %reduce_max3A [0] : vector<1024x128xf32> to vector<128xf32>
      %broadcast_in_dim3A_556 = vector.shape_cast %reduce_max3A_555 : vector<128xf32> to vector<1x128xf32>
      %get3A_557 = arith.constant 49 : index
      %get3A_558 = arith.constant 0 : index
      %get3A_559 = vector.load %arg10[%get3A_557, %get3A_558] : memref<64x128xf32, #tpu.memory_space<vmem>>, vector<1x128xf32>
      %max3A = arith.maximumf %get3A_559, %broadcast_in_dim3A_556 : vector<1x128xf32>
      %swap3A_560 = arith.constant 49 : index
      %swap3A_561 = arith.constant 0 : index
      %swap3A_562 = vector.load %arg10[%swap3A_560, %swap3A_561] : memref<64x128xf32, #tpu.memory_space<vmem>>, vector<1x128xf32>
      tpu.vector_store %arg10[%swap3A_560, %swap3A_561], %max3A {strides = array<i32>} : memref<64x128xf32, #tpu.memory_space<vmem>>, vector<1x128xf32>,
    } else {
    }
    %ge3A_430 = arith.constant 50 : i32
    %ge3A_431 = arith.cmpi sge, %ge3A_430, %squeeze3A : i32
    %le3A_432 = arith.constant 50 : i32
    %le3A_433 = arith.cmpi sle, %le3A_432, %squeeze3A_29 : i32
    %and3A_434 = arith.andi %ge3A_431, %le3A_433 : i1
    %convert_element_type3A_435 = arith.extui %and3A_434 : i1 to i32
    %cond3A_436 = arith.constant 0 : i32
    %cond3A_437 = arith.cmpi ne, %convert_element_type3A_435, %cond3A_436 : i32
    scf.if %cond3A_437 {
      %eq3A_547 = arith.constant 50 : i32
      %eq3A_548 = vector.broadcast %eq3A_547 : i32 to vector<1024x1xi32>
      %eq3A_549 = arith.cmpi eq, %get3A_32, %eq3A_548 : vector<1024x1xi32>
      %jit3A_550 = arith.constant -3.000000e+38 : f32
      %broadcast_in_dim3A_551 = vector.shape_cast %eq3A_549 : vector<1024x1xi1> to vector<1024x1xi1>
      %broadcast_in_dim3A_552 = vector.broadcast %broadcast_in_dim3A_551 : vector<1024x1xi1> to vector<1024x128xi1>
      %broadcast_in_dim3A_553 = vector.broadcast %jit3A_550 : f32 to vector<1024x128xf32>
      %select_n3A_554 = arith.select %broadcast_in_dim3A_552, %get3A_3, %broadcast_in_dim3A_553 : vector<1024x128xi1>, vector<1024x128xf32>
      %reduce_max3A = arith.constant dense<0xFF800000> : vector<128xf32>
      %reduce_max3A_555 = vector.multi_reduction <maximumf>, %select_n3A_554, %reduce_max3A [0] : vector<1024x128xf32> to vector<128xf32>
      %broadcast_in_dim3A_556 = vector.shape_cast %reduce_max3A_555 : vector<128xf32> to vector<1x128xf32>
      %get3A_557 = arith.constant 50 : index
      %get3A_558 = arith.constant 0 : index
      %get3A_559 = vector.load %arg10[%get3A_557, %get3A_558] : memref<64x128xf32, #tpu.memory_space<vmem>>, vector<1x128xf32>
      %max3A = arith.maximumf %get3A_559, %broadcast_in_dim3A_556 : vector<1x128xf32>
      %swap3A_560 = arith.constant 50 : index
      %swap3A_561 = arith.constant 0 : index
      %swap3A_562 = vector.load %arg10[%swap3A_560, %swap3A_561] : memref<64x128xf32, #tpu.memory_space<vmem>>, vector<1x128xf32>
      tpu.vector_store %arg10[%swap3A_560, %swap3A_561], %max3A {strides = array<i32>} : memref<64x128xf32, #tpu.memory_space<vmem>>, vector<1x128xf32>,
    } else {
    }
    %ge3A_438 = arith.constant 51 : i32
    %ge3A_439 = arith.cmpi sge, %ge3A_438, %squeeze3A : i32
    %le3A_440 = arith.constant 51 : i32
    %le3A_441 = arith.cmpi sle, %le3A_440, %squeeze3A_29 : i32
    %and3A_442 = arith.andi %ge3A_439, %le3A_441 : i1
    %convert_element_type3A_443 = arith.extui %and3A_442 : i1 to i32
    %cond3A_444 = arith.constant 0 : i32
    %cond3A_445 = arith.cmpi ne, %convert_element_type3A_443, %cond3A_444 : i32
    scf.if %cond3A_445 {
      %eq3A_547 = arith.constant 51 : i32
      %eq3A_548 = vector.broadcast %eq3A_547 : i32 to vector<1024x1xi32>
      %eq3A_549 = arith.cmpi eq, %get3A_32, %eq3A_548 : vector<1024x1xi32>
      %jit3A_550 = arith.constant -3.000000e+38 : f32
      %broadcast_in_dim3A_551 = vector.shape_cast %eq3A_549 : vector<1024x1xi1> to vector<1024x1xi1>
      %broadcast_in_dim3A_552 = vector.broadcast %broadcast_in_dim3A_551 : vector<1024x1xi1> to vector<1024x128xi1>
      %broadcast_in_dim3A_553 = vector.broadcast %jit3A_550 : f32 to vector<1024x128xf32>
      %select_n3A_554 = arith.select %broadcast_in_dim3A_552, %get3A_3, %broadcast_in_dim3A_553 : vector<1024x128xi1>, vector<1024x128xf32>
      %reduce_max3A = arith.constant dense<0xFF800000> : vector<128xf32>
      %reduce_max3A_555 = vector.multi_reduction <maximumf>, %select_n3A_554, %reduce_max3A [0] : vector<1024x128xf32> to vector<128xf32>
      %broadcast_in_dim3A_556 = vector.shape_cast %reduce_max3A_555 : vector<128xf32> to vector<1x128xf32>
      %get3A_557 = arith.constant 51 : index
      %get3A_558 = arith.constant 0 : index
      %get3A_559 = vector.load %arg10[%get3A_557, %get3A_558] : memref<64x128xf32, #tpu.memory_space<vmem>>, vector<1x128xf32>
      %max3A = arith.maximumf %get3A_559, %broadcast_in_dim3A_556 : vector<1x128xf32>
      %swap3A_560 = arith.constant 51 : index
      %swap3A_561 = arith.constant 0 : index
      %swap3A_562 = vector.load %arg10[%swap3A_560, %swap3A_561] : memref<64x128xf32, #tpu.memory_space<vmem>>, vector<1x128xf32>
      tpu.vector_store %arg10[%swap3A_560, %swap3A_561], %max3A {strides = array<i32>} : memref<64x128xf32, #tpu.memory_space<vmem>>, vector<1x128xf32>,
    } else {
    }
    %ge3A_446 = arith.constant 52 : i32
    %ge3A_447 = arith.cmpi sge, %ge3A_446, %squeeze3A : i32
    %le3A_448 = arith.constant 52 : i32
    %le3A_449 = arith.cmpi sle, %le3A_448, %squeeze3A_29 : i32
    %and3A_450 = arith.andi %ge3A_447, %le3A_449 : i1
    %convert_element_type3A_451 = arith.extui %and3A_450 : i1 to i32
    %cond3A_452 = arith.constant 0 : i32
    %cond3A_453 = arith.cmpi ne, %convert_element_type3A_451, %cond3A_452 : i32
    scf.if %cond3A_453 {
      %eq3A_547 = arith.constant 52 : i32
      %eq3A_548 = vector.broadcast %eq3A_547 : i32 to vector<1024x1xi32>
      %eq3A_549 = arith.cmpi eq, %get3A_32, %eq3A_548 : vector<1024x1xi32>
      %jit3A_550 = arith.constant -3.000000e+38 : f32
      %broadcast_in_dim3A_551 = vector.shape_cast %eq3A_549 : vector<1024x1xi1> to vector<1024x1xi1>
      %broadcast_in_dim3A_552 = vector.broadcast %broadcast_in_dim3A_551 : vector<1024x1xi1> to vector<1024x128xi1>
      %broadcast_in_dim3A_553 = vector.broadcast %jit3A_550 : f32 to vector<1024x128xf32>
      %select_n3A_554 = arith.select %broadcast_in_dim3A_552, %get3A_3, %broadcast_in_dim3A_553 : vector<1024x128xi1>, vector<1024x128xf32>
      %reduce_max3A = arith.constant dense<0xFF800000> : vector<128xf32>
      %reduce_max3A_555 = vector.multi_reduction <maximumf>, %select_n3A_554, %reduce_max3A [0] : vector<1024x128xf32> to vector<128xf32>
      %broadcast_in_dim3A_556 = vector.shape_cast %reduce_max3A_555 : vector<128xf32> to vector<1x128xf32>
      %get3A_557 = arith.constant 52 : index
      %get3A_558 = arith.constant 0 : index
      %get3A_559 = vector.load %arg10[%get3A_557, %get3A_558] : memref<64x128xf32, #tpu.memory_space<vmem>>, vector<1x128xf32>
      %max3A = arith.maximumf %get3A_559, %broadcast_in_dim3A_556 : vector<1x128xf32>
      %swap3A_560 = arith.constant 52 : index
      %swap3A_561 = arith.constant 0 : index
      %swap3A_562 = vector.load %arg10[%swap3A_560, %swap3A_561] : memref<64x128xf32, #tpu.memory_space<vmem>>, vector<1x128xf32>
      tpu.vector_store %arg10[%swap3A_560, %swap3A_561], %max3A {strides = array<i32>} : memref<64x128xf32, #tpu.memory_space<vmem>>, vector<1x128xf32>,
    } else {
    }
    %ge3A_454 = arith.constant 53 : i32
    %ge3A_455 = arith.cmpi sge, %ge3A_454, %squeeze3A : i32
    %le3A_456 = arith.constant 53 : i32
    %le3A_457 = arith.cmpi sle, %le3A_456, %squeeze3A_29 : i32
    %and3A_458 = arith.andi %ge3A_455, %le3A_457 : i1
    %convert_element_type3A_459 = arith.extui %and3A_458 : i1 to i32
    %cond3A_460 = arith.constant 0 : i32
    %cond3A_461 = arith.cmpi ne, %convert_element_type3A_459, %cond3A_460 : i32
    scf.if %cond3A_461 {
      %eq3A_547 = arith.constant 53 : i32
      %eq3A_548 = vector.broadcast %eq3A_547 : i32 to vector<1024x1xi32>
      %eq3A_549 = arith.cmpi eq, %get3A_32, %eq3A_548 : vector<1024x1xi32>
      %jit3A_550 = arith.constant -3.000000e+38 : f32
      %broadcast_in_dim3A_551 = vector.shape_cast %eq3A_549 : vector<1024x1xi1> to vector<1024x1xi1>
      %broadcast_in_dim3A_552 = vector.broadcast %broadcast_in_dim3A_551 : vector<1024x1xi1> to vector<1024x128xi1>
      %broadcast_in_dim3A_553 = vector.broadcast %jit3A_550 : f32 to vector<1024x128xf32>
      %select_n3A_554 = arith.select %broadcast_in_dim3A_552, %get3A_3, %broadcast_in_dim3A_553 : vector<1024x128xi1>, vector<1024x128xf32>
      %reduce_max3A = arith.constant dense<0xFF800000> : vector<128xf32>
      %reduce_max3A_555 = vector.multi_reduction <maximumf>, %select_n3A_554, %reduce_max3A [0] : vector<1024x128xf32> to vector<128xf32>
      %broadcast_in_dim3A_556 = vector.shape_cast %reduce_max3A_555 : vector<128xf32> to vector<1x128xf32>
      %get3A_557 = arith.constant 53 : index
      %get3A_558 = arith.constant 0 : index
      %get3A_559 = vector.load %arg10[%get3A_557, %get3A_558] : memref<64x128xf32, #tpu.memory_space<vmem>>, vector<1x128xf32>
      %max3A = arith.maximumf %get3A_559, %broadcast_in_dim3A_556 : vector<1x128xf32>
      %swap3A_560 = arith.constant 53 : index
      %swap3A_561 = arith.constant 0 : index
      %swap3A_562 = vector.load %arg10[%swap3A_560, %swap3A_561] : memref<64x128xf32, #tpu.memory_space<vmem>>, vector<1x128xf32>
      tpu.vector_store %arg10[%swap3A_560, %swap3A_561], %max3A {strides = array<i32>} : memref<64x128xf32, #tpu.memory_space<vmem>>, vector<1x128xf32>,
    } else {
    }
    %ge3A_462 = arith.constant 54 : i32
    %ge3A_463 = arith.cmpi sge, %ge3A_462, %squeeze3A : i32
    %le3A_464 = arith.constant 54 : i32
    %le3A_465 = arith.cmpi sle, %le3A_464, %squeeze3A_29 : i32
    %and3A_466 = arith.andi %ge3A_463, %le3A_465 : i1
    %convert_element_type3A_467 = arith.extui %and3A_466 : i1 to i32
    %cond3A_468 = arith.constant 0 : i32
    %cond3A_469 = arith.cmpi ne, %convert_element_type3A_467, %cond3A_468 : i32
    scf.if %cond3A_469 {
      %eq3A_547 = arith.constant 54 : i32
      %eq3A_548 = vector.broadcast %eq3A_547 : i32 to vector<1024x1xi32>
      %eq3A_549 = arith.cmpi eq, %get3A_32, %eq3A_548 : vector<1024x1xi32>
      %jit3A_550 = arith.constant -3.000000e+38 : f32
      %broadcast_in_dim3A_551 = vector.shape_cast %eq3A_549 : vector<1024x1xi1> to vector<1024x1xi1>
      %broadcast_in_dim3A_552 = vector.broadcast %broadcast_in_dim3A_551 : vector<1024x1xi1> to vector<1024x128xi1>
      %broadcast_in_dim3A_553 = vector.broadcast %jit3A_550 : f32 to vector<1024x128xf32>
      %select_n3A_554 = arith.select %broadcast_in_dim3A_552, %get3A_3, %broadcast_in_dim3A_553 : vector<1024x128xi1>, vector<1024x128xf32>
      %reduce_max3A = arith.constant dense<0xFF800000> : vector<128xf32>
      %reduce_max3A_555 = vector.multi_reduction <maximumf>, %select_n3A_554, %reduce_max3A [0] : vector<1024x128xf32> to vector<128xf32>
      %broadcast_in_dim3A_556 = vector.shape_cast %reduce_max3A_555 : vector<128xf32> to vector<1x128xf32>
      %get3A_557 = arith.constant 54 : index
      %get3A_558 = arith.constant 0 : index
      %get3A_559 = vector.load %arg10[%get3A_557, %get3A_558] : memref<64x128xf32, #tpu.memory_space<vmem>>, vector<1x128xf32>
      %max3A = arith.maximumf %get3A_559, %broadcast_in_dim3A_556 : vector<1x128xf32>
      %swap3A_560 = arith.constant 54 : index
      %swap3A_561 = arith.constant 0 : index
      %swap3A_562 = vector.load %arg10[%swap3A_560, %swap3A_561] : memref<64x128xf32, #tpu.memory_space<vmem>>, vector<1x128xf32>
      tpu.vector_store %arg10[%swap3A_560, %swap3A_561], %max3A {strides = array<i32>} : memref<64x128xf32, #tpu.memory_space<vmem>>, vector<1x128xf32>,
    } else {
    }
    %ge3A_470 = arith.constant 55 : i32
    %ge3A_471 = arith.cmpi sge, %ge3A_470, %squeeze3A : i32
    %le3A_472 = arith.constant 55 : i32
    %le3A_473 = arith.cmpi sle, %le3A_472, %squeeze3A_29 : i32
    %and3A_474 = arith.andi %ge3A_471, %le3A_473 : i1
    %convert_element_type3A_475 = arith.extui %and3A_474 : i1 to i32
    %cond3A_476 = arith.constant 0 : i32
    %cond3A_477 = arith.cmpi ne, %convert_element_type3A_475, %cond3A_476 : i32
    scf.if %cond3A_477 {
      %eq3A_547 = arith.constant 55 : i32
      %eq3A_548 = vector.broadcast %eq3A_547 : i32 to vector<1024x1xi32>
      %eq3A_549 = arith.cmpi eq, %get3A_32, %eq3A_548 : vector<1024x1xi32>
      %jit3A_550 = arith.constant -3.000000e+38 : f32
      %broadcast_in_dim3A_551 = vector.shape_cast %eq3A_549 : vector<1024x1xi1> to vector<1024x1xi1>
      %broadcast_in_dim3A_552 = vector.broadcast %broadcast_in_dim3A_551 : vector<1024x1xi1> to vector<1024x128xi1>
      %broadcast_in_dim3A_553 = vector.broadcast %jit3A_550 : f32 to vector<1024x128xf32>
      %select_n3A_554 = arith.select %broadcast_in_dim3A_552, %get3A_3, %broadcast_in_dim3A_553 : vector<1024x128xi1>, vector<1024x128xf32>
      %reduce_max3A = arith.constant dense<0xFF800000> : vector<128xf32>
      %reduce_max3A_555 = vector.multi_reduction <maximumf>, %select_n3A_554, %reduce_max3A [0] : vector<1024x128xf32> to vector<128xf32>
      %broadcast_in_dim3A_556 = vector.shape_cast %reduce_max3A_555 : vector<128xf32> to vector<1x128xf32>
      %get3A_557 = arith.constant 55 : index
      %get3A_558 = arith.constant 0 : index
      %get3A_559 = vector.load %arg10[%get3A_557, %get3A_558] : memref<64x128xf32, #tpu.memory_space<vmem>>, vector<1x128xf32>
      %max3A = arith.maximumf %get3A_559, %broadcast_in_dim3A_556 : vector<1x128xf32>
      %swap3A_560 = arith.constant 55 : index
      %swap3A_561 = arith.constant 0 : index
      %swap3A_562 = vector.load %arg10[%swap3A_560, %swap3A_561] : memref<64x128xf32, #tpu.memory_space<vmem>>, vector<1x128xf32>
      tpu.vector_store %arg10[%swap3A_560, %swap3A_561], %max3A {strides = array<i32>} : memref<64x128xf32, #tpu.memory_space<vmem>>, vector<1x128xf32>,
    } else {
    }
    %ge3A_478 = arith.constant 56 : i32
    %ge3A_479 = arith.cmpi sge, %ge3A_478, %squeeze3A : i32
    %le3A_480 = arith.constant 56 : i32
    %le3A_481 = arith.cmpi sle, %le3A_480, %squeeze3A_29 : i32
    %and3A_482 = arith.andi %ge3A_479, %le3A_481 : i1
    %convert_element_type3A_483 = arith.extui %and3A_482 : i1 to i32
    %cond3A_484 = arith.constant 0 : i32
    %cond3A_485 = arith.cmpi ne, %convert_element_type3A_483, %cond3A_484 : i32
    scf.if %cond3A_485 {
      %eq3A_547 = arith.constant 56 : i32
      %eq3A_548 = vector.broadcast %eq3A_547 : i32 to vector<1024x1xi32>
      %eq3A_549 = arith.cmpi eq, %get3A_32, %eq3A_548 : vector<1024x1xi32>
      %jit3A_550 = arith.constant -3.000000e+38 : f32
      %broadcast_in_dim3A_551 = vector.shape_cast %eq3A_549 : vector<1024x1xi1> to vector<1024x1xi1>
      %broadcast_in_dim3A_552 = vector.broadcast %broadcast_in_dim3A_551 : vector<1024x1xi1> to vector<1024x128xi1>
      %broadcast_in_dim3A_553 = vector.broadcast %jit3A_550 : f32 to vector<1024x128xf32>
      %select_n3A_554 = arith.select %broadcast_in_dim3A_552, %get3A_3, %broadcast_in_dim3A_553 : vector<1024x128xi1>, vector<1024x128xf32>
      %reduce_max3A = arith.constant dense<0xFF800000> : vector<128xf32>
      %reduce_max3A_555 = vector.multi_reduction <maximumf>, %select_n3A_554, %reduce_max3A [0] : vector<1024x128xf32> to vector<128xf32>
      %broadcast_in_dim3A_556 = vector.shape_cast %reduce_max3A_555 : vector<128xf32> to vector<1x128xf32>
      %get3A_557 = arith.constant 56 : index
      %get3A_558 = arith.constant 0 : index
      %get3A_559 = vector.load %arg10[%get3A_557, %get3A_558] : memref<64x128xf32, #tpu.memory_space<vmem>>, vector<1x128xf32>
      %max3A = arith.maximumf %get3A_559, %broadcast_in_dim3A_556 : vector<1x128xf32>
      %swap3A_560 = arith.constant 56 : index
      %swap3A_561 = arith.constant 0 : index
      %swap3A_562 = vector.load %arg10[%swap3A_560, %swap3A_561] : memref<64x128xf32, #tpu.memory_space<vmem>>, vector<1x128xf32>
      tpu.vector_store %arg10[%swap3A_560, %swap3A_561], %max3A {strides = array<i32>} : memref<64x128xf32, #tpu.memory_space<vmem>>, vector<1x128xf32>,
    } else {
    }
    %ge3A_486 = arith.constant 57 : i32
    %ge3A_487 = arith.cmpi sge, %ge3A_486, %squeeze3A : i32
    %le3A_488 = arith.constant 57 : i32
    %le3A_489 = arith.cmpi sle, %le3A_488, %squeeze3A_29 : i32
    %and3A_490 = arith.andi %ge3A_487, %le3A_489 : i1
    %convert_element_type3A_491 = arith.extui %and3A_490 : i1 to i32
    %cond3A_492 = arith.constant 0 : i32
    %cond3A_493 = arith.cmpi ne, %convert_element_type3A_491, %cond3A_492 : i32
    scf.if %cond3A_493 {
      %eq3A_547 = arith.constant 57 : i32
      %eq3A_548 = vector.broadcast %eq3A_547 : i32 to vector<1024x1xi32>
      %eq3A_549 = arith.cmpi eq, %get3A_32, %eq3A_548 : vector<1024x1xi32>
      %jit3A_550 = arith.constant -3.000000e+38 : f32
      %broadcast_in_dim3A_551 = vector.shape_cast %eq3A_549 : vector<1024x1xi1> to vector<1024x1xi1>
      %broadcast_in_dim3A_552 = vector.broadcast %broadcast_in_dim3A_551 : vector<1024x1xi1> to vector<1024x128xi1>
      %broadcast_in_dim3A_553 = vector.broadcast %jit3A_550 : f32 to vector<1024x128xf32>
      %select_n3A_554 = arith.select %broadcast_in_dim3A_552, %get3A_3, %broadcast_in_dim3A_553 : vector<1024x128xi1>, vector<1024x128xf32>
      %reduce_max3A = arith.constant dense<0xFF800000> : vector<128xf32>
      %reduce_max3A_555 = vector.multi_reduction <maximumf>, %select_n3A_554, %reduce_max3A [0] : vector<1024x128xf32> to vector<128xf32>
      %broadcast_in_dim3A_556 = vector.shape_cast %reduce_max3A_555 : vector<128xf32> to vector<1x128xf32>
      %get3A_557 = arith.constant 57 : index
      %get3A_558 = arith.constant 0 : index
      %get3A_559 = vector.load %arg10[%get3A_557, %get3A_558] : memref<64x128xf32, #tpu.memory_space<vmem>>, vector<1x128xf32>
      %max3A = arith.maximumf %get3A_559, %broadcast_in_dim3A_556 : vector<1x128xf32>
      %swap3A_560 = arith.constant 57 : index
      %swap3A_561 = arith.constant 0 : index
      %swap3A_562 = vector.load %arg10[%swap3A_560, %swap3A_561] : memref<64x128xf32, #tpu.memory_space<vmem>>, vector<1x128xf32>
      tpu.vector_store %arg10[%swap3A_560, %swap3A_561], %max3A {strides = array<i32>} : memref<64x128xf32, #tpu.memory_space<vmem>>, vector<1x128xf32>,
    } else {
    }
    %ge3A_494 = arith.constant 58 : i32
    %ge3A_495 = arith.cmpi sge, %ge3A_494, %squeeze3A : i32
    %le3A_496 = arith.constant 58 : i32
    %le3A_497 = arith.cmpi sle, %le3A_496, %squeeze3A_29 : i32
    %and3A_498 = arith.andi %ge3A_495, %le3A_497 : i1
    %convert_element_type3A_499 = arith.extui %and3A_498 : i1 to i32
    %cond3A_500 = arith.constant 0 : i32
    %cond3A_501 = arith.cmpi ne, %convert_element_type3A_499, %cond3A_500 : i32
    scf.if %cond3A_501 {
      %eq3A_547 = arith.constant 58 : i32
      %eq3A_548 = vector.broadcast %eq3A_547 : i32 to vector<1024x1xi32>
      %eq3A_549 = arith.cmpi eq, %get3A_32, %eq3A_548 : vector<1024x1xi32>
      %jit3A_550 = arith.constant -3.000000e+38 : f32
      %broadcast_in_dim3A_551 = vector.shape_cast %eq3A_549 : vector<1024x1xi1> to vector<1024x1xi1>
      %broadcast_in_dim3A_552 = vector.broadcast %broadcast_in_dim3A_551 : vector<1024x1xi1> to vector<1024x128xi1>
      %broadcast_in_dim3A_553 = vector.broadcast %jit3A_550 : f32 to vector<1024x128xf32>
      %select_n3A_554 = arith.select %broadcast_in_dim3A_552, %get3A_3, %broadcast_in_dim3A_553 : vector<1024x128xi1>, vector<1024x128xf32>
      %reduce_max3A = arith.constant dense<0xFF800000> : vector<128xf32>
      %reduce_max3A_555 = vector.multi_reduction <maximumf>, %select_n3A_554, %reduce_max3A [0] : vector<1024x128xf32> to vector<128xf32>
      %broadcast_in_dim3A_556 = vector.shape_cast %reduce_max3A_555 : vector<128xf32> to vector<1x128xf32>
      %get3A_557 = arith.constant 58 : index
      %get3A_558 = arith.constant 0 : index
      %get3A_559 = vector.load %arg10[%get3A_557, %get3A_558] : memref<64x128xf32, #tpu.memory_space<vmem>>, vector<1x128xf32>
      %max3A = arith.maximumf %get3A_559, %broadcast_in_dim3A_556 : vector<1x128xf32>
      %swap3A_560 = arith.constant 58 : index
      %swap3A_561 = arith.constant 0 : index
      %swap3A_562 = vector.load %arg10[%swap3A_560, %swap3A_561] : memref<64x128xf32, #tpu.memory_space<vmem>>, vector<1x128xf32>
      tpu.vector_store %arg10[%swap3A_560, %swap3A_561], %max3A {strides = array<i32>} : memref<64x128xf32, #tpu.memory_space<vmem>>, vector<1x128xf32>,
    } else {
    }
    %ge3A_502 = arith.constant 59 : i32
    %ge3A_503 = arith.cmpi sge, %ge3A_502, %squeeze3A : i32
    %le3A_504 = arith.constant 59 : i32
    %le3A_505 = arith.cmpi sle, %le3A_504, %squeeze3A_29 : i32
    %and3A_506 = arith.andi %ge3A_503, %le3A_505 : i1
    %convert_element_type3A_507 = arith.extui %and3A_506 : i1 to i32
    %cond3A_508 = arith.constant 0 : i32
    %cond3A_509 = arith.cmpi ne, %convert_element_type3A_507, %cond3A_508 : i32
    scf.if %cond3A_509 {
      %eq3A_547 = arith.constant 59 : i32
      %eq3A_548 = vector.broadcast %eq3A_547 : i32 to vector<1024x1xi32>
      %eq3A_549 = arith.cmpi eq, %get3A_32, %eq3A_548 : vector<1024x1xi32>
      %jit3A_550 = arith.constant -3.000000e+38 : f32
      %broadcast_in_dim3A_551 = vector.shape_cast %eq3A_549 : vector<1024x1xi1> to vector<1024x1xi1>
      %broadcast_in_dim3A_552 = vector.broadcast %broadcast_in_dim3A_551 : vector<1024x1xi1> to vector<1024x128xi1>
      %broadcast_in_dim3A_553 = vector.broadcast %jit3A_550 : f32 to vector<1024x128xf32>
      %select_n3A_554 = arith.select %broadcast_in_dim3A_552, %get3A_3, %broadcast_in_dim3A_553 : vector<1024x128xi1>, vector<1024x128xf32>
      %reduce_max3A = arith.constant dense<0xFF800000> : vector<128xf32>
      %reduce_max3A_555 = vector.multi_reduction <maximumf>, %select_n3A_554, %reduce_max3A [0] : vector<1024x128xf32> to vector<128xf32>
      %broadcast_in_dim3A_556 = vector.shape_cast %reduce_max3A_555 : vector<128xf32> to vector<1x128xf32>
      %get3A_557 = arith.constant 59 : index
      %get3A_558 = arith.constant 0 : index
      %get3A_559 = vector.load %arg10[%get3A_557, %get3A_558] : memref<64x128xf32, #tpu.memory_space<vmem>>, vector<1x128xf32>
      %max3A = arith.maximumf %get3A_559, %broadcast_in_dim3A_556 : vector<1x128xf32>
      %swap3A_560 = arith.constant 59 : index
      %swap3A_561 = arith.constant 0 : index
      %swap3A_562 = vector.load %arg10[%swap3A_560, %swap3A_561] : memref<64x128xf32, #tpu.memory_space<vmem>>, vector<1x128xf32>
      tpu.vector_store %arg10[%swap3A_560, %swap3A_561], %max3A {strides = array<i32>} : memref<64x128xf32, #tpu.memory_space<vmem>>, vector<1x128xf32>,
    } else {
    }
    %ge3A_510 = arith.constant 60 : i32
    %ge3A_511 = arith.cmpi sge, %ge3A_510, %squeeze3A : i32
    %le3A_512 = arith.constant 60 : i32
    %le3A_513 = arith.cmpi sle, %le3A_512, %squeeze3A_29 : i32
    %and3A_514 = arith.andi %ge3A_511, %le3A_513 : i1
    %convert_element_type3A_515 = arith.extui %and3A_514 : i1 to i32
    %cond3A_516 = arith.constant 0 : i32
    %cond3A_517 = arith.cmpi ne, %convert_element_type3A_515, %cond3A_516 : i32
    scf.if %cond3A_517 {
      %eq3A_547 = arith.constant 60 : i32
      %eq3A_548 = vector.broadcast %eq3A_547 : i32 to vector<1024x1xi32>
      %eq3A_549 = arith.cmpi eq, %get3A_32, %eq3A_548 : vector<1024x1xi32>
      %jit3A_550 = arith.constant -3.000000e+38 : f32
      %broadcast_in_dim3A_551 = vector.shape_cast %eq3A_549 : vector<1024x1xi1> to vector<1024x1xi1>
      %broadcast_in_dim3A_552 = vector.broadcast %broadcast_in_dim3A_551 : vector<1024x1xi1> to vector<1024x128xi1>
      %broadcast_in_dim3A_553 = vector.broadcast %jit3A_550 : f32 to vector<1024x128xf32>
      %select_n3A_554 = arith.select %broadcast_in_dim3A_552, %get3A_3, %broadcast_in_dim3A_553 : vector<1024x128xi1>, vector<1024x128xf32>
      %reduce_max3A = arith.constant dense<0xFF800000> : vector<128xf32>
      %reduce_max3A_555 = vector.multi_reduction <maximumf>, %select_n3A_554, %reduce_max3A [0] : vector<1024x128xf32> to vector<128xf32>
      %broadcast_in_dim3A_556 = vector.shape_cast %reduce_max3A_555 : vector<128xf32> to vector<1x128xf32>
      %get3A_557 = arith.constant 60 : index
      %get3A_558 = arith.constant 0 : index
      %get3A_559 = vector.load %arg10[%get3A_557, %get3A_558] : memref<64x128xf32, #tpu.memory_space<vmem>>, vector<1x128xf32>
      %max3A = arith.maximumf %get3A_559, %broadcast_in_dim3A_556 : vector<1x128xf32>
      %swap3A_560 = arith.constant 60 : index
      %swap3A_561 = arith.constant 0 : index
      %swap3A_562 = vector.load %arg10[%swap3A_560, %swap3A_561] : memref<64x128xf32, #tpu.memory_space<vmem>>, vector<1x128xf32>
      tpu.vector_store %arg10[%swap3A_560, %swap3A_561], %max3A {strides = array<i32>} : memref<64x128xf32, #tpu.memory_space<vmem>>, vector<1x128xf32>,
    } else {
    }
    %ge3A_518 = arith.constant 61 : i32
    %ge3A_519 = arith.cmpi sge, %ge3A_518, %squeeze3A : i32
    %le3A_520 = arith.constant 61 : i32
    %le3A_521 = arith.cmpi sle, %le3A_520, %squeeze3A_29 : i32
    %and3A_522 = arith.andi %ge3A_519, %le3A_521 : i1
    %convert_element_type3A_523 = arith.extui %and3A_522 : i1 to i32
    %cond3A_524 = arith.constant 0 : i32
    %cond3A_525 = arith.cmpi ne, %convert_element_type3A_523, %cond3A_524 : i32
    scf.if %cond3A_525 {
      %eq3A_547 = arith.constant 61 : i32
      %eq3A_548 = vector.broadcast %eq3A_547 : i32 to vector<1024x1xi32>
      %eq3A_549 = arith.cmpi eq, %get3A_32, %eq3A_548 : vector<1024x1xi32>
      %jit3A_550 = arith.constant -3.000000e+38 : f32
      %broadcast_in_dim3A_551 = vector.shape_cast %eq3A_549 : vector<1024x1xi1> to vector<1024x1xi1>
      %broadcast_in_dim3A_552 = vector.broadcast %broadcast_in_dim3A_551 : vector<1024x1xi1> to vector<1024x128xi1>
      %broadcast_in_dim3A_553 = vector.broadcast %jit3A_550 : f32 to vector<1024x128xf32>
      %select_n3A_554 = arith.select %broadcast_in_dim3A_552, %get3A_3, %broadcast_in_dim3A_553 : vector<1024x128xi1>, vector<1024x128xf32>
      %reduce_max3A = arith.constant dense<0xFF800000> : vector<128xf32>
      %reduce_max3A_555 = vector.multi_reduction <maximumf>, %select_n3A_554, %reduce_max3A [0] : vector<1024x128xf32> to vector<128xf32>
      %broadcast_in_dim3A_556 = vector.shape_cast %reduce_max3A_555 : vector<128xf32> to vector<1x128xf32>
      %get3A_557 = arith.constant 61 : index
      %get3A_558 = arith.constant 0 : index
      %get3A_559 = vector.load %arg10[%get3A_557, %get3A_558] : memref<64x128xf32, #tpu.memory_space<vmem>>, vector<1x128xf32>
      %max3A = arith.maximumf %get3A_559, %broadcast_in_dim3A_556 : vector<1x128xf32>
      %swap3A_560 = arith.constant 61 : index
      %swap3A_561 = arith.constant 0 : index
      %swap3A_562 = vector.load %arg10[%swap3A_560, %swap3A_561] : memref<64x128xf32, #tpu.memory_space<vmem>>, vector<1x128xf32>
      tpu.vector_store %arg10[%swap3A_560, %swap3A_561], %max3A {strides = array<i32>} : memref<64x128xf32, #tpu.memory_space<vmem>>, vector<1x128xf32>,
    } else {
    }
    %ge3A_526 = arith.constant 62 : i32
    %ge3A_527 = arith.cmpi sge, %ge3A_526, %squeeze3A : i32
    %le3A_528 = arith.constant 62 : i32
    %le3A_529 = arith.cmpi sle, %le3A_528, %squeeze3A_29 : i32
    %and3A_530 = arith.andi %ge3A_527, %le3A_529 : i1
    %convert_element_type3A_531 = arith.extui %and3A_530 : i1 to i32
    %cond3A_532 = arith.constant 0 : i32
    %cond3A_533 = arith.cmpi ne, %convert_element_type3A_531, %cond3A_532 : i32
    scf.if %cond3A_533 {
      %eq3A_547 = arith.constant 62 : i32
      %eq3A_548 = vector.broadcast %eq3A_547 : i32 to vector<1024x1xi32>
      %eq3A_549 = arith.cmpi eq, %get3A_32, %eq3A_548 : vector<1024x1xi32>
      %jit3A_550 = arith.constant -3.000000e+38 : f32
      %broadcast_in_dim3A_551 = vector.shape_cast %eq3A_549 : vector<1024x1xi1> to vector<1024x1xi1>
      %broadcast_in_dim3A_552 = vector.broadcast %broadcast_in_dim3A_551 : vector<1024x1xi1> to vector<1024x128xi1>
      %broadcast_in_dim3A_553 = vector.broadcast %jit3A_550 : f32 to vector<1024x128xf32>
      %select_n3A_554 = arith.select %broadcast_in_dim3A_552, %get3A_3, %broadcast_in_dim3A_553 : vector<1024x128xi1>, vector<1024x128xf32>
      %reduce_max3A = arith.constant dense<0xFF800000> : vector<128xf32>
      %reduce_max3A_555 = vector.multi_reduction <maximumf>, %select_n3A_554, %reduce_max3A [0] : vector<1024x128xf32> to vector<128xf32>
      %broadcast_in_dim3A_556 = vector.shape_cast %reduce_max3A_555 : vector<128xf32> to vector<1x128xf32>
      %get3A_557 = arith.constant 62 : index
      %get3A_558 = arith.constant 0 : index
      %get3A_559 = vector.load %arg10[%get3A_557, %get3A_558] : memref<64x128xf32, #tpu.memory_space<vmem>>, vector<1x128xf32>
      %max3A = arith.maximumf %get3A_559, %broadcast_in_dim3A_556 : vector<1x128xf32>
      %swap3A_560 = arith.constant 62 : index
      %swap3A_561 = arith.constant 0 : index
      %swap3A_562 = vector.load %arg10[%swap3A_560, %swap3A_561] : memref<64x128xf32, #tpu.memory_space<vmem>>, vector<1x128xf32>
      tpu.vector_store %arg10[%swap3A_560, %swap3A_561], %max3A {strides = array<i32>} : memref<64x128xf32, #tpu.memory_space<vmem>>, vector<1x128xf32>,
    } else {
    }
    %ge3A_534 = arith.constant 63 : i32
    %ge3A_535 = arith.cmpi sge, %ge3A_534, %squeeze3A : i32
    %le3A_536 = arith.constant 63 : i32
    %le3A_537 = arith.cmpi sle, %le3A_536, %squeeze3A_29 : i32
    %and3A_538 = arith.andi %ge3A_535, %le3A_537 : i1
    %convert_element_type3A_539 = arith.extui %and3A_538 : i1 to i32
    %cond3A_540 = arith.constant 0 : i32
    %cond3A_541 = arith.cmpi ne, %convert_element_type3A_539, %cond3A_540 : i32
    scf.if %cond3A_541 {
      %eq3A_547 = arith.constant 63 : i32
      %eq3A_548 = vector.broadcast %eq3A_547 : i32 to vector<1024x1xi32>
      %eq3A_549 = arith.cmpi eq, %get3A_32, %eq3A_548 : vector<1024x1xi32>
      %jit3A_550 = arith.constant -3.000000e+38 : f32
      %broadcast_in_dim3A_551 = vector.shape_cast %eq3A_549 : vector<1024x1xi1> to vector<1024x1xi1>
      %broadcast_in_dim3A_552 = vector.broadcast %broadcast_in_dim3A_551 : vector<1024x1xi1> to vector<1024x128xi1>
      %broadcast_in_dim3A_553 = vector.broadcast %jit3A_550 : f32 to vector<1024x128xf32>
      %select_n3A_554 = arith.select %broadcast_in_dim3A_552, %get3A_3, %broadcast_in_dim3A_553 : vector<1024x128xi1>, vector<1024x128xf32>
      %reduce_max3A = arith.constant dense<0xFF800000> : vector<128xf32>
      %reduce_max3A_555 = vector.multi_reduction <maximumf>, %select_n3A_554, %reduce_max3A [0] : vector<1024x128xf32> to vector<128xf32>
      %broadcast_in_dim3A_556 = vector.shape_cast %reduce_max3A_555 : vector<128xf32> to vector<1x128xf32>
      %get3A_557 = arith.constant 63 : index
      %get3A_558 = arith.constant 0 : index
      %get3A_559 = vector.load %arg10[%get3A_557, %get3A_558] : memref<64x128xf32, #tpu.memory_space<vmem>>, vector<1x128xf32>
      %max3A = arith.maximumf %get3A_559, %broadcast_in_dim3A_556 : vector<1x128xf32>
      %swap3A_560 = arith.constant 63 : index
      %swap3A_561 = arith.constant 0 : index
      %swap3A_562 = vector.load %arg10[%swap3A_560, %swap3A_561] : memref<64x128xf32, #tpu.memory_space<vmem>>, vector<1x128xf32>
      tpu.vector_store %arg10[%swap3A_560, %swap3A_561], %max3A {strides = array<i32>} : memref<64x128xf32, #tpu.memory_space<vmem>>, vector<1x128xf32>,
    } else {
    }
    %eq3A_542 = arith.constant 9 : i32
    %eq3A_543 = arith.cmpi eq, %arg0, %eq3A_542 : i32
    %convert_element_type3A_544 = arith.extui %eq3A_543 : i1 to i32
    %cond3A_545 = arith.constant 0 : i32
    %cond3A_546 = arith.cmpi ne, %convert_element_type3A_544, %cond3A_545 : i32
    scf.if %cond3A_546 {
      %get3A_547 = arith.constant 0 : index
      %get3A_548 = arith.constant 0 : index
      %get3A_549 = vector.load %arg11[%get3A_547, %get3A_548] : memref<64x1xf32, #tpu.memory_space<vmem>>, vector<64x1xf32>
      %get3A_550 = arith.constant 0 : index
      %get3A_551 = arith.constant 0 : index
      %get3A_552 = vector.load %arg9[%get3A_550, %get3A_551] : memref<64x128xf32, #tpu.memory_space<vmem>>, vector<64x128xf32>
      %max3A = arith.constant 1.000000e+00 : f32
      %max3A_553 = vector.broadcast %max3A : f32 to vector<64x1xf32>
      %max3A_554 = arith.maximumf %get3A_549, %max3A_553 : vector<64x1xf32>
      %div3A = vector.broadcast %max3A_554 : vector<64x1xf32> to vector<64x128xf32>
      %div3A_555 = arith.divf %get3A_552, %div3A : vector<64x128xf32>
      %gt3A = arith.constant 0.000000e+00 : f32
      %gt3A_556 = vector.broadcast %gt3A : f32 to vector<64x1xf32>
      %gt3A_557 = arith.cmpf ogt, %get3A_549, %gt3A_556 : vector<64x1xf32>
      %get3A_558 = arith.constant 0 : index
      %get3A_559 = arith.constant 0 : index
      %get3A_560 = vector.load %arg10[%get3A_558, %get3A_559] : memref<64x128xf32, #tpu.memory_space<vmem>>, vector<64x128xf32>
      %jit3A_561 = arith.constant 0.000000e+00 : f32
      %broadcast_in_dim3A_562 = vector.shape_cast %gt3A_557 : vector<64x1xi1> to vector<64x1xi1>
      %broadcast_in_dim3A_563 = vector.broadcast %broadcast_in_dim3A_562 : vector<64x1xi1> to vector<64x128xi1>
      %broadcast_in_dim3A_564 = vector.broadcast %jit3A_561 : f32 to vector<64x128xf32>
      %select_n3A_565 = arith.select %broadcast_in_dim3A_563, %get3A_560, %broadcast_in_dim3A_564 : vector<64x128xi1>, vector<64x128xf32>
      %get3A_566 = arith.constant 0 : index
      %get3A_567 = arith.constant 0 : index
      %get3A_568 = vector.load %arg4[%get3A_566, %get3A_567] : memref<384x128xf32, #tpu.memory_space<vmem>>, vector<384x128xf32>
      %get3A_569 = arith.constant 0 : index
      %get3A_570 = arith.constant 0 : index
      %get3A_571 = vector.load %arg9[%get3A_569, %get3A_570] : memref<64x128xf32, #tpu.memory_space<vmem>>, vector<64x128xf32>
      %slice3A_572 = vector.extract_strided_slice %get3A_568 {offsets = [0, 0], sizes = [128, 128], strides = [1, 1]} : vector<384x128xf32> to vector<128x128xf32>
      %dot_general3A_573 = arith.constant dense<0.000000e+00> : vector<64x128xf32>
      %dot_general3A_574 = tpu.matmul %get3A_571, %slice3A_572, %dot_general3A_573 {dimension_numbers = #tpu.dot_dimension_numbers<[1], [0], [0], [1], [0, 0, 1, 1], [], []>, transpose_lhs_hint = false} : vector<64x128xf32>, vector<128x128xf32>, vector<64x128xf32> -> vector<64x128xf32>
      %slice3A_575 = vector.extract_strided_slice %get3A_568 {offsets = [128, 0], sizes = [128, 128], strides = [1, 1]} : vector<384x128xf32> to vector<128x128xf32>
      %dot_general3A_576 = arith.constant dense<0.000000e+00> : vector<64x128xf32>
      %dot_general3A_577 = tpu.matmul %div3A_555, %slice3A_575, %dot_general3A_576 {dimension_numbers = #tpu.dot_dimension_numbers<[1], [0], [0], [1], [0, 0, 1, 1], [], []>, transpose_lhs_hint = false} : vector<64x128xf32>, vector<128x128xf32>, vector<64x128xf32> -> vector<64x128xf32>
      %add3A_578 = arith.addf %dot_general3A_574, %dot_general3A_577 : vector<64x128xf32>
      %slice3A_579 = vector.extract_strided_slice %get3A_568 {offsets = [256, 0], sizes = [128, 128], strides = [1, 1]} : vector<384x128xf32> to vector<128x128xf32>
      %dot_general3A_580 = arith.constant dense<0.000000e+00> : vector<64x128xf32>
      %dot_general3A_581 = tpu.matmul %select_n3A_565, %slice3A_579, %dot_general3A_580 {dimension_numbers = #tpu.dot_dimension_numbers<[1], [0], [0], [1], [0, 0, 1, 1], [], []>, transpose_lhs_hint = false} : vector<64x128xf32>, vector<128x128xf32>, vector<64x128xf32> -> vector<64x128xf32>
      %add3A_582 = arith.addf %add3A_578, %dot_general3A_581 : vector<64x128xf32>
      %get3A_583 = arith.constant 0 : index
      %get3A_584 = arith.constant 0 : index
      %get3A_585 = vector.load %arg5[%get3A_583, %get3A_584] : memref<1x128xf32, #tpu.memory_space<vmem>>, vector<1x128xf32>
      %add3A_586 = vector.broadcast %get3A_585 : vector<1x128xf32> to vector<64x128xf32>
      %add3A_587 = arith.addf %add3A_582, %add3A_586 : vector<64x128xf32>
      %max3A_588 = arith.constant 0.000000e+00 : f32
      %max3A_589 = vector.broadcast %max3A_588 : f32 to vector<64x128xf32>
      %max3A_590 = arith.maximumf %add3A_587, %max3A_589 : vector<64x128xf32>
      %get3A_591 = arith.constant 0 : index
      %get3A_592 = arith.constant 0 : index
      %get3A_593 = vector.load %arg6[%get3A_591, %get3A_592] : memref<128x2xf32, #tpu.memory_space<vmem>>, vector<128x2xf32>
      %dot_general3A_594 = arith.constant dense<0.000000e+00> : vector<64x2xf32>
      %dot_general3A_595 = tpu.matmul %max3A_590, %get3A_593, %dot_general3A_594 {dimension_numbers = #tpu.dot_dimension_numbers<[1], [0], [0], [1], [0, 0, 1, 1], [], []>, transpose_lhs_hint = false} : vector<64x128xf32>, vector<128x2xf32>, vector<64x2xf32> -> vector<64x2xf32>
      %get3A_596 = arith.constant 0 : index
      %get3A_597 = arith.constant 0 : index
      %get3A_598 = vector.load %arg7[%get3A_596, %get3A_597] : memref<1x2xf32, #tpu.memory_space<vmem>>, vector<1x2xf32>
      %add3A_599 = vector.broadcast %get3A_598 : vector<1x2xf32> to vector<64x2xf32>
      %add3A_600 = arith.addf %dot_general3A_595, %add3A_599 : vector<64x2xf32>
      %reduce_max3A = arith.constant dense<0xFF800000> : vector<64xf32>
      %reduce_max3A_601 = vector.multi_reduction <maximumf>, %add3A_600, %reduce_max3A [1] : vector<64x2xf32> to vector<64xf32>
      %broadcast_in_dim3A_602 = vector.shape_cast %reduce_max3A_601 : vector<64xf32> to vector<64x1xf32>
      %sub3A = vector.broadcast %broadcast_in_dim3A_602 : vector<64x1xf32> to vector<64x2xf32>
      %sub3A_603 = arith.subf %add3A_600, %sub3A : vector<64x2xf32>
      %exp3A = math.exp %sub3A_603 : vector<64x2xf32>
      %reduce_sum3A_604 = arith.constant dense<0.000000e+00> : vector<64xf32>
      %reduce_sum3A_605 = vector.multi_reduction <add>, %exp3A, %reduce_sum3A_604 [1] : vector<64x2xf32> to vector<64xf32>
      %broadcast_in_dim3A_606 = vector.shape_cast %reduce_sum3A_605 : vector<64xf32> to vector<64x1xf32>
      %log3A = math.log %broadcast_in_dim3A_606 : vector<64x1xf32>
      %sub3A_607 = vector.broadcast %log3A : vector<64x1xf32> to vector<64x2xf32>
      %sub3A_608 = arith.subf %sub3A_603, %sub3A_607 : vector<64x2xf32>
      %swap3A_609 = arith.constant 0 : index
      %swap3A_610 = arith.constant 0 : index
      %swap3A_611 = vector.load %arg8[%swap3A_609, %swap3A_610] : memref<64x2xf32, #tpu.memory_space<vmem>>, vector<64x2xf32>
      tpu.vector_store %arg8[%swap3A_609, %swap3A_610], %sub3A_608 {strides = array<i32>} : memref<64x2xf32, #tpu.memory_space<vmem>>, vector<64x2xf32>,
    } else {
    }
    return
  }
  func.func @transform_0(%arg0: i32) -> (i32, i32) {
    %c0_i32 = arith.constant 0 : i32
    %c0_i32_0 = arith.constant 0 : i32
    return %arg0, %c0_i32 : i32, i32
  }
  func.func @transform_1(%arg0: i32) -> (i32, i32, i32) {
    %c0_i32 = arith.constant 0 : i32
    %c0_i32_0 = arith.constant 0 : i32
    %c0_i32_1 = arith.constant 0 : i32
    return %arg0, %c0_i32, %c0_i32_0 : i32, i32, i32
  }
  func.func @transform_2(%arg0: i32) -> (i32, i32) {
    %c0_i32 = arith.constant 0 : i32
    %c0_i32_0 = arith.constant 0 : i32
    return %arg0, %c0_i32 : i32, i32
  }
  func.func @transform_3(%arg0: i32) -> (i32, i32) {
    %c0_i32 = arith.constant 0 : i32
    %c0_i32_0 = arith.constant 0 : i32
    %c0_i32_1 = arith.constant 0 : i32
    return %c0_i32, %c0_i32_0 : i32, i32
  }
  func.func @transform_4(%arg0: i32) -> (i32, i32) {
    %c0_i32 = arith.constant 0 : i32
    %c0_i32_0 = arith.constant 0 : i32
    %c0_i32_1 = arith.constant 0 : i32
    return %c0_i32, %c0_i32_0 : i32, i32
  }
  func.func @transform_5(%arg0: i32) -> (i32, i32) {
    %c0_i32 = arith.constant 0 : i32
    %c0_i32_0 = arith.constant 0 : i32
    %c0_i32_1 = arith.constant 0 : i32
    return %c0_i32, %c0_i32_0 : i32, i32
  }
  func.func @transform_6(%arg0: i32) -> (i32, i32) {
    %c0_i32 = arith.constant 0 : i32
    %c0_i32_0 = arith.constant 0 : i32
    %c0_i32_1 = arith.constant 0 : i32
    return %c0_i32, %c0_i32_0 : i32, i32
  }
  func.func @transform_7(%arg0: i32) -> (i32, i32) {
    %c0_i32 = arith.constant 0 : i32
    %c0_i32_0 = arith.constant 0 : i32
    %c0_i32_1 = arith.constant 0 : i32
    return %c0_i32, %c0_i32_0 : i32, i32
  }
}

</mosaic_0001>

<sc_bundles>
// kernel: kernel.10.cloned.1.call-start
scs
__scs_entry_jumppad:
0x0: {  	(pc) =	sbr.rel $0x88, $3  }
0x1: {  	(tag) =	ssettag $0x0;
	lr =	simm.s32 $0x1  }
0x2: {  	[smem:$0x3F91] =	sst lr;
	_ =	strace $0xD0000000  }
0x3: {  	_ = 	snop  }
0x4: {  	_ = 	snop  }
0x5: {  	_ = 	snop  }
0x6: {  	_ = 	snop  }
0x7: {  	_ = 	snop  }
__scs_overlays_trampoline_lowered:
0x8: {  	[smem:$0x3FA0] =	sst s0  }
0x9: {  	[smem:$0x3FA1] =	sst s1  }
0xa: {  	[smem:$0x3FA2] =	sst s2  }
0xb: {  	[smem:$0x3FA3] =	sst s3  }
0xc: {  	[smem:$0x3FA4] =	sst s4  }
0xd: {  	[smem:$0x3FA5] =	sst s5  }
0xe: {  	[smem:$0x3FA6] =	sst s6  }
0xf: {  	[smem:$0x3FA7] =	sst s7  }
0x10: {  	[smem:$0x3FA8] =	sst s8  }
0x11: {  	[smem:$0x3FA9] =	sst s9;
	s0 =	simm.s32 @!p0 $0x0  }
0x12: {  	s1 =	sld [smem:$0x3F8F];
	s0 =	simm.s32 @p0 $0x1  }
0x13: {  	[smem:$0x3FAA] =	sst s0;
	s0 =	simm.s32 @!p1 $0x0  }
0x14: {  	s2 =	sld [smem:$0x3F8E];
	s0 =	simm.s32 @p1 $0x1  }
0x15: {  	[smem:$0x3FAB] =	sst s0;
	s0 =	simm.s32 @!p2 $0x0  }
0x16: {  	s3 =	sld [smem:$0x3FDB];
	s0 =	simm.s32 @p2 $0x1  }
0x17: {  	s4 =	simm.s32 $0x1BF5;
	[smem:$0x3FAD] =	sst s0  }
0x18: {  	s0 =	sld [smem:$0x3F90];
	_ =	swait.ge [sflag:s4], $0x0  }
0x19: {  	s7 =	sld [smem:$0x3F91]  }
0x1a: {  	s8 =	sadd.s32 $0xFFFFE003, lr  }
0x1b: {  	s9 =	sadd.s32 $0xFFFFFEF7, lr;
	s5 =	simm.s32 $0xFFFFFFFF;
	p2 =	slt.u32 s8, $0xFFFFF086  }
0x1c: {  	p1 =	slt.u32 s9, $0xF7A;
	s5 =	simm.s32 @!p2 $0x0  }
0x1d: {  	s5 =	simm.s32 @p1 $0x1;
	p0 =	seq.s32 s7, s2  }
0x1e: {  	s7 =	smul.u32 @!p0 $0xF7A, s2;
	p2 =	seq.s32 @!p0 s5, $0x0  }
0x1f: {  	s9 =	smul.u32 $0xF7A, s1;
	s8 =	simm.s32 @!p0 $0x1BF5;
	p2 =	por !p2, p0  }
0x20: {  	[sflag:s8] =	ssyncset.s32 @!p0 $0xFFFFF086;
	s6 =	sadd.s32 @!p0 s3, s7;
	s7 =	simm.s32 @!p0 $0x108  }
0x21: {  	s3 =	sadd.s32 s3, s9;
	s6 =	sadd.s32 @!p0 $0x88, s6;
	s7 =	simm.s32 @p2 $0x1082  }
0x22: {  	[simem:s7], [sflag:s8] =	dma.local @!p0 [hbm:s6], $0xF7A  }
0x23: {  	s9 =	sor.u32 $0xD0000000, s2;
	s6 =	simm.s32 $0x108;
	_ =	swait.ge @!p0 [sflag:s8], $0x0  }
0x24: {  	s3 =	sadd.s32 $0x88, s3;
	s6 =	simm.s32 @!p1 $0x1082;
	[sflag:s4] =	ssyncset.s32 $0xFFFFF086  }
0x25: {  	[simem:s6], [sflag:s4] =	dma.local [hbm:s3], $0xF7A  }
0x26: {  	[smem:$0x3F91] =	sst s1;
	(tag) =	ssettag s2;
	_ =	strace s9  }
0x27: {  	s1 =	sld [smem:$0x3FA1]  }
0x28: {  	s2 =	sld [smem:$0x3FA2]  }
0x29: {  	s4 =	sld [smem:$0x3FA4]  }
0x2a: {  	p0 =	seq.s32 s5, $0x0;
	s5 =	sld [smem:$0x3FA5]  }
0x2b: {  	s6 =	sld [smem:$0x3FA6]  }
0x2c: {  	s7 =	sld [smem:$0x3FA7]  }
0x2d: {  	s3 =	simm.s32 $0x108;
	s8 =	sld [smem:$0x3FA8]  }
0x2e: {  	s3 =	simm.s32 @!p0 $0x1082;
	s9 =	sld [smem:$0x3FA9]  }
0x2f: {  	lr =	sadd.s32 s0, s3;
	s0 =	sld [smem:$0x3FA0]  }
0x30: {  	s3 =	sld [smem:$0x3FA3]  }
0x31: {  	[smem:$0x3FAC] =	sst s10  }
0x32: {  	s10 =	sld [smem:$0x3FAA];
	_ =	sdelay $0x3  }
0x33: {  	p0 =	seq.s32 s10, $0x1;
	s10 =	sld [smem:$0x3FAC];
	_ =	sdelay $0x3  }
0x34: {  	[smem:$0x3FAC] =	sst s10  }
0x35: {  	s10 =	sld [smem:$0x3FAB];
	_ =	sdelay $0x3  }
0x36: {  	p1 =	seq.s32 s10, $0x1;
	s10 =	sld [smem:$0x3FAC];
	_ =	sdelay $0x3  }
0x37: {  	[smem:$0x3FAC] =	sst s10  }
0x38: {  	s10 =	sld [smem:$0x3FAD]  }
0x39: {  	_ = 	snop;
	(pc) =	sbr.ind lr, $3  }
0x3a: {  	_ = 	snop  }
0x3b: {  	_ = 	snop  }
0x3c: {  	p2 =	seq.s32 s10, $0x1;
	s10 =	sld [smem:$0x3FAC]  }
0x3d: {  	_ =	shalt  }
0x3e: {  	_ =	shalt  }
0x3f: {  	_ =	shalt  }
0x40: {  	_ =	shalt  }
0x41: {  	_ =	shalt  }
0x42: {  	_ =	shalt  }
0x43: {  	_ =	shalt  }
0x44: {  	_ =	shalt  }
0x45: {  	_ =	shalt  }
0x46: {  	_ =	shalt  }
0x47: {  	_ =	shalt  }
0x48: {  	_ =	shalt  }
0x49: {  	_ =	shalt  }
0x4a: {  	_ =	shalt  }
0x4b: {  	_ =	shalt  }
0x4c: {  	_ =	shalt  }
0x4d: {  	_ =	shalt  }
0x4e: {  	_ =	shalt  }
0x4f: {  	_ =	shalt  }
0x50: {  	_ =	shalt  }
0x51: {  	_ =	shalt  }
0x52: {  	_ =	shalt  }
0x53: {  	_ =	shalt  }
0x54: {  	_ =	shalt  }
0x55: {  	_ =	shalt  }
0x56: {  	_ =	shalt  }
0x57: {  	_ =	shalt  }
0x58: {  	_ =	shalt  }
0x59: {  	_ =	shalt  }
0x5a: {  	_ =	shalt  }
0x5b: {  	_ =	shalt  }
0x5c: {  	_ =	shalt  }
0x5d: {  	_ =	shalt  }
0x5e: {  	_ =	shalt  }
0x5f: {  	_ =	shalt  }
0x60: {  	_ =	shalt  }
0x61: {  	_ =	shalt  }
0x62: {  	_ =	shalt  }
0x63: {  	_ =	shalt  }
0x64: {  	_ =	shalt  }
0x65: {  	_ =	shalt  }
0x66: {  	_ =	shalt  }
0x67: {  	_ =	shalt  }
0x68: {  	_ =	shalt  }
0x69: {  	_ =	shalt  }
0x6a: {  	_ =	shalt  }
0x6b: {  	_ =	shalt  }
0x6c: {  	_ =	shalt  }
0x6d: {  	_ =	shalt  }
0x6e: {  	_ =	shalt  }
0x6f: {  	_ =	shalt  }
0x70: {  	_ =	shalt  }
0x71: {  	_ =	shalt  }
0x72: {  	_ =	shalt  }
0x73: {  	_ =	shalt  }
0x74: {  	_ =	shalt  }
0x75: {  	_ =	shalt  }
0x76: {  	_ =	shalt  }
0x77: {  	_ =	shalt  }
0x78: {  	_ =	shalt  }
0x79: {  	_ =	shalt  }
0x7a: {  	_ =	shalt  }
0x7b: {  	_ =	shalt  }
0x7c: {  	_ =	shalt  }
0x7d: {  	_ =	shalt  }
0x7e: {  	_ =	shalt  }
0x7f: {  	_ =	shalt  }
0x80: {  	_ =	shalt  }
0x81: {  	_ =	shalt  }
0x82: {  	_ =	shalt  }
0x83: {  	_ =	shalt  }
0x84: {  	_ =	shalt  }
0x85: {  	_ =	shalt  }
0x86: {  	_ =	shalt  }
0x87: {  	_ =	shalt  }
.Lfunc_end0:
.L_simem_size_0:
called_computation_lowered:
.L_overlay_start_0:
0x88: {  	s2 =	sld [smem:$0x3FD9]  }
0x89: {  	s3 =	sld [smem:$0x3FFE];
	_ =	sdelay $0x1  }
0x8a: {  	s1 =	srdreg.scid  }
0x8b: {  	s0 =	sand.u32 $0x1, s1  }
0x8c: {  	s17 =	sshll.u32 s0, $0xA;
	s2 =	sadd.s32 s3, s2  }
0x8d: {  	s2 =	sadd.s32 s2, s17  }
0x8e: {  	[smem:$0x3FB8] =	sst s2  }
0x8f: {  	_ = 	snop  }
0x90: {  	(tm) =	ssettm $0x1  }
0x91: {  	s18 =	sld [smem:$0x3FFB];
	_ =	sdelay $0x3  }
0x92: {  	_ =	strace s18  }
0x93: {  	s2 =	sld [smem:$0x3FFC];
	_ =	sdelay $0x3  }
0x94: {  	_ =	strace s2  }
0x95: {  	s2 =	sld [smem:$0x3FFD];
	_ =	sdelay $0x3  }
0x96: {  	_ =	strace s2  }
0x97: {  	_ =	strace $0x8FFFFFFF  }
0x98: {  	s19 =	sld [smem:$0x3FDB];
	_ =	sdelay $0x1  }
0x99: {  	s20 =	simm.s32 $_scs_section_size  }
0x9a: {  	s4 =	simm.s32 $_size__tile_overlayer_lowered;
	s5 =	simm.s32 $_tile_overlayer_lowered  }
0x9b: {  	s6 =	simm.s32 $0x1BFF;
	s21 =	sshll.u32 s5, $0x1;
	s3 =	sadd.s32 s20, s19  }
0x9c: {  	s22 =	simm.s32 $0x0;
	s4 =	sshll.u32 s4, $0x1;
	s5 =	sadd.s32 s21, s3  }
0x9d: {  	[timem:s22], [sflag:s6] =	dma.local [hbm:s5], s4  }
0x9e: {  	_ =	swait.ge [sflag:s6], s4  }
0x9f: {  	s4 =	ssub.s32 $0x0, s4;
	[sflag:s6] =	ssyncset.done $0x0  }
0xa0: {  	[sflag:s6] =	ssyncadd.s32 s4;
	_ =	sdelay $0x1  }
0xa1: {  	s23 =	simm.s32 $0x1B8B  }
0xa2: {  	_ =	swait.ge [sflag:s23], $0x1  }
0xa3: {  	[sflag:s23] =	ssyncset.done $0x0  }
0xa4: {  	[sflag:s23] =	ssyncadd.s32 $0xFFFFFFFF  }
0xa5: {  	s4 =	sld [smem:$0x0]  }
0xa6: {  	s5 =	sand.u32 $0xFFFFFFFE, s1  }
0xa7: {  	p0 =	sne.s32 s1, s5  }
0xa8: {  	s5 =	sshll.u32 @p0 s5, $0xE  }
0xa9: {  	s5 =	sadd.s32 @p0 $0x11B8D, s5;
	s6 =	sshll.u32 @p0 s4, $0x11  }
0xaa: {  	s5 =	sor.u32 @p0 s6, s5  }
0xab: {  	[sflag:s5] =	ssyncadd.remote.s32 @p0 $0x1;
	_ =	sdelay $0x1  }
0xac: {  	s5 =	simm.s32 @p0 $0x1B8D  }
0xad: {  	_ =	swait.eq @p0 [sflag:s5], $0x1  }
0xae: {  	[sflag:s5] =	ssyncadd.s32 @p0 $0xFFFFFFFF  }
0xaf: {  	s6 =	sshll.u32 @!p0 s1, $0xE  }
0xb0: {  	s6 =	sor.u32 @!p0 $0x4000, s6;
	s5 =	simm.s32 @!p0 $0x1B8D  }
0xb1: {  	s4 =	sshll.u32 @!p0 s4, $0x11;
	s6 =	sadd.s32 @!p0 $0x11B8D, s6;
	_ =	swait.eq @!p0 [sflag:s5], $0x1  }
0xb2: {  	s4 =	sor.u32 @!p0 s4, s6;
	[sflag:s5] =	ssyncadd.s32 @!p0 $0xFFFFFFFF  }
0xb3: {  	s25 =	simm.s32 $0x1B8E;
	s24 =	sld [smem:$0x3FFE];
	[sflag:s4] =	ssyncadd.remote.s32 @!p0 $0x1  }
0xb4: {  	s26 =	simm.s32 $execute0_lowered;
	[smem:$0x3FD2] =	sst s25  }
0xb5: {  	s5 =	sshll.u32 s26, $0x1;
	_ =	strace $0x80000049;
	[dreg:$0x1] =	wrdreg $0xFFFFFFFF  }
0xb6: {  	s28 =	simm.s32 $_size_execute0_lowered;
	s3 =	sadd.s32 s3, s5;
	[dreg:$0x0] =	wrdreg $0x0  }
0xb7: {  	s5 =	sshll.u32 s28, $0x1;
	[dreg:$0x2] =	wrdreg s3  }
0xb8: {  	[dreg:$0x3] =	wrdreg s5  }
0xb9: {  	[dreg:$0x4] =	wrdreg $0xC0  }
0xba: {  	_ =	task [dreg:s22], $0x5FFFF  }
0xbb: {  	[dreg:$0x1] =	wrdreg $0xFFFFFFFF  }
0xbc: {  	[dreg:$0x0] =	wrdreg $0x60  }
0xbd: {  	[dreg:$0x2] =	wrdreg s24  }
0xbe: {  	[dreg:$0x3] =	wrdreg $0x0  }
0xbf: {  	[dreg:$0x4] =	wrdreg $0x9  }
0xc0: {  	_ =	task.clear_ibuf [dreg:s22], $0x5FFFF;
	_ =	strace $0x90000049  }
0xc1: {  	s29 =	simm.s32 $0x9;
	_ =	strace $0x8000004B  }
0xc2: {  	_ =	swait.ge [sflag:s29], $0x1  }
0xc3: {  	[sflag:s29] =	ssyncadd.s32 $0xFFFFFFFF  }
0xc4: {  	_ =	strace $0x9000004B  }
0xc5: {  	_ =	sfence  }
0xc6: {  	s30 =	sld [smem:$0x0];
	_ =	sdelay $0x2  }
0xc7: {  	s31 =	sshll.u32 s1, $0xD;
	s1 =	sshrl.u32 s1, $0x2  }
0xc8: {  	s4 =	sand.u32 $0x4000, s31;
	s1 =	sadd.s32 s1, s30  }
0xc9: {  	s0 =	sor.u32 s4, s0;
	s1 =	sshll.u32 s1, $0x11  }
0xca: {  	s0 =	sor.u32 s1, s0  }
0xcb: {  	s0 =	sadd.s32 $0x8F2B, s0  }
0xcc: {  	[sflag:s0] =	ssyncadd.remote.s32 $0x1  }
0xcd: {  	_ =	sfence.sel $0xFFFF  }
0xce: {  	[dreg:$0x0] =	wrdreg $0xFFFFFFFF;
	(pc) =	sbr.abs _section_cstart, $3  }
0xcf: {  	[dreg:$0x1] =	wrdreg $0xFFFFFFFF  }
0xd0: {  	_ =	task.clear_ibuf [dreg:s22], $0x2FFFF;
	_ =	strace $0x9FFFFFFF  }
0xd1: {  	(tm) =	ssettm $0x7FFFFFFF  }
tec
execute0_lowered:
.L_overlay_start_1:
0x0: {  	(tag) =	ssettag $0x1  }
0x1: {  	s6 =	rddreg [dreg:$0x0];
	s0 =	srdreg.scid  }
0x2: {  	s1 =	rddreg [dreg:$0x1];
	s2 =	stileid.u32  }
0x3: {  	s3 =	simm.s32 $0x0;
	s17 =	simm.s32 $0x14000;
	s8 =	smul.u32 $0x14000, s2  }
0x4: {  	s18 =	simm.s32 $0x80;
	s19 =	simm.s32 $0x14080;
	s10 =	smul.u32 $0x50000, s2  }
0x5: {  	s7 =	sand.u32 $0x1, s0;
	s0 =	rddreg [dreg:$0x2];
	s12 =	smul.u32 $0x9E0, s2  }
0x6: {  	s20 =	simm.s32 $0x0;
	[smem:$0x7FF] =	sst s3;
	s4 =	smul.u32 $0x9E00, s7  }
0x7: {  	s31 =	sshll.u32 s2, $0x6;
	s5 =	smul.u32 $0x140000, s7;
	s7 =	ssub.s32 $0x2, s7  }
0x8: {  	_ =	strace $0x8000004A;
	s30 =	sshrl.u32 s7, $0x1;
	s10 =	sshrl.u32 s10, $0x2  }
0x9: {  	s9 =	sadd.s32 s4, s6;
	s4 =	sadd.s32 $0x40A00, s6;
	s8 =	sadd.s32 s8, s5  }
0xa: {  	s5 =	sadd.s32 $0x91200, s6;
	s11 =	ssub.s32 s7, s30;
	s10 =	sadd.s32 s10, s1  }
0xb: {  	s8 =	sshrl.u32 s8, $0x3;
	s13 =	sadd.s32 $0x4000, s10;
	s14 =	sadd.s32 $0x8000, s10  }
0xc: {  	s15 =	sadd.s32 $0xC000, s10;
	s16 =	sadd.s32 $0x10000, s10;
	s9 =	sadd.s32 s12, s9  }
0xd: {  	s10 =	sshrl.u32 s10, $0x3;
	s8 =	sadd.s32 s8, s6;
	s6 =	sor.u32 $0x1C01, s31  }
0xe: {  	s9 =	sadd.s32 $0x4E00, s9;
	s12 =	sshrl.u32 s13, $0x3;
	s13 =	sshrl.u32 s14, $0x3  }
0xf: {  	s14 =	sshrl.u32 s15, $0x3;
	s15 =	sshrl.u32 s16, $0x3;
	s16 =	simm.s32 $0x14100  }
0x10: {  	s7 =	sadd.s32 $0x91A00, s8;
	s8 =	smax.u32 s11, $0x1;
	s11 =	simm.s32 $0x1  }
.LBB2_1:
0x11: {  	[spmem:s10], [sflag:s6] =	dma.local [hbm:s4], $0x800  }
0x12: {  	_ =	swait.ge [sflag:s11], $0x800  }
0x13: {  	[sflag:s11] =	ssyncset.done $0x0  }
0x14: {  	[sflag:s11] =	ssyncadd.s32 $0xFFFFF800  }
0x15: {  	[spmem:s12], [sflag:s6] =	dma.local [hbm:s4], $0x800  }
0x16: {  	_ =	swait.ge [sflag:s11], $0x800  }
0x17: {  	[sflag:s11] =	ssyncset.done $0x0  }
0x18: {  	[sflag:s11] =	ssyncadd.s32 $0xFFFFF800  }
0x19: {  	[spmem:s13], [sflag:s6] =	dma.local [hbm:s4], $0x800  }
0x1a: {  	_ =	swait.ge [sflag:s11], $0x800  }
0x1b: {  	[sflag:s11] =	ssyncset.done $0x0  }
0x1c: {  	[sflag:s11] =	ssyncadd.s32 $0xFFFFF800  }
0x1d: {  	[spmem:s14], [sflag:s6] =	dma.local [hbm:s4], $0x800  }
0x1e: {  	_ =	swait.ge [sflag:s11], $0x800  }
0x1f: {  	[sflag:s11] =	ssyncset.done $0x0  }
0x20: {  	[sflag:s11] =	ssyncadd.s32 $0xFFFFF800  }
0x21: {  	[spmem:s15], [sflag:s6] =	dma.local [hbm:s4], $0x800  }
0x22: {  	_ =	swait.ge [sflag:s11], $0x800  }
0x23: {  	[sflag:s11] =	ssyncset.done $0x0  }
0x24: {  	[sflag:s11] =	ssyncadd.s32 $0xFFFFF800  }
0x25: {  	[tilespmem:s16], [sflag:$0x1] =	stream.linear.gather [hbm4b:s5+s3], $0x4000, $0x38;
	[tilespmem:$0x18100] =	vst v63  }
0x26: {  	_ =	swait.ge [sflag:s11], $0x4000  }
0x27: {  	[sflag:s11] =	ssyncset.done $0x0  }
0x28: {  	[sflag:s11] =	ssyncadd.s32 $0xFFFFC000  }
0x29: {  	s21 =	sadd.s32 $0x0, s9;
	[bflag:$0x0] =	sbarrier.arrive $0xFFFF  }
0x2a: {  	[tilespmem:s17], [sflag:$0x1] =	stream.linear.gather [hbm4b:s21+s3], $0x100, $0x38;
	[tilespmem:$0x18100] =	vst v63  }
0x2b: {  	_ =	swait.ge [sflag:s11], $0x100  }
0x2c: {  	[sflag:s11] =	ssyncset.done $0x0  }
0x2d: {  	[sflag:s11] =	ssyncadd.s32 $0xFFFFFF00  }
0x2e: {  	[spmem:s1] =	stream.indirect.scatter.add.f32 [tilespmem:s16], [sflag:$0x1], $0x80, s19, s18, $0xb8;
	[tilespmem:$0x18100] =	vst v63  }
0x2f: {  	_ =	swait.ge [sflag:s11], $0x4000  }
0x30: {  	s22 =	simm.s32 $0x40;
	s21 =	simm.s32 $0x20;
	[sflag:s11] =	ssyncset.done $0x0  }
.LBB2_2:
0x31: {  	s23 =	sadd.s32 s21, s9  }
0x32: {  	[sflag:s11] =	ssyncadd.s32 $0xFFFFC000;
	s21 =	smov.u32 s22;
	s24 =	sadd.s32 $0x20, s22  }
0x33: {  	[tilespmem:s17], [sflag:$0x1] =	stream.linear.gather [hbm4b:s23+s3], $0x100, $0x38;
	[tilespmem:$0x18100] =	vst v63  }
0x34: {  	p0 =	sne.s32 s22, $0x9C0;
	_ =	swait.ge [sflag:s11], $0x100  }
.Ltmp0:
0x35: {  	[sflag:s11] =	ssyncset.done $0x0;
	(pc) =	sbr.rel @p0 .LBB2_2-.Ltmp0, $4  }
0x36: {  	[sflag:s11] =	ssyncadd.s32 $0xFFFFFF00  }
0x37: {  	[spmem:s1] =	stream.indirect.scatter.add.f32 [tilespmem:s16], [sflag:$0x1], $0x80, s19, s18, $0xb8;
	[tilespmem:$0x18100] =	vst v63  }
0x38: {  	_ =	swait.ge [sflag:s11], $0x4000  }
0x39: {  	s22 =	smov.u32 s24;
	[sflag:s11] =	ssyncset.done $0x0  }
0x3a: {  	s21 =	sadd.s32 s21, s9;
	[sflag:s11] =	ssyncadd.s32 $0xFFFFC000  }
0x3b: {  	[tilespmem:s17], [sflag:$0x1] =	stream.linear.gather [hbm4b:s21+s3], $0x100, $0x38;
	[tilespmem:$0x18100] =	vst v63  }
0x3c: {  	_ =	swait.ge [sflag:s11], $0x100  }
0x3d: {  	[sflag:s11] =	ssyncset.done $0x0  }
0x3e: {  	[sflag:s11] =	ssyncadd.s32 $0xFFFFFF00  }
0x3f: {  	[spmem:s1] =	stream.indirect.scatter.add.f32 [tilespmem:s16], [sflag:$0x1], $0x80, s19, s18, $0xb8;
	[tilespmem:$0x18100] =	vst v63  }
0x40: {  	_ =	swait.ge [sflag:s11], $0x4000  }
0x41: {  	s20 =	sadd.s32 $0x1, s20;
	[sflag:s11] =	ssyncset.done $0x0  }
0x42: {  	p0 =	sne.s32 s20, s8;
	[sflag:s11] =	ssyncadd.s32 $0xFFFFC000  }
.Ltmp1:
0x43: {  	[bflag:$0x0] =	sbarrier.arrive $0xFFFF;
	(pc) =	sbr.rel @p0 .LBB2_1-.Ltmp1, $4  }
0x44: {  	[hbm:s7], [sflag:s6] =	dma.local [spmem:s10], $0x2800  }
0x45: {  	_ =	swait.ge [sflag:s11], $0x2800  }
0x46: {  	[sflag:s11] =	ssyncset.done $0x0  }
0x47: {  	[sflag:s11] =	ssyncadd.s32 $0xFFFFD800  }
0x48: {  	_ =	sfence.sel $0x180000  }
0x49: {  	[bflag:$0x0] =	sbarrier.arrive $0xFFFF  }
0x4a: {  	p0 =	sne.s32 s2, $0x0;
	_ =	strace $0x9000004A  }
0x4b: {  	s0 =	sadd.s32 @!p0 $0x100000, s0;
	[bflag:$0x2] =	sbarrier.arrive $0xFFFF  }
0x4c: {  	[sflag:s0] =	ssyncadd.tile.s32 @!p0 $0x1;
	_ =	shalt  }
.Lfunc_end2:
_tile_overlayer_lowered:
.L_overlay_start_2:
0x4d: {  	(tag) =	ssettag $0x2  }
0x4e: {  	s0 =	rddreg [dreg:$0x0];
	s2 =	stileid.u32  }
0x4f: {  	s1 =	rddreg [dreg:$0x1];
	p0 =	sne.s32 s2, $0x0  }
0x50: {  	s3 =	rddreg [dreg:$0x2];
	[bflag:$0x3] =	sbarrier.arrive $0xFFFF;
	s2 =	simm.s32 @!p0 $0x1C01  }
0x51: {  	[timem:s3], [sflag:s2] =	dma.local @!p0 [hbm:s0], s1  }
0x52: {  	s0 =	simm.s32 @!p0 $0x1  }
0x53: {  	_ =	swait.ge @!p0 [sflag:s0], s1  }
0x54: {  	s1 =	ssub.s32 @!p0 $0x0, s1;
	[sflag:s0] =	ssyncset.done @!p0 $0x0  }
0x55: {  	[sflag:s0] =	ssyncadd.s32 @!p0 s1  }
0x56: {  	[bflag:$0x3] =	sbarrier.arrive $0xFFFF  }
0x57: {  	_ =	shalt  }

// kernel: kernel.13.cloned.1.call-start
scs
__scs_entry_jumppad:
0x0: {  	(pc) =	sbr.rel $0x88, $3  }
0x1: {  	(tag) =	ssettag $0x0;
	lr =	simm.s32 $0x1  }
0x2: {  	[smem:$0x3F91] =	sst lr;
	_ =	strace $0xD0000000  }
0x3: {  	_ = 	snop  }
0x4: {  	_ = 	snop  }
0x5: {  	_ = 	snop  }
0x6: {  	_ = 	snop  }
0x7: {  	_ = 	snop  }
__scs_overlays_trampoline_lowered:
0x8: {  	[smem:$0x3FA0] =	sst s0  }
0x9: {  	[smem:$0x3FA1] =	sst s1  }
0xa: {  	[smem:$0x3FA2] =	sst s2  }
0xb: {  	[smem:$0x3FA3] =	sst s3  }
0xc: {  	[smem:$0x3FA4] =	sst s4  }
0xd: {  	[smem:$0x3FA5] =	sst s5  }
0xe: {  	[smem:$0x3FA6] =	sst s6  }
0xf: {  	[smem:$0x3FA7] =	sst s7  }
0x10: {  	[smem:$0x3FA8] =	sst s8  }
0x11: {  	[smem:$0x3FA9] =	sst s9;
	s0 =	simm.s32 @!p0 $0x0  }
0x12: {  	s1 =	sld [smem:$0x3F8F];
	s0 =	simm.s32 @p0 $0x1  }
0x13: {  	[smem:$0x3FAA] =	sst s0;
	s0 =	simm.s32 @!p1 $0x0  }
0x14: {  	s2 =	sld [smem:$0x3F8E];
	s0 =	simm.s32 @p1 $0x1  }
0x15: {  	[smem:$0x3FAB] =	sst s0;
	s0 =	simm.s32 @!p2 $0x0  }
0x16: {  	s3 =	sld [smem:$0x3FDB];
	s0 =	simm.s32 @p2 $0x1  }
0x17: {  	s4 =	simm.s32 $0x1BF5;
	[smem:$0x3FAD] =	sst s0  }
0x18: {  	s0 =	sld [smem:$0x3F90];
	_ =	swait.ge [sflag:s4], $0x0  }
0x19: {  	s7 =	sld [smem:$0x3F91]  }
0x1a: {  	s8 =	sadd.s32 $0xFFFFE003, lr  }
0x1b: {  	s9 =	sadd.s32 $0xFFFFFEF7, lr;
	s5 =	simm.s32 $0xFFFFFFFF;
	p2 =	slt.u32 s8, $0xFFFFF086  }
0x1c: {  	p1 =	slt.u32 s9, $0xF7A;
	s5 =	simm.s32 @!p2 $0x0  }
0x1d: {  	s5 =	simm.s32 @p1 $0x1;
	p0 =	seq.s32 s7, s2  }
0x1e: {  	s7 =	smul.u32 @!p0 $0xF7A, s2;
	p2 =	seq.s32 @!p0 s5, $0x0  }
0x1f: {  	s9 =	smul.u32 $0xF7A, s1;
	s8 =	simm.s32 @!p0 $0x1BF5;
	p2 =	por !p2, p0  }
0x20: {  	[sflag:s8] =	ssyncset.s32 @!p0 $0xFFFFF086;
	s6 =	sadd.s32 @!p0 s3, s7;
	s7 =	simm.s32 @!p0 $0x108  }
0x21: {  	s3 =	sadd.s32 s3, s9;
	s6 =	sadd.s32 @!p0 $0x88, s6;
	s7 =	simm.s32 @p2 $0x1082  }
0x22: {  	[simem:s7], [sflag:s8] =	dma.local @!p0 [hbm:s6], $0xF7A  }
0x23: {  	s9 =	sor.u32 $0xD0000000, s2;
	s6 =	simm.s32 $0x108;
	_ =	swait.ge @!p0 [sflag:s8], $0x0  }
0x24: {  	s3 =	sadd.s32 $0x88, s3;
	s6 =	simm.s32 @!p1 $0x1082;
	[sflag:s4] =	ssyncset.s32 $0xFFFFF086  }
0x25: {  	[simem:s6], [sflag:s4] =	dma.local [hbm:s3], $0xF7A  }
0x26: {  	[smem:$0x3F91] =	sst s1;
	(tag) =	ssettag s2;
	_ =	strace s9  }
0x27: {  	s1 =	sld [smem:$0x3FA1]  }
0x28: {  	s2 =	sld [smem:$0x3FA2]  }
0x29: {  	s4 =	sld [smem:$0x3FA4]  }
0x2a: {  	p0 =	seq.s32 s5, $0x0;
	s5 =	sld [smem:$0x3FA5]  }
0x2b: {  	s6 =	sld [smem:$0x3FA6]  }
0x2c: {  	s7 =	sld [smem:$0x3FA7]  }
0x2d: {  	s3 =	simm.s32 $0x108;
	s8 =	sld [smem:$0x3FA8]  }
0x2e: {  	s3 =	simm.s32 @!p0 $0x1082;
	s9 =	sld [smem:$0x3FA9]  }
0x2f: {  	lr =	sadd.s32 s0, s3;
	s0 =	sld [smem:$0x3FA0]  }
0x30: {  	s3 =	sld [smem:$0x3FA3]  }
0x31: {  	[smem:$0x3FAC] =	sst s10  }
0x32: {  	s10 =	sld [smem:$0x3FAA];
	_ =	sdelay $0x3  }
0x33: {  	p0 =	seq.s32 s10, $0x1;
	s10 =	sld [smem:$0x3FAC];
	_ =	sdelay $0x3  }
0x34: {  	[smem:$0x3FAC] =	sst s10  }
0x35: {  	s10 =	sld [smem:$0x3FAB];
	_ =	sdelay $0x3  }
0x36: {  	p1 =	seq.s32 s10, $0x1;
	s10 =	sld [smem:$0x3FAC];
	_ =	sdelay $0x3  }
0x37: {  	[smem:$0x3FAC] =	sst s10  }
0x38: {  	s10 =	sld [smem:$0x3FAD]  }
0x39: {  	_ = 	snop;
	(pc) =	sbr.ind lr, $3  }
0x3a: {  	_ = 	snop  }
0x3b: {  	_ = 	snop  }
0x3c: {  	p2 =	seq.s32 s10, $0x1;
	s10 =	sld [smem:$0x3FAC]  }
0x3d: {  	_ =	shalt  }
0x3e: {  	_ =	shalt  }
0x3f: {  	_ =	shalt  }
0x40: {  	_ =	shalt  }
0x41: {  	_ =	shalt  }
0x42: {  	_ =	shalt  }
0x43: {  	_ =	shalt  }
0x44: {  	_ =	shalt  }
0x45: {  	_ =	shalt  }
0x46: {  	_ =	shalt  }
0x47: {  	_ =	shalt  }
0x48: {  	_ =	shalt  }
0x49: {  	_ =	shalt  }
0x4a: {  	_ =	shalt  }
0x4b: {  	_ =	shalt  }
0x4c: {  	_ =	shalt  }
0x4d: {  	_ =	shalt  }
0x4e: {  	_ =	shalt  }
0x4f: {  	_ =	shalt  }
0x50: {  	_ =	shalt  }
0x51: {  	_ =	shalt  }
0x52: {  	_ =	shalt  }
0x53: {  	_ =	shalt  }
0x54: {  	_ =	shalt  }
0x55: {  	_ =	shalt  }
0x56: {  	_ =	shalt  }
0x57: {  	_ =	shalt  }
0x58: {  	_ =	shalt  }
0x59: {  	_ =	shalt  }
0x5a: {  	_ =	shalt  }
0x5b: {  	_ =	shalt  }
0x5c: {  	_ =	shalt  }
0x5d: {  	_ =	shalt  }
0x5e: {  	_ =	shalt  }
0x5f: {  	_ =	shalt  }
0x60: {  	_ =	shalt  }
0x61: {  	_ =	shalt  }
0x62: {  	_ =	shalt  }
0x63: {  	_ =	shalt  }
0x64: {  	_ =	shalt  }
0x65: {  	_ =	shalt  }
0x66: {  	_ =	shalt  }
0x67: {  	_ =	shalt  }
0x68: {  	_ =	shalt  }
0x69: {  	_ =	shalt  }
0x6a: {  	_ =	shalt  }
0x6b: {  	_ =	shalt  }
0x6c: {  	_ =	shalt  }
0x6d: {  	_ =	shalt  }
0x6e: {  	_ =	shalt  }
0x6f: {  	_ =	shalt  }
0x70: {  	_ =	shalt  }
0x71: {  	_ =	shalt  }
0x72: {  	_ =	shalt  }
0x73: {  	_ =	shalt  }
0x74: {  	_ =	shalt  }
0x75: {  	_ =	shalt  }
0x76: {  	_ =	shalt  }
0x77: {  	_ =	shalt  }
0x78: {  	_ =	shalt  }
0x79: {  	_ =	shalt  }
0x7a: {  	_ =	shalt  }
0x7b: {  	_ =	shalt  }
0x7c: {  	_ =	shalt  }
0x7d: {  	_ =	shalt  }
0x7e: {  	_ =	shalt  }
0x7f: {  	_ =	shalt  }
0x80: {  	_ =	shalt  }
0x81: {  	_ =	shalt  }
0x82: {  	_ =	shalt  }
0x83: {  	_ =	shalt  }
0x84: {  	_ =	shalt  }
0x85: {  	_ =	shalt  }
0x86: {  	_ =	shalt  }
0x87: {  	_ =	shalt  }
.Lfunc_end0:
.L_simem_size_0:
called_computation.1_lowered:
.L_overlay_start_0:
0x88: {  	s2 =	sld [smem:$0x3FD9]  }
0x89: {  	s3 =	sld [smem:$0x3FFE];
	_ =	sdelay $0x1  }
0x8a: {  	s1 =	srdreg.scid  }
0x8b: {  	s0 =	sand.u32 $0x1, s1  }
0x8c: {  	s16 =	sshll.u32 s0, $0xA;
	s2 =	sadd.s32 s3, s2  }
0x8d: {  	s2 =	sadd.s32 s2, s16  }
0x8e: {  	[smem:$0x3FB8] =	sst s2  }
0x8f: {  	_ = 	snop  }
0x90: {  	(tm) =	ssettm $0x1  }
0x91: {  	s17 =	sld [smem:$0x3FFB];
	_ =	sdelay $0x3  }
0x92: {  	_ =	strace s17  }
0x93: {  	s2 =	sld [smem:$0x3FFC];
	_ =	sdelay $0x3  }
0x94: {  	_ =	strace s2  }
0x95: {  	s2 =	sld [smem:$0x3FFD];
	_ =	sdelay $0x3  }
0x96: {  	_ =	strace s2  }
0x97: {  	_ =	strace $0x8FFFFFFF  }
0x98: {  	s18 =	sld [smem:$0x3FDB];
	_ =	sdelay $0x1  }
0x99: {  	s19 =	simm.s32 $_scs_section_size  }
0x9a: {  	s4 =	simm.s32 $_size__tile_overlayer_lowered;
	s5 =	simm.s32 $_tile_overlayer_lowered  }
0x9b: {  	s22 =	simm.s32 $0x1BFF;
	s21 =	sshll.u32 s5, $0x1;
	s2 =	sadd.s32 s19, s18  }
0x9c: {  	s6 =	simm.s32 $0x0;
	s20 =	sshll.u32 s4, $0x1;
	s4 =	sadd.s32 s21, s2  }
0x9d: {  	[timem:s6], [sflag:s22] =	dma.local [hbm:s4], s20  }
0x9e: {  	_ =	swait.ge [sflag:s22], s20  }
0x9f: {  	s3 =	ssub.s32 $0x0, s20;
	[sflag:s22] =	ssyncset.done $0x0  }
0xa0: {  	[sflag:s22] =	ssyncadd.s32 s3;
	_ =	sdelay $0x1  }
0xa1: {  	s23 =	simm.s32 $0x1B8B  }
0xa2: {  	_ =	swait.ge [sflag:s23], $0x1  }
0xa3: {  	[sflag:s23] =	ssyncset.done $0x0  }
0xa4: {  	s25 =	simm.s32 $0x1B8E;
	s24 =	sld [smem:$0x3FFE];
	[sflag:s23] =	ssyncadd.s32 $0xFFFFFFFF  }
0xa5: {  	s26 =	simm.s32 $execute0_lowered;
	[smem:$0x3FD2] =	sst s25  }
0xa6: {  	s4 =	sshll.u32 s26, $0x1;
	_ =	strace $0x80000046;
	[dreg:$0x1] =	wrdreg $0xFFFFFFFF  }
0xa7: {  	s28 =	simm.s32 $_size_execute0_lowered;
	s2 =	sadd.s32 s2, s4;
	[dreg:$0x0] =	wrdreg $0x0  }
0xa8: {  	s4 =	sshll.u32 s28, $0x1;
	[dreg:$0x2] =	wrdreg s2  }
0xa9: {  	[dreg:$0x3] =	wrdreg s4  }
0xaa: {  	[dreg:$0x4] =	wrdreg $0xC0  }
0xab: {  	_ =	task [dreg:s6], $0x5FFFF  }
0xac: {  	[dreg:$0x1] =	wrdreg $0xFFFFFFFF  }
0xad: {  	[dreg:$0x0] =	wrdreg $0x60  }
0xae: {  	[dreg:$0x2] =	wrdreg s24  }
0xaf: {  	[dreg:$0x3] =	wrdreg $0x0  }
0xb0: {  	[dreg:$0x4] =	wrdreg $0xA  }
0xb1: {  	_ =	task.clear_ibuf [dreg:s6], $0x5FFFF;
	_ =	strace $0x90000046  }
0xb2: {  	s29 =	simm.s32 $0xA;
	_ =	strace $0x80000048  }
0xb3: {  	_ =	swait.ge [sflag:s29], $0x1  }
0xb4: {  	[sflag:s29] =	ssyncadd.s32 $0xFFFFFFFF  }
0xb5: {  	_ =	strace $0x90000048  }
0xb6: {  	_ =	sfence  }
0xb7: {  	s30 =	sld [smem:$0x0];
	_ =	sdelay $0x2  }
0xb8: {  	s31 =	sshll.u32 s1, $0xD;
	s1 =	sshrl.u32 s1, $0x2  }
0xb9: {  	s3 =	sand.u32 $0x4000, s31;
	s1 =	sadd.s32 s1, s30  }
0xba: {  	s0 =	sor.u32 s3, s0;
	s1 =	sshll.u32 s1, $0x11  }
0xbb: {  	s0 =	sor.u32 s1, s0  }
0xbc: {  	s0 =	sadd.s32 $0x8F2B, s0  }
0xbd: {  	[sflag:s0] =	ssyncadd.remote.s32 $0x1  }
0xbe: {  	_ =	sfence.sel $0xFFFF  }
0xbf: {  	[dreg:$0x0] =	wrdreg $0xFFFFFFFF;
	(pc) =	sbr.abs _section_cstart, $3  }
0xc0: {  	[dreg:$0x1] =	wrdreg $0xFFFFFFFF  }
0xc1: {  	_ =	task.clear_ibuf [dreg:s6], $0x2FFFF;
	_ =	strace $0x9FFFFFFF  }
0xc2: {  	(tm) =	ssettm $0x7FFFFFFF  }
0xc3: {  	_ =	shalt  }
tec
execute0_lowered:
.L_overlay_start_1:
0x0: {  	(tag) =	ssettag $0x1  }
0x1: {  	s6 =	rddreg [dreg:$0x0]  }
0x2: {  	s0 =	srdreg.scid;
	s1 =	rddreg [dreg:$0x1];
	s3 =	simm.s32 $0x0  }
0x3: {  	s2 =	stileid.u32;
	s17 =	simm.s32 $0x80;
	s18 =	simm.s32 $0x14100  }
0x4: {  	s19 =	simm.s32 $0x14080;
	s20 =	simm.s32 $0x0;
	s9 =	smul.u32 $0x14000, s2  }
0x5: {  	s7 =	sand.u32 $0x1, s0;
	s0 =	rddreg [dreg:$0x2];
	s28 =	smul.u32 $0x50000, s2  }
0x6: {  	[smem:$0x7FF] =	sst s3;
	s4 =	sadd.s32 $0x18A00, s6;
	s5 =	smul.u32 $0x9E00, s7  }
0x7: {  	s30 =	sshll.u32 s2, $0x6;
	s8 =	smul.u32 $0x140000, s7;
	s7 =	ssub.s32 $0x2, s7  }
0x8: {  	s31 =	smul.u32 $0x9E0, s2;
	_ =	strace $0x80000047;
	s29 =	sshrl.u32 s7, $0x1  }
0x9: {  	s10 =	sadd.s32 s5, s6;
	s8 =	sadd.s32 s9, s8;
	s5 =	sadd.s32 $0x40A00, s6  }
0xa: {  	s9 =	sshrl.u32 s28, $0x2;
	s11 =	ssub.s32 s7, s29;
	s8 =	sshrl.u32 s8, $0x3  }
0xb: {  	s12 =	sadd.s32 s9, s1;
	s9 =	sadd.s32 s31, s10;
	s8 =	sadd.s32 s8, s6  }
0xc: {  	s6 =	sor.u32 $0x1C01, s30;
	s13 =	sadd.s32 $0x4000, s12;
	s14 =	sadd.s32 $0x8000, s12  }
0xd: {  	s15 =	sadd.s32 $0xC000, s12;
	s16 =	sadd.s32 $0x10000, s12;
	s9 =	sadd.s32 $0x4E00, s9  }
0xe: {  	s10 =	sshrl.u32 s12, $0x3;
	s7 =	sadd.s32 $0x41200, s8;
	s8 =	smax.u32 s11, $0x1  }
0xf: {  	s11 =	simm.s32 $0x1;
	s12 =	sshrl.u32 s13, $0x3;
	s13 =	sshrl.u32 s14, $0x3  }
0x10: {  	s14 =	sshrl.u32 s15, $0x3;
	s15 =	sshrl.u32 s16, $0x3;
	s16 =	simm.s32 $0x14000  }
.LBB2_1:
0x11: {  	[spmem:s10], [sflag:s6] =	dma.local [hbm:s5], $0x800  }
0x12: {  	_ =	swait.ge [sflag:s11], $0x800  }
0x13: {  	[sflag:s11] =	ssyncset.done $0x0  }
0x14: {  	[sflag:s11] =	ssyncadd.s32 $0xFFFFF800  }
0x15: {  	[spmem:s12], [sflag:s6] =	dma.local [hbm:s5], $0x800  }
0x16: {  	_ =	swait.ge [sflag:s11], $0x800  }
0x17: {  	[sflag:s11] =	ssyncset.done $0x0  }
0x18: {  	[sflag:s11] =	ssyncadd.s32 $0xFFFFF800  }
0x19: {  	[spmem:s13], [sflag:s6] =	dma.local [hbm:s5], $0x800  }
0x1a: {  	_ =	swait.ge [sflag:s11], $0x800  }
0x1b: {  	[sflag:s11] =	ssyncset.done $0x0  }
0x1c: {  	[sflag:s11] =	ssyncadd.s32 $0xFFFFF800  }
0x1d: {  	[spmem:s14], [sflag:s6] =	dma.local [hbm:s5], $0x800  }
0x1e: {  	_ =	swait.ge [sflag:s11], $0x800  }
0x1f: {  	[sflag:s11] =	ssyncset.done $0x0  }
0x20: {  	[sflag:s11] =	ssyncadd.s32 $0xFFFFF800  }
0x21: {  	[spmem:s15], [sflag:s6] =	dma.local [hbm:s5], $0x800  }
0x22: {  	_ =	swait.ge [sflag:s11], $0x800  }
0x23: {  	[sflag:s11] =	ssyncset.done $0x0  }
0x24: {  	[sflag:s11] =	ssyncadd.s32 $0xFFFFF800  }
0x25: {  	s21 =	sadd.s32 $0x0, s9;
	[bflag:$0x0] =	sbarrier.arrive $0xFFFF  }
0x26: {  	[tilespmem:s16], [sflag:$0x1] =	stream.linear.gather [hbm4b:s21+s3], $0x100, $0x38;
	[tilespmem:$0x18100] =	vst v63  }
0x27: {  	_ =	swait.ge [sflag:s11], $0x100  }
0x28: {  	[sflag:s11] =	ssyncset.done $0x0  }
0x29: {  	[sflag:s11] =	ssyncadd.s32 $0xFFFFFF00  }
0x2a: {  	[tilespmem:s18], [sflag:$0x1] =	stream.indirect.gather [hbm4b:s4+s17], $0x80, s16, s17, $0xb8;
	[tilespmem:$0x18100] =	vst v63  }
0x2b: {  	_ =	swait.ge [sflag:s11], $0x4000  }
0x2c: {  	[sflag:s11] =	ssyncset.done $0x0  }
0x2d: {  	[sflag:s11] =	ssyncadd.s32 $0xFFFFC000  }
0x2e: {  	[spmem:s1] =	stream.indirect.scatter.add.f32 [tilespmem:s18], [sflag:$0x1], $0x80, s19, s17, $0xb8;
	[tilespmem:$0x18100] =	vst v63  }
0x2f: {  	_ =	swait.ge [sflag:s11], $0x4000  }
0x30: {  	s22 =	simm.s32 $0x40;
	s21 =	simm.s32 $0x20;
	[sflag:s11] =	ssyncset.done $0x0  }
.LBB2_2:
0x31: {  	s23 =	sadd.s32 s21, s9  }
0x32: {  	[sflag:s11] =	ssyncadd.s32 $0xFFFFC000;
	s21 =	smov.u32 s22;
	s24 =	sadd.s32 $0x20, s22  }
0x33: {  	[tilespmem:s16], [sflag:$0x1] =	stream.linear.gather [hbm4b:s23+s3], $0x100, $0x38;
	[tilespmem:$0x18100] =	vst v63  }
0x34: {  	p0 =	sne.s32 s22, $0x9C0;
	_ =	swait.ge [sflag:s11], $0x100  }
0x35: {  	[sflag:s11] =	ssyncset.done $0x0  }
0x36: {  	[sflag:s11] =	ssyncadd.s32 $0xFFFFFF00  }
0x37: {  	[tilespmem:s18], [sflag:$0x1] =	stream.indirect.gather [hbm4b:s4+s17], $0x80, s16, s17, $0xb8;
	[tilespmem:$0x18100] =	vst v63  }
0x38: {  	_ =	swait.ge [sflag:s11], $0x4000  }
.Ltmp0:
0x39: {  	[sflag:s11] =	ssyncset.done $0x0;
	(pc) =	sbr.rel @p0 .LBB2_2-.Ltmp0, $4  }
0x3a: {  	[sflag:s11] =	ssyncadd.s32 $0xFFFFC000  }
0x3b: {  	[spmem:s1] =	stream.indirect.scatter.add.f32 [tilespmem:s18], [sflag:$0x1], $0x80, s19, s17, $0xb8;
	[tilespmem:$0x18100] =	vst v63  }
0x3c: {  	_ =	swait.ge [sflag:s11], $0x4000  }
0x3d: {  	s22 =	smov.u32 s24;
	[sflag:s11] =	ssyncset.done $0x0  }
0x3e: {  	s21 =	sadd.s32 s21, s9;
	[sflag:s11] =	ssyncadd.s32 $0xFFFFC000  }
0x3f: {  	[tilespmem:s16], [sflag:$0x1] =	stream.linear.gather [hbm4b:s21+s3], $0x100, $0x38;
	[tilespmem:$0x18100] =	vst v63  }
0x40: {  	_ =	swait.ge [sflag:s11], $0x100  }
0x41: {  	[sflag:s11] =	ssyncset.done $0x0  }
0x42: {  	[sflag:s11] =	ssyncadd.s32 $0xFFFFFF00  }
0x43: {  	[tilespmem:s18], [sflag:$0x1] =	stream.indirect.gather [hbm4b:s4+s17], $0x80, s16, s17, $0xb8;
	[tilespmem:$0x18100] =	vst v63  }
0x44: {  	_ =	swait.ge [sflag:s11], $0x4000  }
0x45: {  	[sflag:s11] =	ssyncset.done $0x0  }
0x46: {  	[sflag:s11] =	ssyncadd.s32 $0xFFFFC000  }
0x47: {  	[spmem:s1] =	stream.indirect.scatter.add.f32 [tilespmem:s18], [sflag:$0x1], $0x80, s19, s17, $0xb8;
	[tilespmem:$0x18100] =	vst v63  }
0x48: {  	_ =	swait.ge [sflag:s11], $0x4000  }
0x49: {  	s20 =	sadd.s32 $0x1, s20;
	[sflag:s11] =	ssyncset.done $0x0  }
0x4a: {  	p0 =	sne.s32 s20, s8;
	[sflag:s11] =	ssyncadd.s32 $0xFFFFC000  }
.Ltmp1:
0x4b: {  	[bflag:$0x0] =	sbarrier.arrive $0xFFFF;
	(pc) =	sbr.rel @p0 .LBB2_1-.Ltmp1, $4  }
0x4c: {  	[hbm:s7], [sflag:s6] =	dma.local [spmem:s10], $0x2800  }
0x4d: {  	_ =	swait.ge [sflag:s11], $0x2800  }
0x4e: {  	[sflag:s11] =	ssyncset.done $0x0  }
0x4f: {  	[sflag:s11] =	ssyncadd.s32 $0xFFFFD800  }
0x50: {  	_ =	sfence.sel $0x180000  }
0x51: {  	[bflag:$0x0] =	sbarrier.arrive $0xFFFF  }
0x52: {  	p0 =	sne.s32 s2, $0x0;
	_ =	strace $0x90000047  }
0x53: {  	s0 =	sadd.s32 @!p0 $0x100000, s0;
	[bflag:$0x2] =	sbarrier.arrive $0xFFFF  }
0x54: {  	[sflag:s0] =	ssyncadd.tile.s32 @!p0 $0x1;
	_ =	shalt  }
.Lfunc_end2:
_tile_overlayer_lowered:
.L_overlay_start_2:
0x55: {  	(tag) =	ssettag $0x2  }
0x56: {  	s0 =	rddreg [dreg:$0x0];
	s2 =	stileid.u32  }
0x57: {  	s1 =	rddreg [dreg:$0x1];
	p0 =	sne.s32 s2, $0x0  }
0x58: {  	s3 =	rddreg [dreg:$0x2];
	[bflag:$0x3] =	sbarrier.arrive $0xFFFF;
	s2 =	simm.s32 @!p0 $0x1C01  }
0x59: {  	[timem:s3], [sflag:s2] =	dma.local @!p0 [hbm:s0], s1  }
0x5a: {  	s0 =	simm.s32 @!p0 $0x1  }
0x5b: {  	_ =	swait.ge @!p0 [sflag:s0], s1  }
0x5c: {  	s1 =	ssub.s32 @!p0 $0x0, s1;
	[sflag:s0] =	ssyncset.done @!p0 $0x0  }
0x5d: {  	[sflag:s0] =	ssyncadd.s32 @!p0 s1  }
0x5e: {  	[bflag:$0x3] =	sbarrier.arrive $0xFFFF  }
0x5f: {  	_ =	shalt  }

// kernel: kernel.16.cloned.1.call-start
scs
__scs_entry_jumppad:
0x0: {  	(pc) =	sbr.rel $0x88, $3  }
0x1: {  	(tag) =	ssettag $0x0;
	lr =	simm.s32 $0x1  }
0x2: {  	[smem:$0x3F91] =	sst lr;
	_ =	strace $0xD0000000  }
0x3: {  	_ = 	snop  }
0x4: {  	_ = 	snop  }
0x5: {  	_ = 	snop  }
0x6: {  	_ = 	snop  }
0x7: {  	_ = 	snop  }
__scs_overlays_trampoline_lowered:
0x8: {  	[smem:$0x3FA0] =	sst s0  }
0x9: {  	[smem:$0x3FA1] =	sst s1  }
0xa: {  	[smem:$0x3FA2] =	sst s2  }
0xb: {  	[smem:$0x3FA3] =	sst s3  }
0xc: {  	[smem:$0x3FA4] =	sst s4  }
0xd: {  	[smem:$0x3FA5] =	sst s5  }
0xe: {  	[smem:$0x3FA6] =	sst s6  }
0xf: {  	[smem:$0x3FA7] =	sst s7  }
0x10: {  	[smem:$0x3FA8] =	sst s8  }
0x11: {  	[smem:$0x3FA9] =	sst s9;
	s0 =	simm.s32 @!p0 $0x0  }
0x12: {  	s1 =	sld [smem:$0x3F8F];
	s0 =	simm.s32 @p0 $0x1  }
0x13: {  	[smem:$0x3FAA] =	sst s0;
	s0 =	simm.s32 @!p1 $0x0  }
0x14: {  	s2 =	sld [smem:$0x3F8E];
	s0 =	simm.s32 @p1 $0x1  }
0x15: {  	[smem:$0x3FAB] =	sst s0;
	s0 =	simm.s32 @!p2 $0x0  }
0x16: {  	s3 =	sld [smem:$0x3FDB];
	s0 =	simm.s32 @p2 $0x1  }
0x17: {  	s4 =	simm.s32 $0x1BF5;
	[smem:$0x3FAD] =	sst s0  }
0x18: {  	s0 =	sld [smem:$0x3F90];
	_ =	swait.ge [sflag:s4], $0x0  }
0x19: {  	s7 =	sld [smem:$0x3F91]  }
0x1a: {  	s8 =	sadd.s32 $0xFFFFE003, lr  }
0x1b: {  	s9 =	sadd.s32 $0xFFFFFEF7, lr;
	s5 =	simm.s32 $0xFFFFFFFF;
	p2 =	slt.u32 s8, $0xFFFFF086  }
0x1c: {  	p1 =	slt.u32 s9, $0xF7A;
	s5 =	simm.s32 @!p2 $0x0  }
0x1d: {  	s5 =	simm.s32 @p1 $0x1;
	p0 =	seq.s32 s7, s2  }
0x1e: {  	s7 =	smul.u32 @!p0 $0xF7A, s2;
	p2 =	seq.s32 @!p0 s5, $0x0  }
0x1f: {  	s9 =	smul.u32 $0xF7A, s1;
	s8 =	simm.s32 @!p0 $0x1BF5;
	p2 =	por !p2, p0  }
0x20: {  	[sflag:s8] =	ssyncset.s32 @!p0 $0xFFFFF086;
	s6 =	sadd.s32 @!p0 s3, s7;
	s7 =	simm.s32 @!p0 $0x108  }
0x21: {  	s3 =	sadd.s32 s3, s9;
	s6 =	sadd.s32 @!p0 $0x88, s6;
	s7 =	simm.s32 @p2 $0x1082  }
0x22: {  	[simem:s7], [sflag:s8] =	dma.local @!p0 [hbm:s6], $0xF7A  }
0x23: {  	s9 =	sor.u32 $0xD0000000, s2;
	s6 =	simm.s32 $0x108;
	_ =	swait.ge @!p0 [sflag:s8], $0x0  }
0x24: {  	s3 =	sadd.s32 $0x88, s3;
	s6 =	simm.s32 @!p1 $0x1082;
	[sflag:s4] =	ssyncset.s32 $0xFFFFF086  }
0x25: {  	[simem:s6], [sflag:s4] =	dma.local [hbm:s3], $0xF7A  }
0x26: {  	[smem:$0x3F91] =	sst s1;
	(tag) =	ssettag s2;
	_ =	strace s9  }
0x27: {  	s1 =	sld [smem:$0x3FA1]  }
0x28: {  	s2 =	sld [smem:$0x3FA2]  }
0x29: {  	s4 =	sld [smem:$0x3FA4]  }
0x2a: {  	p0 =	seq.s32 s5, $0x0;
	s5 =	sld [smem:$0x3FA5]  }
0x2b: {  	s6 =	sld [smem:$0x3FA6]  }
0x2c: {  	s7 =	sld [smem:$0x3FA7]  }
0x2d: {  	s3 =	simm.s32 $0x108;
	s8 =	sld [smem:$0x3FA8]  }
0x2e: {  	s3 =	simm.s32 @!p0 $0x1082;
	s9 =	sld [smem:$0x3FA9]  }
0x2f: {  	lr =	sadd.s32 s0, s3;
	s0 =	sld [smem:$0x3FA0]  }
0x30: {  	s3 =	sld [smem:$0x3FA3]  }
0x31: {  	[smem:$0x3FAC] =	sst s10  }
0x32: {  	s10 =	sld [smem:$0x3FAA];
	_ =	sdelay $0x3  }
0x33: {  	p0 =	seq.s32 s10, $0x1;
	s10 =	sld [smem:$0x3FAC];
	_ =	sdelay $0x3  }
0x34: {  	[smem:$0x3FAC] =	sst s10  }
0x35: {  	s10 =	sld [smem:$0x3FAB];
	_ =	sdelay $0x3  }
0x36: {  	p1 =	seq.s32 s10, $0x1;
	s10 =	sld [smem:$0x3FAC];
	_ =	sdelay $0x3  }
0x37: {  	[smem:$0x3FAC] =	sst s10  }
0x38: {  	s10 =	sld [smem:$0x3FAD]  }
0x39: {  	_ = 	snop;
	(pc) =	sbr.ind lr, $3  }
0x3a: {  	_ = 	snop  }
0x3b: {  	_ = 	snop  }
0x3c: {  	p2 =	seq.s32 s10, $0x1;
	s10 =	sld [smem:$0x3FAC]  }
0x3d: {  	_ =	shalt  }
0x3e: {  	_ =	shalt  }
0x3f: {  	_ =	shalt  }
0x40: {  	_ =	shalt  }
0x41: {  	_ =	shalt  }
0x42: {  	_ =	shalt  }
0x43: {  	_ =	shalt  }
0x44: {  	_ =	shalt  }
0x45: {  	_ =	shalt  }
0x46: {  	_ =	shalt  }
0x47: {  	_ =	shalt  }
0x48: {  	_ =	shalt  }
0x49: {  	_ =	shalt  }
0x4a: {  	_ =	shalt  }
0x4b: {  	_ =	shalt  }
0x4c: {  	_ =	shalt  }
0x4d: {  	_ =	shalt  }
0x4e: {  	_ =	shalt  }
0x4f: {  	_ =	shalt  }
0x50: {  	_ =	shalt  }
0x51: {  	_ =	shalt  }
0x52: {  	_ =	shalt  }
0x53: {  	_ =	shalt  }
0x54: {  	_ =	shalt  }
0x55: {  	_ =	shalt  }
0x56: {  	_ =	shalt  }
0x57: {  	_ =	shalt  }
0x58: {  	_ =	shalt  }
0x59: {  	_ =	shalt  }
0x5a: {  	_ =	shalt  }
0x5b: {  	_ =	shalt  }
0x5c: {  	_ =	shalt  }
0x5d: {  	_ =	shalt  }
0x5e: {  	_ =	shalt  }
0x5f: {  	_ =	shalt  }
0x60: {  	_ =	shalt  }
0x61: {  	_ =	shalt  }
0x62: {  	_ =	shalt  }
0x63: {  	_ =	shalt  }
0x64: {  	_ =	shalt  }
0x65: {  	_ =	shalt  }
0x66: {  	_ =	shalt  }
0x67: {  	_ =	shalt  }
0x68: {  	_ =	shalt  }
0x69: {  	_ =	shalt  }
0x6a: {  	_ =	shalt  }
0x6b: {  	_ =	shalt  }
0x6c: {  	_ =	shalt  }
0x6d: {  	_ =	shalt  }
0x6e: {  	_ =	shalt  }
0x6f: {  	_ =	shalt  }
0x70: {  	_ =	shalt  }
0x71: {  	_ =	shalt  }
0x72: {  	_ =	shalt  }
0x73: {  	_ =	shalt  }
0x74: {  	_ =	shalt  }
0x75: {  	_ =	shalt  }
0x76: {  	_ =	shalt  }
0x77: {  	_ =	shalt  }
0x78: {  	_ =	shalt  }
0x79: {  	_ =	shalt  }
0x7a: {  	_ =	shalt  }
0x7b: {  	_ =	shalt  }
0x7c: {  	_ =	shalt  }
0x7d: {  	_ =	shalt  }
0x7e: {  	_ =	shalt  }
0x7f: {  	_ =	shalt  }
0x80: {  	_ =	shalt  }
0x81: {  	_ =	shalt  }
0x82: {  	_ =	shalt  }
0x83: {  	_ =	shalt  }
0x84: {  	_ =	shalt  }
0x85: {  	_ =	shalt  }
0x86: {  	_ =	shalt  }
0x87: {  	_ =	shalt  }
.Lfunc_end0:
.L_simem_size_0:
called_computation.2_lowered:
.L_overlay_start_0:
0x88: {  	s2 =	sld [smem:$0x3FD9]  }
0x89: {  	s3 =	sld [smem:$0x3FFE];
	_ =	sdelay $0x1  }
0x8a: {  	s1 =	srdreg.scid  }
0x8b: {  	s0 =	sand.u32 $0x1, s1  }
0x8c: {  	s16 =	sshll.u32 s0, $0xA;
	s2 =	sadd.s32 s3, s2  }
0x8d: {  	s2 =	sadd.s32 s2, s16  }
0x8e: {  	[smem:$0x3FB8] =	sst s2  }
0x8f: {  	_ = 	snop  }
0x90: {  	(tm) =	ssettm $0x1  }
0x91: {  	s17 =	sld [smem:$0x3FFB];
	_ =	sdelay $0x3  }
0x92: {  	_ =	strace s17  }
0x93: {  	s2 =	sld [smem:$0x3FFC];
	_ =	sdelay $0x3  }
0x94: {  	_ =	strace s2  }
0x95: {  	s2 =	sld [smem:$0x3FFD];
	_ =	sdelay $0x3  }
0x96: {  	_ =	strace s2  }
0x97: {  	_ =	strace $0x8FFFFFFF  }
0x98: {  	s18 =	sld [smem:$0x3FDB];
	_ =	sdelay $0x1  }
0x99: {  	s19 =	simm.s32 $_scs_section_size  }
0x9a: {  	s4 =	simm.s32 $_size__tile_overlayer_lowered;
	s5 =	simm.s32 $_tile_overlayer_lowered  }
0x9b: {  	s22 =	simm.s32 $0x1BFF;
	s21 =	sshll.u32 s5, $0x1;
	s2 =	sadd.s32 s19, s18  }
0x9c: {  	s6 =	simm.s32 $0x0;
	s20 =	sshll.u32 s4, $0x1;
	s4 =	sadd.s32 s21, s2  }
0x9d: {  	[timem:s6], [sflag:s22] =	dma.local [hbm:s4], s20  }
0x9e: {  	_ =	swait.ge [sflag:s22], s20  }
0x9f: {  	s3 =	ssub.s32 $0x0, s20;
	[sflag:s22] =	ssyncset.done $0x0  }
0xa0: {  	[sflag:s22] =	ssyncadd.s32 s3;
	_ =	sdelay $0x1  }
0xa1: {  	s23 =	simm.s32 $0x1B8B  }
0xa2: {  	_ =	swait.ge [sflag:s23], $0x1  }
0xa3: {  	[sflag:s23] =	ssyncset.done $0x0  }
0xa4: {  	s25 =	simm.s32 $0x1B8E;
	s24 =	sld [smem:$0x3FFE];
	[sflag:s23] =	ssyncadd.s32 $0xFFFFFFFF  }
0xa5: {  	s26 =	simm.s32 $execute0_lowered;
	[smem:$0x3FD2] =	sst s25  }
0xa6: {  	s4 =	sshll.u32 s26, $0x1;
	_ =	strace $0x8000004C;
	[dreg:$0x1] =	wrdreg $0xFFFFFFFF  }
0xa7: {  	s28 =	simm.s32 $_size_execute0_lowered;
	s2 =	sadd.s32 s2, s4;
	[dreg:$0x0] =	wrdreg $0x0  }
0xa8: {  	s4 =	sshll.u32 s28, $0x1;
	[dreg:$0x2] =	wrdreg s2  }
0xa9: {  	[dreg:$0x3] =	wrdreg s4  }
0xaa: {  	[dreg:$0x4] =	wrdreg $0xC0  }
0xab: {  	_ =	task [dreg:s6], $0x5FFFF  }
0xac: {  	[dreg:$0x1] =	wrdreg $0xFFFFFFFF  }
0xad: {  	[dreg:$0x0] =	wrdreg $0x60  }
0xae: {  	[dreg:$0x2] =	wrdreg s24  }
0xaf: {  	[dreg:$0x3] =	wrdreg $0x0  }
0xb0: {  	[dreg:$0x4] =	wrdreg $0x9  }
0xb1: {  	_ =	task.clear_ibuf [dreg:s6], $0x5FFFF;
	_ =	strace $0x9000004C  }
0xb2: {  	s29 =	simm.s32 $0x9;
	_ =	strace $0x8000004E  }
0xb3: {  	_ =	swait.ge [sflag:s29], $0x1  }
0xb4: {  	[sflag:s29] =	ssyncadd.s32 $0xFFFFFFFF  }
0xb5: {  	_ =	strace $0x9000004E  }
0xb6: {  	_ =	sfence  }
0xb7: {  	s30 =	sld [smem:$0x0];
	_ =	sdelay $0x2  }
0xb8: {  	s31 =	sshll.u32 s1, $0xD;
	s1 =	sshrl.u32 s1, $0x2  }
0xb9: {  	s3 =	sand.u32 $0x4000, s31;
	s1 =	sadd.s32 s1, s30  }
0xba: {  	s0 =	sor.u32 s3, s0;
	s1 =	sshll.u32 s1, $0x11  }
0xbb: {  	s0 =	sor.u32 s1, s0  }
0xbc: {  	s0 =	sadd.s32 $0x8F2B, s0  }
0xbd: {  	[sflag:s0] =	ssyncadd.remote.s32 $0x1  }
0xbe: {  	_ =	sfence.sel $0xFFFF  }
0xbf: {  	[dreg:$0x0] =	wrdreg $0xFFFFFFFF;
	(pc) =	sbr.abs _section_cstart, $3  }
0xc0: {  	[dreg:$0x1] =	wrdreg $0xFFFFFFFF  }
0xc1: {  	_ =	task.clear_ibuf [dreg:s6], $0x2FFFF;
	_ =	strace $0x9FFFFFFF  }
0xc2: {  	(tm) =	ssettm $0x7FFFFFFF  }
0xc3: {  	_ =	shalt  }
tec
execute0_lowered:
.L_overlay_start_1:
0x0: {  	(tag) =	ssettag $0x1  }
0x1: {  	s6 =	rddreg [dreg:$0x0]  }
0x2: {  	s0 =	srdreg.scid;
	s1 =	rddreg [dreg:$0x1];
	s3 =	simm.s32 $0x0  }
0x3: {  	s2 =	stileid.u32;
	s17 =	simm.s32 $0x80;
	s18 =	simm.s32 $0x14100  }
0x4: {  	s19 =	simm.s32 $0x14080;
	s20 =	simm.s32 $0x0;
	s9 =	smul.u32 $0x14000, s2  }
0x5: {  	s7 =	sand.u32 $0x1, s0;
	s0 =	rddreg [dreg:$0x2];
	s28 =	smul.u32 $0x50000, s2  }
0x6: {  	[smem:$0x7FF] =	sst s3;
	s4 =	sadd.s32 $0x18A00, s6;
	s5 =	smul.u32 $0x9E00, s7  }
0x7: {  	s30 =	sshll.u32 s2, $0x6;
	s8 =	smul.u32 $0x140000, s7;
	s7 =	ssub.s32 $0x2, s7  }
0x8: {  	s31 =	smul.u32 $0x9E0, s2;
	_ =	strace $0x8000004D;
	s29 =	sshrl.u32 s7, $0x1  }
0x9: {  	s10 =	sadd.s32 s5, s6;
	s8 =	sadd.s32 s9, s8;
	s5 =	sadd.s32 $0x40A00, s6  }
0xa: {  	s9 =	sshrl.u32 s28, $0x2;
	s11 =	ssub.s32 s7, s29;
	s8 =	sshrl.u32 s8, $0x3  }
0xb: {  	s12 =	sadd.s32 s9, s1;
	s9 =	sadd.s32 s31, s10;
	s8 =	sadd.s32 s8, s6  }
0xc: {  	s6 =	sor.u32 $0x1C01, s30;
	s13 =	sadd.s32 $0x4000, s12;
	s14 =	sadd.s32 $0x8000, s12  }
0xd: {  	s15 =	sadd.s32 $0xC000, s12;
	s16 =	sadd.s32 $0x10000, s12;
	s9 =	sadd.s32 $0x4E00, s9  }
0xe: {  	s10 =	sshrl.u32 s12, $0x3;
	s7 =	sadd.s32 $0x41200, s8;
	s8 =	smax.u32 s11, $0x1  }
0xf: {  	s11 =	simm.s32 $0x1;
	s12 =	sshrl.u32 s13, $0x3;
	s13 =	sshrl.u32 s14, $0x3  }
0x10: {  	s14 =	sshrl.u32 s15, $0x3;
	s15 =	sshrl.u32 s16, $0x3;
	s16 =	simm.s32 $0x14000  }
.LBB2_1:
0x11: {  	[spmem:s10], [sflag:s6] =	dma.local [hbm:s5], $0x800  }
0x12: {  	_ =	swait.ge [sflag:s11], $0x800  }
0x13: {  	[sflag:s11] =	ssyncset.done $0x0  }
0x14: {  	[sflag:s11] =	ssyncadd.s32 $0xFFFFF800  }
0x15: {  	[spmem:s12], [sflag:s6] =	dma.local [hbm:s5], $0x800  }
0x16: {  	_ =	swait.ge [sflag:s11], $0x800  }
0x17: {  	[sflag:s11] =	ssyncset.done $0x0  }
0x18: {  	[sflag:s11] =	ssyncadd.s32 $0xFFFFF800  }
0x19: {  	[spmem:s13], [sflag:s6] =	dma.local [hbm:s5], $0x800  }
0x1a: {  	_ =	swait.ge [sflag:s11], $0x800  }
0x1b: {  	[sflag:s11] =	ssyncset.done $0x0  }
0x1c: {  	[sflag:s11] =	ssyncadd.s32 $0xFFFFF800  }
0x1d: {  	[spmem:s14], [sflag:s6] =	dma.local [hbm:s5], $0x800  }
0x1e: {  	_ =	swait.ge [sflag:s11], $0x800  }
0x1f: {  	[sflag:s11] =	ssyncset.done $0x0  }
0x20: {  	[sflag:s11] =	ssyncadd.s32 $0xFFFFF800  }
0x21: {  	[spmem:s15], [sflag:s6] =	dma.local [hbm:s5], $0x800  }
0x22: {  	_ =	swait.ge [sflag:s11], $0x800  }
0x23: {  	[sflag:s11] =	ssyncset.done $0x0  }
0x24: {  	[sflag:s11] =	ssyncadd.s32 $0xFFFFF800  }
0x25: {  	s21 =	sadd.s32 $0x0, s9;
	[bflag:$0x0] =	sbarrier.arrive $0xFFFF  }
0x26: {  	[tilespmem:s16], [sflag:$0x1] =	stream.linear.gather [hbm4b:s21+s3], $0x100, $0x38;
	[tilespmem:$0x18100] =	vst v63  }
0x27: {  	_ =	swait.ge [sflag:s11], $0x100  }
0x28: {  	[sflag:s11] =	ssyncset.done $0x0  }
0x29: {  	[sflag:s11] =	ssyncadd.s32 $0xFFFFFF00  }
0x2a: {  	[tilespmem:s18], [sflag:$0x1] =	stream.indirect.gather [hbm4b:s4+s17], $0x80, s16, s17, $0xb8;
	[tilespmem:$0x18100] =	vst v63  }
0x2b: {  	_ =	swait.ge [sflag:s11], $0x4000  }
0x2c: {  	[sflag:s11] =	ssyncset.done $0x0  }
0x2d: {  	[sflag:s11] =	ssyncadd.s32 $0xFFFFC000  }
0x2e: {  	[spmem:s1] =	stream.indirect.scatter.add.f32 [tilespmem:s18], [sflag:$0x1], $0x80, s19, s17, $0xb8;
	[tilespmem:$0x18100] =	vst v63  }
0x2f: {  	_ =	swait.ge [sflag:s11], $0x4000  }
0x30: {  	s22 =	simm.s32 $0x40;
	s21 =	simm.s32 $0x20;
	[sflag:s11] =	ssyncset.done $0x0  }
.LBB2_2:
0x31: {  	s23 =	sadd.s32 s21, s9  }
0x32: {  	[sflag:s11] =	ssyncadd.s32 $0xFFFFC000;
	s21 =	smov.u32 s22;
	s24 =	sadd.s32 $0x20, s22  }
0x33: {  	[tilespmem:s16], [sflag:$0x1] =	stream.linear.gather [hbm4b:s23+s3], $0x100, $0x38;
	[tilespmem:$0x18100] =	vst v63  }
0x34: {  	p0 =	sne.s32 s22, $0x9C0;
	_ =	swait.ge [sflag:s11], $0x100  }
0x35: {  	[sflag:s11] =	ssyncset.done $0x0  }
0x36: {  	[sflag:s11] =	ssyncadd.s32 $0xFFFFFF00  }
0x37: {  	[tilespmem:s18], [sflag:$0x1] =	stream.indirect.gather [hbm4b:s4+s17], $0x80, s16, s17, $0xb8;
	[tilespmem:$0x18100] =	vst v63  }
0x38: {  	_ =	swait.ge [sflag:s11], $0x4000  }
.Ltmp0:
0x39: {  	[sflag:s11] =	ssyncset.done $0x0;
	(pc) =	sbr.rel @p0 .LBB2_2-.Ltmp0, $4  }
0x3a: {  	[sflag:s11] =	ssyncadd.s32 $0xFFFFC000  }
0x3b: {  	[spmem:s1] =	stream.indirect.scatter.add.f32 [tilespmem:s18], [sflag:$0x1], $0x80, s19, s17, $0xb8;
	[tilespmem:$0x18100] =	vst v63  }
0x3c: {  	_ =	swait.ge [sflag:s11], $0x4000  }
0x3d: {  	s22 =	smov.u32 s24;
	[sflag:s11] =	ssyncset.done $0x0  }
0x3e: {  	s21 =	sadd.s32 s21, s9;
	[sflag:s11] =	ssyncadd.s32 $0xFFFFC000  }
0x3f: {  	[tilespmem:s16], [sflag:$0x1] =	stream.linear.gather [hbm4b:s21+s3], $0x100, $0x38;
	[tilespmem:$0x18100] =	vst v63  }
0x40: {  	_ =	swait.ge [sflag:s11], $0x100  }
0x41: {  	[sflag:s11] =	ssyncset.done $0x0  }
0x42: {  	[sflag:s11] =	ssyncadd.s32 $0xFFFFFF00  }
0x43: {  	[tilespmem:s18], [sflag:$0x1] =	stream.indirect.gather [hbm4b:s4+s17], $0x80, s16, s17, $0xb8;
	[tilespmem:$0x18100] =	vst v63  }
0x44: {  	_ =	swait.ge [sflag:s11], $0x4000  }
0x45: {  	[sflag:s11] =	ssyncset.done $0x0  }
0x46: {  	[sflag:s11] =	ssyncadd.s32 $0xFFFFC000  }
0x47: {  	[spmem:s1] =	stream.indirect.scatter.add.f32 [tilespmem:s18], [sflag:$0x1], $0x80, s19, s17, $0xb8;
	[tilespmem:$0x18100] =	vst v63  }
0x48: {  	_ =	swait.ge [sflag:s11], $0x4000  }
0x49: {  	s20 =	sadd.s32 $0x1, s20;
	[sflag:s11] =	ssyncset.done $0x0  }
0x4a: {  	p0 =	sne.s32 s20, s8;
	[sflag:s11] =	ssyncadd.s32 $0xFFFFC000  }
.Ltmp1:
0x4b: {  	[bflag:$0x0] =	sbarrier.arrive $0xFFFF;
	(pc) =	sbr.rel @p0 .LBB2_1-.Ltmp1, $4  }
0x4c: {  	[hbm:s7], [sflag:s6] =	dma.local [spmem:s10], $0x2800  }
0x4d: {  	_ =	swait.ge [sflag:s11], $0x2800  }
0x4e: {  	[sflag:s11] =	ssyncset.done $0x0  }
0x4f: {  	[sflag:s11] =	ssyncadd.s32 $0xFFFFD800  }
0x50: {  	_ =	sfence.sel $0x180000  }
0x51: {  	[bflag:$0x0] =	sbarrier.arrive $0xFFFF  }
0x52: {  	p0 =	sne.s32 s2, $0x0;
	_ =	strace $0x9000004D  }
0x53: {  	s0 =	sadd.s32 @!p0 $0x100000, s0;
	[bflag:$0x2] =	sbarrier.arrive $0xFFFF  }
0x54: {  	[sflag:s0] =	ssyncadd.tile.s32 @!p0 $0x1;
	_ =	shalt  }
.Lfunc_end2:
_tile_overlayer_lowered:
.L_overlay_start_2:
0x55: {  	(tag) =	ssettag $0x2  }
0x56: {  	s0 =	rddreg [dreg:$0x0];
	s2 =	stileid.u32  }
0x57: {  	s1 =	rddreg [dreg:$0x1];
	p0 =	sne.s32 s2, $0x0  }
0x58: {  	s3 =	rddreg [dreg:$0x2];
	[bflag:$0x3] =	sbarrier.arrive $0xFFFF;
	s2 =	simm.s32 @!p0 $0x1C01  }
0x59: {  	[timem:s3], [sflag:s2] =	dma.local @!p0 [hbm:s0], s1  }
0x5a: {  	s0 =	simm.s32 @!p0 $0x1  }
0x5b: {  	_ =	swait.ge @!p0 [sflag:s0], s1  }
0x5c: {  	s1 =	ssub.s32 @!p0 $0x0, s1;
	[sflag:s0] =	ssyncset.done @!p0 $0x0  }
0x5d: {  	[sflag:s0] =	ssyncadd.s32 @!p0 s1  }
0x5e: {  	[bflag:$0x3] =	sbarrier.arrive $0xFFFF  }
0x5f: {  	_ =	shalt  }

// kernel: kernel.19.cloned.1.call-start
scs
__scs_entry_jumppad:
0x0: {  	(pc) =	sbr.rel $0x88, $3  }
0x1: {  	(tag) =	ssettag $0x0;
	lr =	simm.s32 $0x1  }
0x2: {  	[smem:$0x3F91] =	sst lr;
	_ =	strace $0xD0000000  }
0x3: {  	_ = 	snop  }
0x4: {  	_ = 	snop  }
0x5: {  	_ = 	snop  }
0x6: {  	_ = 	snop  }
0x7: {  	_ = 	snop  }
__scs_overlays_trampoline_lowered:
0x8: {  	[smem:$0x3FA0] =	sst s0  }
0x9: {  	[smem:$0x3FA1] =	sst s1  }
0xa: {  	[smem:$0x3FA2] =	sst s2  }
0xb: {  	[smem:$0x3FA3] =	sst s3  }
0xc: {  	[smem:$0x3FA4] =	sst s4  }
0xd: {  	[smem:$0x3FA5] =	sst s5  }
0xe: {  	[smem:$0x3FA6] =	sst s6  }
0xf: {  	[smem:$0x3FA7] =	sst s7  }
0x10: {  	[smem:$0x3FA8] =	sst s8  }
0x11: {  	[smem:$0x3FA9] =	sst s9;
	s0 =	simm.s32 @!p0 $0x0  }
0x12: {  	s1 =	sld [smem:$0x3F8F];
	s0 =	simm.s32 @p0 $0x1  }
0x13: {  	[smem:$0x3FAA] =	sst s0;
	s0 =	simm.s32 @!p1 $0x0  }
0x14: {  	s2 =	sld [smem:$0x3F8E];
	s0 =	simm.s32 @p1 $0x1  }
0x15: {  	[smem:$0x3FAB] =	sst s0;
	s0 =	simm.s32 @!p2 $0x0  }
0x16: {  	s3 =	sld [smem:$0x3FDB];
	s0 =	simm.s32 @p2 $0x1  }
0x17: {  	s4 =	simm.s32 $0x1BF5;
	[smem:$0x3FAD] =	sst s0  }
0x18: {  	s0 =	sld [smem:$0x3F90];
	_ =	swait.ge [sflag:s4], $0x0  }
0x19: {  	s7 =	sld [smem:$0x3F91]  }
0x1a: {  	s8 =	sadd.s32 $0xFFFFE003, lr  }
0x1b: {  	s9 =	sadd.s32 $0xFFFFFEF7, lr;
	s5 =	simm.s32 $0xFFFFFFFF;
	p2 =	slt.u32 s8, $0xFFFFF086  }
0x1c: {  	p1 =	slt.u32 s9, $0xF7A;
	s5 =	simm.s32 @!p2 $0x0  }
0x1d: {  	s5 =	simm.s32 @p1 $0x1;
	p0 =	seq.s32 s7, s2  }
0x1e: {  	s7 =	smul.u32 @!p0 $0xF7A, s2;
	p2 =	seq.s32 @!p0 s5, $0x0  }
0x1f: {  	s9 =	smul.u32 $0xF7A, s1;
	s8 =	simm.s32 @!p0 $0x1BF5;
	p2 =	por !p2, p0  }
0x20: {  	[sflag:s8] =	ssyncset.s32 @!p0 $0xFFFFF086;
	s6 =	sadd.s32 @!p0 s3, s7;
	s7 =	simm.s32 @!p0 $0x108  }
0x21: {  	s3 =	sadd.s32 s3, s9;
	s6 =	sadd.s32 @!p0 $0x88, s6;
	s7 =	simm.s32 @p2 $0x1082  }
0x22: {  	[simem:s7], [sflag:s8] =	dma.local @!p0 [hbm:s6], $0xF7A  }
0x23: {  	s9 =	sor.u32 $0xD0000000, s2;
	s6 =	simm.s32 $0x108;
	_ =	swait.ge @!p0 [sflag:s8], $0x0  }
0x24: {  	s3 =	sadd.s32 $0x88, s3;
	s6 =	simm.s32 @!p1 $0x1082;
	[sflag:s4] =	ssyncset.s32 $0xFFFFF086  }
0x25: {  	[simem:s6], [sflag:s4] =	dma.local [hbm:s3], $0xF7A  }
0x26: {  	[smem:$0x3F91] =	sst s1;
	(tag) =	ssettag s2;
	_ =	strace s9  }
0x27: {  	s1 =	sld [smem:$0x3FA1]  }
0x28: {  	s2 =	sld [smem:$0x3FA2]  }
0x29: {  	s4 =	sld [smem:$0x3FA4]  }
0x2a: {  	p0 =	seq.s32 s5, $0x0;
	s5 =	sld [smem:$0x3FA5]  }
0x2b: {  	s6 =	sld [smem:$0x3FA6]  }
0x2c: {  	s7 =	sld [smem:$0x3FA7]  }
0x2d: {  	s3 =	simm.s32 $0x108;
	s8 =	sld [smem:$0x3FA8]  }
0x2e: {  	s3 =	simm.s32 @!p0 $0x1082;
	s9 =	sld [smem:$0x3FA9]  }
0x2f: {  	lr =	sadd.s32 s0, s3;
	s0 =	sld [smem:$0x3FA0]  }
0x30: {  	s3 =	sld [smem:$0x3FA3]  }
0x31: {  	[smem:$0x3FAC] =	sst s10  }
0x32: {  	s10 =	sld [smem:$0x3FAA];
	_ =	sdelay $0x3  }
0x33: {  	p0 =	seq.s32 s10, $0x1;
	s10 =	sld [smem:$0x3FAC];
	_ =	sdelay $0x3  }
0x34: {  	[smem:$0x3FAC] =	sst s10  }
0x35: {  	s10 =	sld [smem:$0x3FAB];
	_ =	sdelay $0x3  }
0x36: {  	p1 =	seq.s32 s10, $0x1;
	s10 =	sld [smem:$0x3FAC];
	_ =	sdelay $0x3  }
0x37: {  	[smem:$0x3FAC] =	sst s10  }
0x38: {  	s10 =	sld [smem:$0x3FAD]  }
0x39: {  	_ = 	snop;
	(pc) =	sbr.ind lr, $3  }
0x3a: {  	_ = 	snop  }
0x3b: {  	_ = 	snop  }
0x3c: {  	p2 =	seq.s32 s10, $0x1;
	s10 =	sld [smem:$0x3FAC]  }
0x3d: {  	_ =	shalt  }
0x3e: {  	_ =	shalt  }
0x3f: {  	_ =	shalt  }
0x40: {  	_ =	shalt  }
0x41: {  	_ =	shalt  }
0x42: {  	_ =	shalt  }
0x43: {  	_ =	shalt  }
0x44: {  	_ =	shalt  }
0x45: {  	_ =	shalt  }
0x46: {  	_ =	shalt  }
0x47: {  	_ =	shalt  }
0x48: {  	_ =	shalt  }
0x49: {  	_ =	shalt  }
0x4a: {  	_ =	shalt  }
0x4b: {  	_ =	shalt  }
0x4c: {  	_ =	shalt  }
0x4d: {  	_ =	shalt  }
0x4e: {  	_ =	shalt  }
0x4f: {  	_ =	shalt  }
0x50: {  	_ =	shalt  }
0x51: {  	_ =	shalt  }
0x52: {  	_ =	shalt  }
0x53: {  	_ =	shalt  }
0x54: {  	_ =	shalt  }
0x55: {  	_ =	shalt  }
0x56: {  	_ =	shalt  }
0x57: {  	_ =	shalt  }
0x58: {  	_ =	shalt  }
0x59: {  	_ =	shalt  }
0x5a: {  	_ =	shalt  }
0x5b: {  	_ =	shalt  }
0x5c: {  	_ =	shalt  }
0x5d: {  	_ =	shalt  }
0x5e: {  	_ =	shalt  }
0x5f: {  	_ =	shalt  }
0x60: {  	_ =	shalt  }
0x61: {  	_ =	shalt  }
0x62: {  	_ =	shalt  }
0x63: {  	_ =	shalt  }
0x64: {  	_ =	shalt  }
0x65: {  	_ =	shalt  }
0x66: {  	_ =	shalt  }
0x67: {  	_ =	shalt  }
0x68: {  	_ =	shalt  }
0x69: {  	_ =	shalt  }
0x6a: {  	_ =	shalt  }
0x6b: {  	_ =	shalt  }
0x6c: {  	_ =	shalt  }
0x6d: {  	_ =	shalt  }
0x6e: {  	_ =	shalt  }
0x6f: {  	_ =	shalt  }
0x70: {  	_ =	shalt  }
0x71: {  	_ =	shalt  }
0x72: {  	_ =	shalt  }
0x73: {  	_ =	shalt  }
0x74: {  	_ =	shalt  }
0x75: {  	_ =	shalt  }
0x76: {  	_ =	shalt  }
0x77: {  	_ =	shalt  }
0x78: {  	_ =	shalt  }
0x79: {  	_ =	shalt  }
0x7a: {  	_ =	shalt  }
0x7b: {  	_ =	shalt  }
0x7c: {  	_ =	shalt  }
0x7d: {  	_ =	shalt  }
0x7e: {  	_ =	shalt  }
0x7f: {  	_ =	shalt  }
0x80: {  	_ =	shalt  }
0x81: {  	_ =	shalt  }
0x82: {  	_ =	shalt  }
0x83: {  	_ =	shalt  }
0x84: {  	_ =	shalt  }
0x85: {  	_ =	shalt  }
0x86: {  	_ =	shalt  }
0x87: {  	_ =	shalt  }
.Lfunc_end0:
.L_simem_size_0:
called_computation.3_lowered:
.L_overlay_start_0:
0x88: {  	s2 =	sld [smem:$0x3FD9]  }
0x89: {  	s3 =	sld [smem:$0x3FFE];
	_ =	sdelay $0x1  }
0x8a: {  	s1 =	srdreg.scid  }
0x8b: {  	s0 =	sand.u32 $0x1, s1  }
0x8c: {  	s16 =	sshll.u32 s0, $0xA;
	s2 =	sadd.s32 s3, s2  }
0x8d: {  	s2 =	sadd.s32 s2, s16  }
0x8e: {  	[smem:$0x3FB8] =	sst s2  }
0x8f: {  	_ = 	snop  }
0x90: {  	(tm) =	ssettm $0x1  }
0x91: {  	s17 =	sld [smem:$0x3FFB];
	_ =	sdelay $0x3  }
0x92: {  	_ =	strace s17  }
0x93: {  	s2 =	sld [smem:$0x3FFC];
	_ =	sdelay $0x3  }
0x94: {  	_ =	strace s2  }
0x95: {  	s2 =	sld [smem:$0x3FFD];
	_ =	sdelay $0x3  }
0x96: {  	_ =	strace s2  }
0x97: {  	_ =	strace $0x8FFFFFFF  }
0x98: {  	s18 =	sld [smem:$0x3FDB];
	_ =	sdelay $0x1  }
0x99: {  	s19 =	simm.s32 $_scs_section_size  }
0x9a: {  	s4 =	simm.s32 $_size__tile_overlayer_lowered;
	s5 =	simm.s32 $_tile_overlayer_lowered  }
0x9b: {  	s22 =	simm.s32 $0x1BFF;
	s21 =	sshll.u32 s5, $0x1;
	s2 =	sadd.s32 s19, s18  }
0x9c: {  	s6 =	simm.s32 $0x0;
	s20 =	sshll.u32 s4, $0x1;
	s4 =	sadd.s32 s21, s2  }
0x9d: {  	[timem:s6], [sflag:s22] =	dma.local [hbm:s4], s20  }
0x9e: {  	_ =	swait.ge [sflag:s22], s20  }
0x9f: {  	s3 =	ssub.s32 $0x0, s20;
	[sflag:s22] =	ssyncset.done $0x0  }
0xa0: {  	[sflag:s22] =	ssyncadd.s32 s3;
	_ =	sdelay $0x1  }
0xa1: {  	s23 =	simm.s32 $0x1B8B  }
0xa2: {  	_ =	swait.ge [sflag:s23], $0x1  }
0xa3: {  	[sflag:s23] =	ssyncset.done $0x0  }
0xa4: {  	s25 =	simm.s32 $0x1B8E;
	s24 =	sld [smem:$0x3FFE];
	[sflag:s23] =	ssyncadd.s32 $0xFFFFFFFF  }
0xa5: {  	s26 =	simm.s32 $execute0_lowered;
	[smem:$0x3FD2] =	sst s25  }
0xa6: {  	s4 =	sshll.u32 s26, $0x1;
	_ =	strace $0x8000004F;
	[dreg:$0x1] =	wrdreg $0xFFFFFFFF  }
0xa7: {  	s28 =	simm.s32 $_size_execute0_lowered;
	s2 =	sadd.s32 s2, s4;
	[dreg:$0x0] =	wrdreg $0x0  }
0xa8: {  	s4 =	sshll.u32 s28, $0x1;
	[dreg:$0x2] =	wrdreg s2  }
0xa9: {  	[dreg:$0x3] =	wrdreg s4  }
0xaa: {  	[dreg:$0x4] =	wrdreg $0xC0  }
0xab: {  	_ =	task [dreg:s6], $0x5FFFF  }
0xac: {  	[dreg:$0x1] =	wrdreg $0xFFFFFFFF  }
0xad: {  	[dreg:$0x0] =	wrdreg $0x60  }
0xae: {  	[dreg:$0x2] =	wrdreg s24  }
0xaf: {  	[dreg:$0x3] =	wrdreg $0x0  }
0xb0: {  	[dreg:$0x4] =	wrdreg $0x9  }
0xb1: {  	_ =	task.clear_ibuf [dreg:s6], $0x5FFFF;
	_ =	strace $0x9000004F  }
0xb2: {  	s29 =	simm.s32 $0x9;
	_ =	strace $0x80000051  }
0xb3: {  	_ =	swait.ge [sflag:s29], $0x1  }
0xb4: {  	[sflag:s29] =	ssyncadd.s32 $0xFFFFFFFF  }
0xb5: {  	_ =	strace $0x90000051  }
0xb6: {  	_ =	sfence  }
0xb7: {  	s30 =	sld [smem:$0x0];
	_ =	sdelay $0x2  }
0xb8: {  	s31 =	sshll.u32 s1, $0xD;
	s1 =	sshrl.u32 s1, $0x2  }
0xb9: {  	s3 =	sand.u32 $0x4000, s31;
	s1 =	sadd.s32 s1, s30  }
0xba: {  	s0 =	sor.u32 s3, s0;
	s1 =	sshll.u32 s1, $0x11  }
0xbb: {  	s0 =	sor.u32 s1, s0  }
0xbc: {  	s0 =	sadd.s32 $0x8F2B, s0  }
0xbd: {  	[sflag:s0] =	ssyncadd.remote.s32 $0x1  }
0xbe: {  	_ =	sfence.sel $0xFFFF  }
0xbf: {  	[dreg:$0x0] =	wrdreg $0xFFFFFFFF;
	(pc) =	sbr.abs _section_cstart, $3  }
0xc0: {  	[dreg:$0x1] =	wrdreg $0xFFFFFFFF  }
0xc1: {  	_ =	task.clear_ibuf [dreg:s6], $0x2FFFF;
	_ =	strace $0x9FFFFFFF  }
0xc2: {  	(tm) =	ssettm $0x7FFFFFFF  }
0xc3: {  	_ =	shalt  }
tec
execute0_lowered:
.L_overlay_start_1:
0x0: {  	(tag) =	ssettag $0x1  }
0x1: {  	s6 =	rddreg [dreg:$0x0]  }
0x2: {  	s0 =	srdreg.scid;
	s1 =	rddreg [dreg:$0x1];
	s3 =	simm.s32 $0x0  }
0x3: {  	s2 =	stileid.u32;
	s17 =	simm.s32 $0x80;
	s18 =	simm.s32 $0x14100  }
0x4: {  	s19 =	simm.s32 $0x14080;
	s20 =	simm.s32 $0x0;
	s9 =	smul.u32 $0x14000, s2  }
0x5: {  	s7 =	sand.u32 $0x1, s0;
	s0 =	rddreg [dreg:$0x2];
	s28 =	smul.u32 $0x50000, s2  }
0x6: {  	[smem:$0x7FF] =	sst s3;
	s4 =	sadd.s32 $0x18A00, s6;
	s5 =	smul.u32 $0x9E00, s7  }
0x7: {  	s30 =	sshll.u32 s2, $0x6;
	s8 =	smul.u32 $0x140000, s7;
	s7 =	ssub.s32 $0x2, s7  }
0x8: {  	s31 =	smul.u32 $0x9E0, s2;
	_ =	strace $0x80000050;
	s29 =	sshrl.u32 s7, $0x1  }
0x9: {  	s10 =	sadd.s32 s5, s6;
	s8 =	sadd.s32 s9, s8;
	s5 =	sadd.s32 $0x40A00, s6  }
0xa: {  	s9 =	sshrl.u32 s28, $0x2;
	s11 =	ssub.s32 s7, s29;
	s8 =	sshrl.u32 s8, $0x3  }
0xb: {  	s12 =	sadd.s32 s9, s1;
	s9 =	sadd.s32 s31, s10;
	s8 =	sadd.s32 s8, s6  }
0xc: {  	s6 =	sor.u32 $0x1C01, s30;
	s13 =	sadd.s32 $0x4000, s12;
	s14 =	sadd.s32 $0x8000, s12  }
0xd: {  	s15 =	sadd.s32 $0xC000, s12;
	s16 =	sadd.s32 $0x10000, s12;
	s9 =	sadd.s32 $0x4E00, s9  }
0xe: {  	s10 =	sshrl.u32 s12, $0x3;
	s7 =	sadd.s32 $0x41200, s8;
	s8 =	smax.u32 s11, $0x1  }
0xf: {  	s11 =	simm.s32 $0x1;
	s12 =	sshrl.u32 s13, $0x3;
	s13 =	sshrl.u32 s14, $0x3  }
0x10: {  	s14 =	sshrl.u32 s15, $0x3;
	s15 =	sshrl.u32 s16, $0x3;
	s16 =	simm.s32 $0x14000  }
.LBB2_1:
0x11: {  	[spmem:s10], [sflag:s6] =	dma.local [hbm:s5], $0x800  }
0x12: {  	_ =	swait.ge [sflag:s11], $0x800  }
0x13: {  	[sflag:s11] =	ssyncset.done $0x0  }
0x14: {  	[sflag:s11] =	ssyncadd.s32 $0xFFFFF800  }
0x15: {  	[spmem:s12], [sflag:s6] =	dma.local [hbm:s5], $0x800  }
0x16: {  	_ =	swait.ge [sflag:s11], $0x800  }
0x17: {  	[sflag:s11] =	ssyncset.done $0x0  }
0x18: {  	[sflag:s11] =	ssyncadd.s32 $0xFFFFF800  }
0x19: {  	[spmem:s13], [sflag:s6] =	dma.local [hbm:s5], $0x800  }
0x1a: {  	_ =	swait.ge [sflag:s11], $0x800  }
0x1b: {  	[sflag:s11] =	ssyncset.done $0x0  }
0x1c: {  	[sflag:s11] =	ssyncadd.s32 $0xFFFFF800  }
0x1d: {  	[spmem:s14], [sflag:s6] =	dma.local [hbm:s5], $0x800  }
0x1e: {  	_ =	swait.ge [sflag:s11], $0x800  }
0x1f: {  	[sflag:s11] =	ssyncset.done $0x0  }
0x20: {  	[sflag:s11] =	ssyncadd.s32 $0xFFFFF800  }
0x21: {  	[spmem:s15], [sflag:s6] =	dma.local [hbm:s5], $0x800  }
0x22: {  	_ =	swait.ge [sflag:s11], $0x800  }
0x23: {  	[sflag:s11] =	ssyncset.done $0x0  }
0x24: {  	[sflag:s11] =	ssyncadd.s32 $0xFFFFF800  }
0x25: {  	s21 =	sadd.s32 $0x0, s9;
	[bflag:$0x0] =	sbarrier.arrive $0xFFFF  }
0x26: {  	[tilespmem:s16], [sflag:$0x1] =	stream.linear.gather [hbm4b:s21+s3], $0x100, $0x38;
	[tilespmem:$0x18100] =	vst v63  }
0x27: {  	_ =	swait.ge [sflag:s11], $0x100  }
0x28: {  	[sflag:s11] =	ssyncset.done $0x0  }
0x29: {  	[sflag:s11] =	ssyncadd.s32 $0xFFFFFF00  }
0x2a: {  	[tilespmem:s18], [sflag:$0x1] =	stream.indirect.gather [hbm4b:s4+s17], $0x80, s16, s17, $0xb8;
	[tilespmem:$0x18100] =	vst v63  }
0x2b: {  	_ =	swait.ge [sflag:s11], $0x4000  }
0x2c: {  	[sflag:s11] =	ssyncset.done $0x0  }
0x2d: {  	[sflag:s11] =	ssyncadd.s32 $0xFFFFC000  }
0x2e: {  	[spmem:s1] =	stream.indirect.scatter.add.f32 [tilespmem:s18], [sflag:$0x1], $0x80, s19, s17, $0xb8;
	[tilespmem:$0x18100] =	vst v63  }
0x2f: {  	_ =	swait.ge [sflag:s11], $0x4000  }
0x30: {  	s22 =	simm.s32 $0x40;
	s21 =	simm.s32 $0x20;
	[sflag:s11] =	ssyncset.done $0x0  }
.LBB2_2:
0x31: {  	s23 =	sadd.s32 s21, s9  }
0x32: {  	[sflag:s11] =	ssyncadd.s32 $0xFFFFC000;
	s21 =	smov.u32 s22;
	s24 =	sadd.s32 $0x20, s22  }
0x33: {  	[tilespmem:s16], [sflag:$0x1] =	stream.linear.gather [hbm4b:s23+s3], $0x100, $0x38;
	[tilespmem:$0x18100] =	vst v63  }
0x34: {  	p0 =	sne.s32 s22, $0x9C0;
	_ =	swait.ge [sflag:s11], $0x100  }
0x35: {  	[sflag:s11] =	ssyncset.done $0x0  }
0x36: {  	[sflag:s11] =	ssyncadd.s32 $0xFFFFFF00  }
0x37: {  	[tilespmem:s18], [sflag:$0x1] =	stream.indirect.gather [hbm4b:s4+s17], $0x80, s16, s17, $0xb8;
	[tilespmem:$0x18100] =	vst v63  }
0x38: {  	_ =	swait.ge [sflag:s11], $0x4000  }
.Ltmp0:
0x39: {  	[sflag:s11] =	ssyncset.done $0x0;
	(pc) =	sbr.rel @p0 .LBB2_2-.Ltmp0, $4  }
0x3a: {  	[sflag:s11] =	ssyncadd.s32 $0xFFFFC000  }
0x3b: {  	[spmem:s1] =	stream.indirect.scatter.add.f32 [tilespmem:s18], [sflag:$0x1], $0x80, s19, s17, $0xb8;
	[tilespmem:$0x18100] =	vst v63  }
0x3c: {  	_ =	swait.ge [sflag:s11], $0x4000  }
0x3d: {  	s22 =	smov.u32 s24;
	[sflag:s11] =	ssyncset.done $0x0  }
0x3e: {  	s21 =	sadd.s32 s21, s9;
	[sflag:s11] =	ssyncadd.s32 $0xFFFFC000  }
0x3f: {  	[tilespmem:s16], [sflag:$0x1] =	stream.linear.gather [hbm4b:s21+s3], $0x100, $0x38;
	[tilespmem:$0x18100] =	vst v63  }
0x40: {  	_ =	swait.ge [sflag:s11], $0x100  }
0x41: {  	[sflag:s11] =	ssyncset.done $0x0  }
0x42: {  	[sflag:s11] =	ssyncadd.s32 $0xFFFFFF00  }
0x43: {  	[tilespmem:s18], [sflag:$0x1] =	stream.indirect.gather [hbm4b:s4+s17], $0x80, s16, s17, $0xb8;
	[tilespmem:$0x18100] =	vst v63  }
0x44: {  	_ =	swait.ge [sflag:s11], $0x4000  }
0x45: {  	[sflag:s11] =	ssyncset.done $0x0  }
0x46: {  	[sflag:s11] =	ssyncadd.s32 $0xFFFFC000  }
0x47: {  	[spmem:s1] =	stream.indirect.scatter.add.f32 [tilespmem:s18], [sflag:$0x1], $0x80, s19, s17, $0xb8;
	[tilespmem:$0x18100] =	vst v63  }
0x48: {  	_ =	swait.ge [sflag:s11], $0x4000  }
0x49: {  	s20 =	sadd.s32 $0x1, s20;
	[sflag:s11] =	ssyncset.done $0x0  }
0x4a: {  	p0 =	sne.s32 s20, s8;
	[sflag:s11] =	ssyncadd.s32 $0xFFFFC000  }
.Ltmp1:
0x4b: {  	[bflag:$0x0] =	sbarrier.arrive $0xFFFF;
	(pc) =	sbr.rel @p0 .LBB2_1-.Ltmp1, $4  }
0x4c: {  	[hbm:s7], [sflag:s6] =	dma.local [spmem:s10], $0x2800  }
0x4d: {  	_ =	swait.ge [sflag:s11], $0x2800  }
0x4e: {  	[sflag:s11] =	ssyncset.done $0x0  }
0x4f: {  	[sflag:s11] =	ssyncadd.s32 $0xFFFFD800  }
0x50: {  	_ =	sfence.sel $0x180000  }
0x51: {  	[bflag:$0x0] =	sbarrier.arrive $0xFFFF  }
0x52: {  	p0 =	sne.s32 s2, $0x0;
	_ =	strace $0x90000050  }
0x53: {  	s0 =	sadd.s32 @!p0 $0x100000, s0;
	[bflag:$0x2] =	sbarrier.arrive $0xFFFF  }
0x54: {  	[sflag:s0] =	ssyncadd.tile.s32 @!p0 $0x1;
	_ =	shalt  }
.Lfunc_end2:
_tile_overlayer_lowered:
.L_overlay_start_2:
0x55: {  	(tag) =	ssettag $0x2  }
0x56: {  	s0 =	rddreg [dreg:$0x0];
	s2 =	stileid.u32  }
0x57: {  	s1 =	rddreg [dreg:$0x1];
	p0 =	sne.s32 s2, $0x0  }
0x58: {  	s3 =	rddreg [dreg:$0x2];
	[bflag:$0x3] =	sbarrier.arrive $0xFFFF;
	s2 =	simm.s32 @!p0 $0x1C01  }
0x59: {  	[timem:s3], [sflag:s2] =	dma.local @!p0 [hbm:s0], s1  }
0x5a: {  	s0 =	simm.s32 @!p0 $0x1  }
0x5b: {  	_ =	swait.ge @!p0 [sflag:s0], s1  }
0x5c: {  	s1 =	ssub.s32 @!p0 $0x0, s1;
	[sflag:s0] =	ssyncset.done @!p0 $0x0  }
0x5d: {  	[sflag:s0] =	ssyncadd.s32 @!p0 s1  }
0x5e: {  	[bflag:$0x3] =	sbarrier.arrive $0xFFFF  }
0x5f: {  	_ =	shalt  }

</sc_bundles>
